<compile_context>
chip_gen: v7x
topology: tpu7x:2x2x1
jax: 0.10.2.dev20260603
libtpu: 0.0.44.dev20260713+nightly
codegen_flags: <defaults>
</compile_context>

<pallas_src>
import functools

import jax
import jax.numpy as jnp
from jax import lax
from jax.experimental import pallas as pl
from jax.experimental.pallas import tpu as pltpu
from jax.experimental.pallas import tpu_sc as plsc

N = 10000
E = 320000
D = 128
H = 128
C = 40
CP = 48
W1A = 144

NC = 2
NS = 16
NW = NC * NS
NPAD = 10240
ROWS_PER_TILE = NPAD // NS

_f32 = jnp.float32


CHUNK = 128
NCHUNKS = E // CHUNK
NPAIRS = NCHUNKS // NW // 2


def _make_sc_agg(width):
  mesh = plsc.VectorSubcoreMesh(core_axis_name="c", subcore_axis_name="s")

  @functools.partial(
      pl.kernel,
      out_type=jax.ShapeDtypeStruct((NC, NPAD, width), _f32),
      mesh=mesh,
      compiler_params=pltpu.CompilerParams(use_tc_tiling_on_sc=False),
      scratch_types=[
          pltpu.VMEM_SHARED((NPAD, width), _f32),
          pltpu.VMEM((2, 2, CHUNK), jnp.int32),
          pltpu.VMEM((CHUNK, width), _f32),
          pltpu.VMEM((CHUNK, width), _f32),
          pltpu.SemaphoreType.DMA,
          pltpu.SemaphoreType.DMA,
          pltpu.SemaphoreType.DMA,
          pltpu.SemaphoreType.DMA,
      ],
  )
  def agg(z_hbm, edge_hbm, out_hbm, acc, idx, rows0, rows1, i0, i1, g0, g1):
    cid = lax.axis_index("c")
    sid = lax.axis_index("s")
    wid = sid * NC + cid
    r0 = sid * ROWS_PER_TILE
    pltpu.sync_copy(z_hbm.at[pl.ds(r0, ROWS_PER_TILE)],
                    acc.at[pl.ds(r0, ROWS_PER_TILE)])
    plsc.subcore_barrier()

    isems = (i0, i1)

    def load_idx(chunk_g, b):
      for h in range(2):
        pltpu.async_copy(edge_hbm.at[h, pl.ds(chunk_g * CHUNK, CHUNK)],
                         idx.at[b, h], isems[b])

    def wait_idx(b):
      for h in range(2):
        pltpu.make_async_copy(edge_hbm.at[h, pl.ds(0, CHUNK)],
                              idx.at[b, h], isems[b]).wait()

    load_idx(wid, 0)
    load_idx(wid + NW, 1)

    def body(i, carry):
      ga = wid + (2 * i) * NW
      wait_idx(0)
      pltpu.async_copy(z_hbm.at[idx.at[0, 0]], rows0, g0)
      wait_idx(1)
      pltpu.async_copy(z_hbm.at[idx.at[1, 0]], rows1, g1)
      pltpu.make_async_copy(z_hbm.at[idx.at[0, 0]], rows0, g0).wait()
      pltpu.sync_copy(rows0, acc.at[idx.at[0, 1]], add=True)

      @pl.when(i + 1 < NPAIRS)
      def _():
        load_idx(ga + 2 * NW, 0)

      pltpu.make_async_copy(z_hbm.at[idx.at[1, 0]], rows1, g1).wait()
      pltpu.sync_copy(rows1, acc.at[idx.at[1, 1]], add=True)

      @pl.when(i + 1 < NPAIRS)
      def _():
        load_idx(ga + 3 * NW, 1)

      return carry

    lax.fori_loop(0, NPAIRS, body, 0)

    @pl.when(wid < NCHUNKS - 2 * NPAIRS * NW)
    def _():
      g = wid + 2 * NPAIRS * NW
      load_idx(g, 0)
      wait_idx(0)
      pltpu.async_copy(z_hbm.at[idx.at[0, 0]], rows0, g0).wait()
      pltpu.sync_copy(rows0, acc.at[idx.at[0, 1]], add=True)

    plsc.subcore_barrier()
    pltpu.sync_copy(acc.at[pl.ds(r0, ROWS_PER_TILE)],
                    out_hbm.at[cid, pl.ds(r0, ROWS_PER_TILE)])

  return agg


_sc_agg_144 = _make_sc_agg(W1A)
_sc_agg_128 = _make_sc_agg(H)
_sc_agg_48 = _make_sc_agg(CP)

BLK = 640


def _t1(features, w1):
  def body(x_ref, w_ref, o_ref):
    mm = jnp.dot(x_ref[...], w_ref[...], preferred_element_type=_f32)
    tail = (lax.broadcasted_iota(jnp.int32, (BLK, W1A - D), 1) == 0)
    o_ref[...] = jnp.concatenate([mm, tail.astype(_f32)], axis=1)

  return pl.pallas_call(
      body,
      grid=(NPAD // BLK,),
      in_specs=[pl.BlockSpec((BLK, D), lambda i: (i, 0)),
                pl.BlockSpec((D, H), lambda i: (0, 0))],
      out_specs=pl.BlockSpec((BLK, W1A), lambda i: (i, 0)),
      out_shape=jax.ShapeDtypeStruct((NPAD, W1A), _f32),
  )(features, w1)


def _t2(p, z1a, b1, w2):
  def body(p_ref, z_ref, b_ref, w_ref, z2_ref, n_ref):
    s = p_ref[0] + p_ref[1] - z_ref[...]
    norm = 1.0 / s[:, D:D + 1]
    h = jnp.maximum(s[:, :D] * norm + b_ref[...], 0.0)
    z2_ref[...] = jnp.dot(h, w_ref[...], preferred_element_type=_f32)
    n_ref[...] = norm

  return pl.pallas_call(
      body,
      grid=(NPAD // BLK,),
      in_specs=[pl.BlockSpec((NC, BLK, W1A), lambda i: (0, i, 0)),
                pl.BlockSpec((BLK, W1A), lambda i: (i, 0)),
                pl.BlockSpec((1, H), lambda i: (0, 0)),
                pl.BlockSpec((H, H), lambda i: (0, 0))],
      out_specs=[pl.BlockSpec((BLK, H), lambda i: (i, 0)),
                 pl.BlockSpec((BLK, 1), lambda i: (i, 0))],
      out_shape=[jax.ShapeDtypeStruct((NPAD, H), _f32),
                 jax.ShapeDtypeStruct((NPAD, 1), _f32)],
  )(p, z1a, b1, w2)


def _t3(p, z2, normc, b2, w3p):
  def body(p_ref, z_ref, n_ref, b_ref, w_ref, z3_ref):
    s = p_ref[0] + p_ref[1] - z_ref[...]
    h = jnp.maximum(s * n_ref[...] + b_ref[...], 0.0)
    z3_ref[...] = jnp.dot(h, w_ref[...], preferred_element_type=_f32)

  return pl.pallas_call(
      body,
      grid=(NPAD // BLK,),
      in_specs=[pl.BlockSpec((NC, BLK, H), lambda i: (0, i, 0)),
                pl.BlockSpec((BLK, H), lambda i: (i, 0)),
                pl.BlockSpec((BLK, 1), lambda i: (i, 0)),
                pl.BlockSpec((1, H), lambda i: (0, 0)),
                pl.BlockSpec((H, CP), lambda i: (0, 0))],
      out_specs=pl.BlockSpec((BLK, CP), lambda i: (i, 0)),
      out_shape=jax.ShapeDtypeStruct((NPAD, CP), _f32),
  )(p, z2, normc, b2, w3p)


def _t4(p, z3, normc, b3p):
  def body(p_ref, z_ref, n_ref, b_ref, o_ref):
    s = p_ref[0] + p_ref[1] - z_ref[...]
    o_ref[...] = (s * n_ref[...] + b_ref[...])[:, :C]

  return pl.pallas_call(
      body,
      grid=(NPAD // BLK,),
      in_specs=[pl.BlockSpec((NC, BLK, CP), lambda i: (0, i, 0)),
                pl.BlockSpec((BLK, CP), lambda i: (i, 0)),
                pl.BlockSpec((BLK, 1), lambda i: (i, 0)),
                pl.BlockSpec((1, CP), lambda i: (0, 0))],
      out_specs=pl.BlockSpec((BLK, C), lambda i: (i, 0)),
      out_shape=jax.ShapeDtypeStruct((NPAD, C), _f32),
  )(p, z3, normc, b3p)


def kernel(features, edge_index, W1, b1, W2, b2, W3, b3):
  w3p = jnp.pad(W3, ((0, 0), (0, CP - C)))
  b3p = jnp.pad(b3, (0, CP - C)).reshape(1, CP)
  b1r = b1.reshape(1, H)
  b2r = b2.reshape(1, H)

  z1a = _t1(features, W1)
  p1 = _sc_agg_144(z1a, edge_index)
  z2, normc = _t2(p1, z1a, b1r, W2)
  p2 = _sc_agg_128(z2, edge_index)
  z3 = _t3(p2, z2, normc, b2r, w3p)
  p3 = _sc_agg_48(z3, edge_index)
  return _t4(p3, z3, normc, b3p)[:N]

# --- scband reference (transcript-rebuilt; emitter-appended) ---
"""Pipeline reference for scband-gcn-5944234737795 (READ-ONLY COPY).

The authoritative reference and input builder live on the scoring server;
editing this copy changes nothing except your own understanding.
"""

import jax, jax.numpy as jnp
import numpy as np

N = 10000
E = 320000
D = 128
H = 128
C = 40


def setup_inputs(seed: int = 0) -> dict:
    key = jax.random.key(seed)
    ks = jax.random.split(key, 9)
    features = jax.random.normal(ks[0], (N, D), dtype=jnp.float32)
    edge_index = jax.random.randint(ks[1], (2, E), 0, N, dtype=jnp.int32)
    s1 = 1.0 / np.sqrt(D)
    s2 = 1.0 / np.sqrt(H)
    W1 = jax.random.uniform(ks[2], (D, H), jnp.float32, -s1, s1)
    b1 = jax.random.uniform(ks[3], (H,), jnp.float32, -s1, s1)
    W2 = jax.random.uniform(ks[4], (H, H), jnp.float32, -s2, s2)
    b2 = jax.random.uniform(ks[5], (H,), jnp.float32, -s2, s2)
    W3 = jax.random.uniform(ks[6], (H, C), jnp.float32, -s2, s2)
    b3 = jax.random.uniform(ks[7], (C,), jnp.float32, -s2, s2)
    return {"features": features, "edge_index": edge_index,
            "W1": W1, "b1": b1, "W2": W2, "b2": b2, "W3": W3, "b3": b3}


def reference(features, edge_index, W1, b1, W2, b2, W3, b3):
    # DGL SAGEConv with aggregator_type='gcn':
    #   h_neigh = (scatter_add(h[src] -> dst) + h_self) / (in_degree + 1)
    #   out     = h_neigh @ W + b; optional activation
    # Dropout is eval-mode identity (p applied between layers in train only).
    src = edge_index[0]
    dst = edge_index[1]
    n = features.shape[0]
    deg = jnp.zeros((n,), jnp.float32).at[dst].add(1.0)
    norm = 1.0 / (deg + 1.0)

    def sage_gcn(h, W, b, act):
        agg = jnp.zeros(h.shape, h.dtype).at[dst].add(h[src])
        h_neigh = (agg + h) * norm[:, None]
        out = h_neigh @ W + b
        if act:
            out = jnp.maximum(out, 0.0)
        return out

    h = sage_gcn(features, W1, b1, True)
    h = sage_gcn(h, W2, b2, True)
    h = sage_gcn(h, W3, b3, False)
    return h

if __name__ == "__main__":
    import jax
    _d = setup_inputs()
    print(jax.jit(kernel)(*tuple(_d.values())))

</pallas_src>

<mosaic_0001>
#map = affine_map<(d0, d1) -> (0, 0)>
#map1 = affine_map<(d0, d1) -> (0, 0, 0)>
module attributes {stable_mosaic.version = 14 : i64} {
  func.func @agg(%arg0: i32, %arg1: i32, %arg2: memref<10240x48xf32, #tpu.memory_space<hbm>>, %arg3: memref<2x320000xi32, #tpu.memory_space<hbm>>, %arg4: memref<2x10240x48xf32, #tpu.memory_space<hbm>>, %arg5: memref<10240x48xf32, #tpu.memory_space<vmem_shared>>, %arg6: memref<2x2x128xi32, #tpu.memory_space<vmem>>, %arg7: memref<128x48xf32, #tpu.memory_space<vmem>>, %arg8: memref<128x48xf32, #tpu.memory_space<vmem>>, %arg9: memref<!tpu.dma_semaphore, #tpu.memory_space<semaphore_mem>>, %arg10: memref<!tpu.dma_semaphore, #tpu.memory_space<semaphore_mem>>, %arg11: memref<!tpu.dma_semaphore, #tpu.memory_space<semaphore_mem>>, %arg12: memref<!tpu.dma_semaphore, #tpu.memory_space<semaphore_mem>>) attributes {dimension_semantics = [#tpu.dimension_semantics<core_parallel>, #tpu.dimension_semantics<subcore_parallel>], iteration_bounds = array<i64: 2, 16>, scalar_prefetch = 0 : i64, scratch_operands = 8 : i64, tpu.core_type = #tpu.core_type<sc_vector_subcore>, window_params = [{transform_indices = #map}, {transform_indices = #map}, {transform_indices = #map1}]} {
    %mul3A = arith.constant 2 : i32
    %mul3A_0 = arith.muli %arg1, %mul3A : i32
    %add3A = arith.addi %mul3A_0, %arg0 : i32
    %mul3A_1 = arith.constant 640 : i32
    %mul3A_2 = arith.muli %arg1, %mul3A_1 : i32
    "tpu.region"() ({
      %run_scoped3A = tpu.sem_alloc : memref<!tpu.dma_semaphore, #tpu.memory_space<semaphore_mem>>
      %dma_start3A_72 = arith.constant 0 : i32
      %dma_start3A_73 = tpu.memref_slice %arg5[%mul3A_2, %dma_start3A_72] : memref<10240x48xf32, #tpu.memory_space<vmem_shared>> -> memref<640x48xf32, #tpu.memory_space<vmem_shared>>
      %dma_start3A_74 = arith.constant 0 : i32
      %dma_start3A_75 = tpu.memref_slice %arg2[%mul3A_2, %dma_start3A_74] : memref<10240x48xf32, #tpu.memory_space<hbm>> -> memref<640x48xf32, #tpu.memory_space<hbm>>
      tpu.enqueue_dma source(%dma_start3A_75 : memref<640x48xf32, #tpu.memory_space<hbm>>) target(%dma_start3A_73 : memref<640x48xf32, #tpu.memory_space<vmem_shared>>) target_semaphore(%run_scoped3A : memref<!tpu.dma_semaphore, #tpu.memory_space<semaphore_mem>>)
      %dma_wait3A = arith.constant 0 : i32
      %dma_wait3A_76 = tpu.memref_slice %arg5[%mul3A_2, %dma_wait3A] : memref<10240x48xf32, #tpu.memory_space<vmem_shared>> -> memref<640x48xf32, #tpu.memory_space<vmem_shared>>
      %dma_wait3A_77 = arith.constant 0 : i32
      %dma_wait3A_78 = tpu.memref_slice %arg2[%mul3A_2, %dma_wait3A_77] : memref<10240x48xf32, #tpu.memory_space<hbm>> -> memref<640x48xf32, #tpu.memory_space<hbm>>
      tpu.wait_dma2 semaphore(%run_scoped3A : memref<!tpu.dma_semaphore, #tpu.memory_space<semaphore_mem>>) src(%dma_wait3A_78 : memref<640x48xf32, #tpu.memory_space<hbm>>) dst(%dma_wait3A_76 : memref<640x48xf32, #tpu.memory_space<vmem_shared>>)
      tpu.yield
    }) : () -> ()
    %barrier3A = arith.constant 0 : index
    tpu.barrier barrier_id(%barrier3A)
    %mul3A_3 = arith.constant 128 : i32
    %mul3A_4 = arith.muli %add3A, %mul3A_3 : i32
    %dma_start3A = arith.constant 0 : i32
    %dma_start3A_5 = arith.constant 0 : i32
    %dma_start3A_6 = arith.constant 0 : i32
    %dma_start3A_7 = arith.constant 0 : i32
    %dma_start3A_8 = tpu.memref_slice %arg6[%dma_start3A_5, %dma_start3A_6, %dma_start3A_7] : memref<2x2x128xi32, #tpu.memory_space<vmem>> -> memref<1x1x128xi32, #tpu.memory_space<vmem>>
    %dma_start3A_9 = tpu.memref_squeeze %dma_start3A_8 : memref<1x1x128xi32, #tpu.memory_space<vmem>> -> memref<128xi32, #tpu.memory_space<vmem>>
    %dma_start3A_10 = tpu.memref_slice %arg3[%dma_start3A, %mul3A_4] : memref<2x320000xi32, #tpu.memory_space<hbm>> -> memref<1x128xi32, #tpu.memory_space<hbm>>
    %dma_start3A_11 = tpu.memref_squeeze %dma_start3A_10 : memref<1x128xi32, #tpu.memory_space<hbm>> -> memref<128xi32, #tpu.memory_space<hbm>>
    %dma_start3A_12 = arith.constant 0 : i32
    %dma_start3A_13 = tpu.memref_slice %arg6[%dma_start3A_5, %dma_start3A_6, %dma_start3A_12] : memref<2x2x128xi32, #tpu.memory_space<vmem>> -> memref<1x1x128xi32, #tpu.memory_space<vmem>>
    %dma_start3A_14 = tpu.memref_squeeze %dma_start3A_13 : memref<1x1x128xi32, #tpu.memory_space<vmem>> -> memref<128xi32, #tpu.memory_space<vmem>>
    %dma_start3A_15 = tpu.memref_slice %arg3[%dma_start3A, %mul3A_4] : memref<2x320000xi32, #tpu.memory_space<hbm>> -> memref<1x128xi32, #tpu.memory_space<hbm>>
    %dma_start3A_16 = tpu.memref_squeeze %dma_start3A_15 : memref<1x128xi32, #tpu.memory_space<hbm>> -> memref<128xi32, #tpu.memory_space<hbm>>
    tpu.enqueue_dma source(%dma_start3A_16 : memref<128xi32, #tpu.memory_space<hbm>>) target(%dma_start3A_14 : memref<128xi32, #tpu.memory_space<vmem>>) target_semaphore(%arg9 : memref<!tpu.dma_semaphore, #tpu.memory_space<semaphore_mem>>)
    %mul3A_17 = arith.constant 128 : i32
    %mul3A_18 = arith.muli %add3A, %mul3A_17 : i32
    %dma_start3A_19 = arith.constant 1 : i32
    %dma_start3A_20 = arith.constant 0 : i32
    %dma_start3A_21 = arith.constant 1 : i32
    %dma_start3A_22 = arith.constant 0 : i32
    %dma_start3A_23 = tpu.memref_slice %arg6[%dma_start3A_20, %dma_start3A_21, %dma_start3A_22] : memref<2x2x128xi32, #tpu.memory_space<vmem>> -> memref<1x1x128xi32, #tpu.memory_space<vmem>>
    %dma_start3A_24 = tpu.memref_squeeze %dma_start3A_23 : memref<1x1x128xi32, #tpu.memory_space<vmem>> -> memref<128xi32, #tpu.memory_space<vmem>>
    %dma_start3A_25 = tpu.memref_slice %arg3[%dma_start3A_19, %mul3A_18] : memref<2x320000xi32, #tpu.memory_space<hbm>> -> memref<1x128xi32, #tpu.memory_space<hbm>>
    %dma_start3A_26 = tpu.memref_squeeze %dma_start3A_25 : memref<1x128xi32, #tpu.memory_space<hbm>> -> memref<128xi32, #tpu.memory_space<hbm>>
    %dma_start3A_27 = arith.constant 0 : i32
    %dma_start3A_28 = tpu.memref_slice %arg6[%dma_start3A_20, %dma_start3A_21, %dma_start3A_27] : memref<2x2x128xi32, #tpu.memory_space<vmem>> -> memref<1x1x128xi32, #tpu.memory_space<vmem>>
    %dma_start3A_29 = tpu.memref_squeeze %dma_start3A_28 : memref<1x1x128xi32, #tpu.memory_space<vmem>> -> memref<128xi32, #tpu.memory_space<vmem>>
    %dma_start3A_30 = tpu.memref_slice %arg3[%dma_start3A_19, %mul3A_18] : memref<2x320000xi32, #tpu.memory_space<hbm>> -> memref<1x128xi32, #tpu.memory_space<hbm>>
    %dma_start3A_31 = tpu.memref_squeeze %dma_start3A_30 : memref<1x128xi32, #tpu.memory_space<hbm>> -> memref<128xi32, #tpu.memory_space<hbm>>
    tpu.enqueue_dma source(%dma_start3A_31 : memref<128xi32, #tpu.memory_space<hbm>>) target(%dma_start3A_29 : memref<128xi32, #tpu.memory_space<vmem>>) target_semaphore(%arg9 : memref<!tpu.dma_semaphore, #tpu.memory_space<semaphore_mem>>)
    %add3A_32 = arith.constant 32 : i32
    %add3A_33 = arith.addi %add3A, %add3A_32 : i32
    %mul3A_34 = arith.constant 128 : i32
    %mul3A_35 = arith.muli %add3A_33, %mul3A_34 : i32
    %dma_start3A_36 = arith.constant 0 : i32
    %dma_start3A_37 = arith.constant 1 : i32
    %dma_start3A_38 = arith.constant 0 : i32
    %dma_start3A_39 = arith.constant 0 : i32
    %dma_start3A_40 = tpu.memref_slice %arg6[%dma_start3A_37, %dma_start3A_38, %dma_start3A_39] : memref<2x2x128xi32, #tpu.memory_space<vmem>> -> memref<1x1x128xi32, #tpu.memory_space<vmem>>
    %dma_start3A_41 = tpu.memref_squeeze %dma_start3A_40 : memref<1x1x128xi32, #tpu.memory_space<vmem>> -> memref<128xi32, #tpu.memory_space<vmem>>
    %dma_start3A_42 = tpu.memref_slice %arg3[%dma_start3A_36, %mul3A_35] : memref<2x320000xi32, #tpu.memory_space<hbm>> -> memref<1x128xi32, #tpu.memory_space<hbm>>
    %dma_start3A_43 = tpu.memref_squeeze %dma_start3A_42 : memref<1x128xi32, #tpu.memory_space<hbm>> -> memref<128xi32, #tpu.memory_space<hbm>>
    %dma_start3A_44 = arith.constant 0 : i32
    %dma_start3A_45 = tpu.memref_slice %arg6[%dma_start3A_37, %dma_start3A_38, %dma_start3A_44] : memref<2x2x128xi32, #tpu.memory_space<vmem>> -> memref<1x1x128xi32, #tpu.memory_space<vmem>>
    %dma_start3A_46 = tpu.memref_squeeze %dma_start3A_45 : memref<1x1x128xi32, #tpu.memory_space<vmem>> -> memref<128xi32, #tpu.memory_space<vmem>>
    %dma_start3A_47 = tpu.memref_slice %arg3[%dma_start3A_36, %mul3A_35] : memref<2x320000xi32, #tpu.memory_space<hbm>> -> memref<1x128xi32, #tpu.memory_space<hbm>>
    %dma_start3A_48 = tpu.memref_squeeze %dma_start3A_47 : memref<1x128xi32, #tpu.memory_space<hbm>> -> memref<128xi32, #tpu.memory_space<hbm>>
    tpu.enqueue_dma source(%dma_start3A_48 : memref<128xi32, #tpu.memory_space<hbm>>) target(%dma_start3A_46 : memref<128xi32, #tpu.memory_space<vmem>>) target_semaphore(%arg10 : memref<!tpu.dma_semaphore, #tpu.memory_space<semaphore_mem>>)
    %mul3A_49 = arith.constant 128 : i32
    %mul3A_50 = arith.muli %add3A_33, %mul3A_49 : i32
    %dma_start3A_51 = arith.constant 1 : i32
    %dma_start3A_52 = arith.constant 1 : i32
    %dma_start3A_53 = arith.constant 1 : i32
    %dma_start3A_54 = arith.constant 0 : i32
    %dma_start3A_55 = tpu.memref_slice %arg6[%dma_start3A_52, %dma_start3A_53, %dma_start3A_54] : memref<2x2x128xi32, #tpu.memory_space<vmem>> -> memref<1x1x128xi32, #tpu.memory_space<vmem>>
    %dma_start3A_56 = tpu.memref_squeeze %dma_start3A_55 : memref<1x1x128xi32, #tpu.memory_space<vmem>> -> memref<128xi32, #tpu.memory_space<vmem>>
    %dma_start3A_57 = tpu.memref_slice %arg3[%dma_start3A_51, %mul3A_50] : memref<2x320000xi32, #tpu.memory_space<hbm>> -> memref<1x128xi32, #tpu.memory_space<hbm>>
    %dma_start3A_58 = tpu.memref_squeeze %dma_start3A_57 : memref<1x128xi32, #tpu.memory_space<hbm>> -> memref<128xi32, #tpu.memory_space<hbm>>
    %dma_start3A_59 = arith.constant 0 : i32
    %dma_start3A_60 = tpu.memref_slice %arg6[%dma_start3A_52, %dma_start3A_53, %dma_start3A_59] : memref<2x2x128xi32, #tpu.memory_space<vmem>> -> memref<1x1x128xi32, #tpu.memory_space<vmem>>
    %dma_start3A_61 = tpu.memref_squeeze %dma_start3A_60 : memref<1x1x128xi32, #tpu.memory_space<vmem>> -> memref<128xi32, #tpu.memory_space<vmem>>
    %dma_start3A_62 = tpu.memref_slice %arg3[%dma_start3A_51, %mul3A_50] : memref<2x320000xi32, #tpu.memory_space<hbm>> -> memref<1x128xi32, #tpu.memory_space<hbm>>
    %dma_start3A_63 = tpu.memref_squeeze %dma_start3A_62 : memref<1x128xi32, #tpu.memory_space<hbm>> -> memref<128xi32, #tpu.memory_space<hbm>>
    tpu.enqueue_dma source(%dma_start3A_63 : memref<128xi32, #tpu.memory_space<hbm>>) target(%dma_start3A_61 : memref<128xi32, #tpu.memory_space<vmem>>) target_semaphore(%arg10 : memref<!tpu.dma_semaphore, #tpu.memory_space<semaphore_mem>>)
    %scan3A = arith.constant 0 : i32
    %scan3A_64 = arith.constant 0 : i32
    %scan3A_65 = arith.constant 39 : i32
    %scan3A_66 = arith.addi %scan3A_64, %scan3A_65 : i32
    %scan3A_67 = arith.constant 1 : i32
    scf.for %scan3A_72 = %scan3A_64 to %scan3A_66 step %scan3A_67  : i32 {
      %mul3A_73 = arith.constant 2 : i32
      %mul3A_74 = arith.muli %mul3A_73, %scan3A_72 : i32
      %mul3A_75 = arith.constant 32 : i32
      %mul3A_76 = arith.muli %mul3A_74, %mul3A_75 : i32
      %add3A_77 = arith.addi %add3A, %mul3A_76 : i32
      %dma_wait3A = arith.constant 0 : i32
      %dma_wait3A_78 = arith.constant 0 : i32
      %dma_wait3A_79 = arith.constant 0 : i32
      %dma_wait3A_80 = arith.constant 0 : i32
      %dma_wait3A_81 = tpu.memref_slice %arg6[%dma_wait3A_78, %dma_wait3A_79, %dma_wait3A_80] : memref<2x2x128xi32, #tpu.memory_space<vmem>> -> memref<1x1x128xi32, #tpu.memory_space<vmem>>
      %dma_wait3A_82 = tpu.memref_squeeze %dma_wait3A_81 : memref<1x1x128xi32, #tpu.memory_space<vmem>> -> memref<128xi32, #tpu.memory_space<vmem>>
      %dma_wait3A_83 = arith.constant 0 : i32
      %dma_wait3A_84 = tpu.memref_slice %arg3[%dma_wait3A, %dma_wait3A_83] : memref<2x320000xi32, #tpu.memory_space<hbm>> -> memref<1x128xi32, #tpu.memory_space<hbm>>
      %dma_wait3A_85 = tpu.memref_squeeze %dma_wait3A_84 : memref<1x128xi32, #tpu.memory_space<hbm>> -> memref<128xi32, #tpu.memory_space<hbm>>
      %dma_wait3A_86 = arith.constant 0 : i32
      %dma_wait3A_87 = tpu.memref_slice %arg6[%dma_wait3A_78, %dma_wait3A_79, %dma_wait3A_86] : memref<2x2x128xi32, #tpu.memory_space<vmem>> -> memref<1x1x128xi32, #tpu.memory_space<vmem>>
      %dma_wait3A_88 = tpu.memref_squeeze %dma_wait3A_87 : memref<1x1x128xi32, #tpu.memory_space<vmem>> -> memref<128xi32, #tpu.memory_space<vmem>>
      %dma_wait3A_89 = arith.constant 0 : i32
      %dma_wait3A_90 = tpu.memref_slice %arg3[%dma_wait3A, %dma_wait3A_89] : memref<2x320000xi32, #tpu.memory_space<hbm>> -> memref<1x128xi32, #tpu.memory_space<hbm>>
      %dma_wait3A_91 = tpu.memref_squeeze %dma_wait3A_90 : memref<1x128xi32, #tpu.memory_space<hbm>> -> memref<128xi32, #tpu.memory_space<hbm>>
      tpu.wait_dma2 semaphore(%arg9 : memref<!tpu.dma_semaphore, #tpu.memory_space<semaphore_mem>>) src(%dma_wait3A_91 : memref<128xi32, #tpu.memory_space<hbm>>) dst(%dma_wait3A_88 : memref<128xi32, #tpu.memory_space<vmem>>)
      %dma_wait3A_92 = arith.constant 1 : i32
      %dma_wait3A_93 = arith.constant 0 : i32
      %dma_wait3A_94 = arith.constant 1 : i32
      %dma_wait3A_95 = arith.constant 0 : i32
      %dma_wait3A_96 = tpu.memref_slice %arg6[%dma_wait3A_93, %dma_wait3A_94, %dma_wait3A_95] : memref<2x2x128xi32, #tpu.memory_space<vmem>> -> memref<1x1x128xi32, #tpu.memory_space<vmem>>
      %dma_wait3A_97 = tpu.memref_squeeze %dma_wait3A_96 : memref<1x1x128xi32, #tpu.memory_space<vmem>> -> memref<128xi32, #tpu.memory_space<vmem>>
      %dma_wait3A_98 = arith.constant 0 : i32
      %dma_wait3A_99 = tpu.memref_slice %arg3[%dma_wait3A_92, %dma_wait3A_98] : memref<2x320000xi32, #tpu.memory_space<hbm>> -> memref<1x128xi32, #tpu.memory_space<hbm>>
      %dma_wait3A_100 = tpu.memref_squeeze %dma_wait3A_99 : memref<1x128xi32, #tpu.memory_space<hbm>> -> memref<128xi32, #tpu.memory_space<hbm>>
      %dma_wait3A_101 = arith.constant 0 : i32
      %dma_wait3A_102 = tpu.memref_slice %arg6[%dma_wait3A_93, %dma_wait3A_94, %dma_wait3A_101] : memref<2x2x128xi32, #tpu.memory_space<vmem>> -> memref<1x1x128xi32, #tpu.memory_space<vmem>>
      %dma_wait3A_103 = tpu.memref_squeeze %dma_wait3A_102 : memref<1x1x128xi32, #tpu.memory_space<vmem>> -> memref<128xi32, #tpu.memory_space<vmem>>
      %dma_wait3A_104 = arith.constant 0 : i32
      %dma_wait3A_105 = tpu.memref_slice %arg3[%dma_wait3A_92, %dma_wait3A_104] : memref<2x320000xi32, #tpu.memory_space<hbm>> -> memref<1x128xi32, #tpu.memory_space<hbm>>
      %dma_wait3A_106 = tpu.memref_squeeze %dma_wait3A_105 : memref<1x128xi32, #tpu.memory_space<hbm>> -> memref<128xi32, #tpu.memory_space<hbm>>
      tpu.wait_dma2 semaphore(%arg9 : memref<!tpu.dma_semaphore, #tpu.memory_space<semaphore_mem>>) src(%dma_wait3A_106 : memref<128xi32, #tpu.memory_space<hbm>>) dst(%dma_wait3A_103 : memref<128xi32, #tpu.memory_space<vmem>>)
      %dma_start3A_107 = arith.constant 0 : i32
      %dma_start3A_108 = arith.constant 0 : i32
      %dma_start3A_109 = arith.constant 0 : i32
      %dma_start3A_110 = tpu.memref_slice %arg6[%dma_start3A_107, %dma_start3A_108, %dma_start3A_109] : memref<2x2x128xi32, #tpu.memory_space<vmem>> -> memref<1x1x128xi32, #tpu.memory_space<vmem>>
      %dma_start3A_111 = tpu.memref_squeeze %dma_start3A_110 : memref<1x1x128xi32, #tpu.memory_space<vmem>> -> memref<128xi32, #tpu.memory_space<vmem>>
      %dma_start3A_112 = arith.constant 0 : i32
      %dma_start3A_113 = arith.constant 0 : i32
      %dma_start3A_114 = tpu.memref_slice %arg2[%dma_start3A_112, %dma_start3A_113] : memref<10240x48xf32, #tpu.memory_space<hbm>> -> memref<10240x48xf32, #tpu.memory_space<hbm>>
      tpu.enqueue_indirect_dma source(%dma_start3A_114 : memref<10240x48xf32, #tpu.memory_space<hbm>>) target(%arg7 : memref<128x48xf32, #tpu.memory_space<vmem>>) offsets(%dma_start3A_111 : memref<128xi32, #tpu.memory_space<vmem>>) semaphore(%arg11 : memref<!tpu.dma_semaphore, #tpu.memory_space<semaphore_mem>>)
      %dma_wait3A_115 = arith.constant 0 : i32
      %dma_wait3A_116 = arith.constant 1 : i32
      %dma_wait3A_117 = arith.constant 0 : i32
      %dma_wait3A_118 = arith.constant 0 : i32
      %dma_wait3A_119 = tpu.memref_slice %arg6[%dma_wait3A_116, %dma_wait3A_117, %dma_wait3A_118] : memref<2x2x128xi32, #tpu.memory_space<vmem>> -> memref<1x1x128xi32, #tpu.memory_space<vmem>>
      %dma_wait3A_120 = tpu.memref_squeeze %dma_wait3A_119 : memref<1x1x128xi32, #tpu.memory_space<vmem>> -> memref<128xi32, #tpu.memory_space<vmem>>
      %dma_wait3A_121 = arith.constant 0 : i32
      %dma_wait3A_122 = tpu.memref_slice %arg3[%dma_wait3A_115, %dma_wait3A_121] : memref<2x320000xi32, #tpu.memory_space<hbm>> -> memref<1x128xi32, #tpu.memory_space<hbm>>
      %dma_wait3A_123 = tpu.memref_squeeze %dma_wait3A_122 : memref<1x128xi32, #tpu.memory_space<hbm>> -> memref<128xi32, #tpu.memory_space<hbm>>
      %dma_wait3A_124 = arith.constant 0 : i32
      %dma_wait3A_125 = tpu.memref_slice %arg6[%dma_wait3A_116, %dma_wait3A_117, %dma_wait3A_124] : memref<2x2x128xi32, #tpu.memory_space<vmem>> -> memref<1x1x128xi32, #tpu.memory_space<vmem>>
      %dma_wait3A_126 = tpu.memref_squeeze %dma_wait3A_125 : memref<1x1x128xi32, #tpu.memory_space<vmem>> -> memref<128xi32, #tpu.memory_space<vmem>>
      %dma_wait3A_127 = arith.constant 0 : i32
      %dma_wait3A_128 = tpu.memref_slice %arg3[%dma_wait3A_115, %dma_wait3A_127] : memref<2x320000xi32, #tpu.memory_space<hbm>> -> memref<1x128xi32, #tpu.memory_space<hbm>>
      %dma_wait3A_129 = tpu.memref_squeeze %dma_wait3A_128 : memref<1x128xi32, #tpu.memory_space<hbm>> -> memref<128xi32, #tpu.memory_space<hbm>>
      tpu.wait_dma2 semaphore(%arg10 : memref<!tpu.dma_semaphore, #tpu.memory_space<semaphore_mem>>) src(%dma_wait3A_129 : memref<128xi32, #tpu.memory_space<hbm>>) dst(%dma_wait3A_126 : memref<128xi32, #tpu.memory_space<vmem>>)
      %dma_wait3A_130 = arith.constant 1 : i32
      %dma_wait3A_131 = arith.constant 1 : i32
      %dma_wait3A_132 = arith.constant 1 : i32
      %dma_wait3A_133 = arith.constant 0 : i32
      %dma_wait3A_134 = tpu.memref_slice %arg6[%dma_wait3A_131, %dma_wait3A_132, %dma_wait3A_133] : memref<2x2x128xi32, #tpu.memory_space<vmem>> -> memref<1x1x128xi32, #tpu.memory_space<vmem>>
      %dma_wait3A_135 = tpu.memref_squeeze %dma_wait3A_134 : memref<1x1x128xi32, #tpu.memory_space<vmem>> -> memref<128xi32, #tpu.memory_space<vmem>>
      %dma_wait3A_136 = arith.constant 0 : i32
      %dma_wait3A_137 = tpu.memref_slice %arg3[%dma_wait3A_130, %dma_wait3A_136] : memref<2x320000xi32, #tpu.memory_space<hbm>> -> memref<1x128xi32, #tpu.memory_space<hbm>>
      %dma_wait3A_138 = tpu.memref_squeeze %dma_wait3A_137 : memref<1x128xi32, #tpu.memory_space<hbm>> -> memref<128xi32, #tpu.memory_space<hbm>>
      %dma_wait3A_139 = arith.constant 0 : i32
      %dma_wait3A_140 = tpu.memref_slice %arg6[%dma_wait3A_131, %dma_wait3A_132, %dma_wait3A_139] : memref<2x2x128xi32, #tpu.memory_space<vmem>> -> memref<1x1x128xi32, #tpu.memory_space<vmem>>
      %dma_wait3A_141 = tpu.memref_squeeze %dma_wait3A_140 : memref<1x1x128xi32, #tpu.memory_space<vmem>> -> memref<128xi32, #tpu.memory_space<vmem>>
      %dma_wait3A_142 = arith.constant 0 : i32
      %dma_wait3A_143 = tpu.memref_slice %arg3[%dma_wait3A_130, %dma_wait3A_142] : memref<2x320000xi32, #tpu.memory_space<hbm>> -> memref<1x128xi32, #tpu.memory_space<hbm>>
      %dma_wait3A_144 = tpu.memref_squeeze %dma_wait3A_143 : memref<1x128xi32, #tpu.memory_space<hbm>> -> memref<128xi32, #tpu.memory_space<hbm>>
      tpu.wait_dma2 semaphore(%arg10 : memref<!tpu.dma_semaphore, #tpu.memory_space<semaphore_mem>>) src(%dma_wait3A_144 : memref<128xi32, #tpu.memory_space<hbm>>) dst(%dma_wait3A_141 : memref<128xi32, #tpu.memory_space<vmem>>)
      %dma_start3A_145 = arith.constant 1 : i32
      %dma_start3A_146 = arith.constant 0 : i32
      %dma_start3A_147 = arith.constant 0 : i32
      %dma_start3A_148 = tpu.memref_slice %arg6[%dma_start3A_145, %dma_start3A_146, %dma_start3A_147] : memref<2x2x128xi32, #tpu.memory_space<vmem>> -> memref<1x1x128xi32, #tpu.memory_space<vmem>>
      %dma_start3A_149 = tpu.memref_squeeze %dma_start3A_148 : memref<1x1x128xi32, #tpu.memory_space<vmem>> -> memref<128xi32, #tpu.memory_space<vmem>>
      %dma_start3A_150 = arith.constant 0 : i32
      %dma_start3A_151 = arith.constant 0 : i32
      %dma_start3A_152 = tpu.memref_slice %arg2[%dma_start3A_150, %dma_start3A_151] : memref<10240x48xf32, #tpu.memory_space<hbm>> -> memref<10240x48xf32, #tpu.memory_space<hbm>>
      tpu.enqueue_indirect_dma source(%dma_start3A_152 : memref<10240x48xf32, #tpu.memory_space<hbm>>) target(%arg8 : memref<128x48xf32, #tpu.memory_space<vmem>>) offsets(%dma_start3A_149 : memref<128xi32, #tpu.memory_space<vmem>>) semaphore(%arg12 : memref<!tpu.dma_semaphore, #tpu.memory_space<semaphore_mem>>)
      %dma_wait3A_153 = arith.constant 0 : i32
      %dma_wait3A_154 = arith.constant 0 : i32
      %dma_wait3A_155 = arith.constant 0 : i32
      %dma_wait3A_156 = tpu.memref_slice %arg6[%dma_wait3A_153, %dma_wait3A_154, %dma_wait3A_155] : memref<2x2x128xi32, #tpu.memory_space<vmem>> -> memref<1x1x128xi32, #tpu.memory_space<vmem>>
      %dma_wait3A_157 = tpu.memref_squeeze %dma_wait3A_156 : memref<1x1x128xi32, #tpu.memory_space<vmem>> -> memref<128xi32, #tpu.memory_space<vmem>>
      %dma_wait3A_158 = arith.constant 0 : i32
      %dma_wait3A_159 = arith.constant 0 : i32
      %dma_wait3A_160 = tpu.memref_slice %arg2[%dma_wait3A_158, %dma_wait3A_159] : memref<10240x48xf32, #tpu.memory_space<hbm>> -> memref<10240x48xf32, #tpu.memory_space<hbm>>
      tpu.wait_indirect_dma semaphore(%arg11 : memref<!tpu.dma_semaphore, #tpu.memory_space<semaphore_mem>>) src(%dma_wait3A_160 : memref<10240x48xf32, #tpu.memory_space<hbm>>) dst(%arg7 : memref<128x48xf32, #tpu.memory_space<vmem>>)
      %run_scoped3A = arith.constant 0 : i32
      %run_scoped3A_161 = arith.constant 1 : i32
      "tpu.region"() ({
        %run_scoped3A_186 = tpu.sem_alloc : memref<!tpu.dma_semaphore, #tpu.memory_space<semaphore_mem>>
        %dma_start3A_187 = arith.constant 0 : i32
        %dma_start3A_188 = tpu.memref_slice %arg6[%run_scoped3A, %run_scoped3A_161, %dma_start3A_187] : memref<2x2x128xi32, #tpu.memory_space<vmem>> -> memref<1x1x128xi32, #tpu.memory_space<vmem>>
        %dma_start3A_189 = tpu.memref_squeeze %dma_start3A_188 : memref<1x1x128xi32, #tpu.memory_space<vmem>> -> memref<128xi32, #tpu.memory_space<vmem>>
        %dma_start3A_190 = arith.constant 0 : i32
        %dma_start3A_191 = arith.constant 0 : i32
        %dma_start3A_192 = tpu.memref_slice %arg5[%dma_start3A_190, %dma_start3A_191] : memref<10240x48xf32, #tpu.memory_space<vmem_shared>> -> memref<10240x48xf32, #tpu.memory_space<vmem_shared>>
        tpu.enqueue_indirect_dma source(%arg7 : memref<128x48xf32, #tpu.memory_space<vmem>>) target(%dma_start3A_192 : memref<10240x48xf32, #tpu.memory_space<vmem_shared>>) offsets(%dma_start3A_189 : memref<128xi32, #tpu.memory_space<vmem>>) semaphore(%run_scoped3A_186 : memref<!tpu.dma_semaphore, #tpu.memory_space<semaphore_mem>>) {add = true}
        %dma_wait3A_193 = arith.constant 0 : i32
        %dma_wait3A_194 = tpu.memref_slice %arg6[%run_scoped3A, %run_scoped3A_161, %dma_wait3A_193] : memref<2x2x128xi32, #tpu.memory_space<vmem>> -> memref<1x1x128xi32, #tpu.memory_space<vmem>>
        %dma_wait3A_195 = tpu.memref_squeeze %dma_wait3A_194 : memref<1x1x128xi32, #tpu.memory_space<vmem>> -> memref<128xi32, #tpu.memory_space<vmem>>
        %dma_wait3A_196 = arith.constant 0 : i32
        %dma_wait3A_197 = arith.constant 0 : i32
        %dma_wait3A_198 = tpu.memref_slice %arg5[%dma_wait3A_196, %dma_wait3A_197] : memref<10240x48xf32, #tpu.memory_space<vmem_shared>> -> memref<10240x48xf32, #tpu.memory_space<vmem_shared>>
        tpu.wait_indirect_dma semaphore(%run_scoped3A_186 : memref<!tpu.dma_semaphore, #tpu.memory_space<semaphore_mem>>) src(%arg7 : memref<128x48xf32, #tpu.memory_space<vmem>>) dst(%dma_wait3A_198 : memref<10240x48xf32, #tpu.memory_space<vmem_shared>>)
        tpu.yield
      }) : () -> ()
      %add3A_162 = arith.constant 1 : i32
      %add3A_163 = arith.addi %scan3A_72, %add3A_162 : i32
      %lt3A_164 = arith.constant 39 : i32
      %lt3A_165 = arith.cmpi slt, %add3A_163, %lt3A_164 : i32
      %convert_element_type3A_166 = arith.extui %lt3A_165 : i1 to i32
      %cond3A_167 = arith.constant 0 : i32
      %cond3A_168 = arith.cmpi ne, %convert_element_type3A_166, %cond3A_167 : i32
      scf.if %cond3A_168 {
        %add3A_186 = arith.constant 64 : i32
        %add3A_187 = arith.addi %add3A_77, %add3A_186 : i32
        %mul3A_188 = arith.constant 128 : i32
        %mul3A_189 = arith.muli %add3A_187, %mul3A_188 : i32
        %dma_start3A_190 = arith.constant 0 : i32
        %dma_start3A_191 = arith.constant 0 : i32
        %dma_start3A_192 = arith.constant 0 : i32
        %dma_start3A_193 = arith.constant 0 : i32
        %dma_start3A_194 = tpu.memref_slice %arg6[%dma_start3A_191, %dma_start3A_192, %dma_start3A_193] : memref<2x2x128xi32, #tpu.memory_space<vmem>> -> memref<1x1x128xi32, #tpu.memory_space<vmem>>
        %dma_start3A_195 = tpu.memref_squeeze %dma_start3A_194 : memref<1x1x128xi32, #tpu.memory_space<vmem>> -> memref<128xi32, #tpu.memory_space<vmem>>
        %dma_start3A_196 = tpu.memref_slice %arg3[%dma_start3A_190, %mul3A_189] : memref<2x320000xi32, #tpu.memory_space<hbm>> -> memref<1x128xi32, #tpu.memory_space<hbm>>
        %dma_start3A_197 = tpu.memref_squeeze %dma_start3A_196 : memref<1x128xi32, #tpu.memory_space<hbm>> -> memref<128xi32, #tpu.memory_space<hbm>>
        %dma_start3A_198 = arith.constant 0 : i32
        %dma_start3A_199 = tpu.memref_slice %arg6[%dma_start3A_191, %dma_start3A_192, %dma_start3A_198] : memref<2x2x128xi32, #tpu.memory_space<vmem>> -> memref<1x1x128xi32, #tpu.memory_space<vmem>>
        %dma_start3A_200 = tpu.memref_squeeze %dma_start3A_199 : memref<1x1x128xi32, #tpu.memory_space<vmem>> -> memref<128xi32, #tpu.memory_space<vmem>>
        %dma_start3A_201 = tpu.memref_slice %arg3[%dma_start3A_190, %mul3A_189] : memref<2x320000xi32, #tpu.memory_space<hbm>> -> memref<1x128xi32, #tpu.memory_space<hbm>>
        %dma_start3A_202 = tpu.memref_squeeze %dma_start3A_201 : memref<1x128xi32, #tpu.memory_space<hbm>> -> memref<128xi32, #tpu.memory_space<hbm>>
        tpu.enqueue_dma source(%dma_start3A_202 : memref<128xi32, #tpu.memory_space<hbm>>) target(%dma_start3A_200 : memref<128xi32, #tpu.memory_space<vmem>>) target_semaphore(%arg9 : memref<!tpu.dma_semaphore, #tpu.memory_space<semaphore_mem>>)
        %mul3A_203 = arith.constant 128 : i32
        %mul3A_204 = arith.muli %add3A_187, %mul3A_203 : i32
        %dma_start3A_205 = arith.constant 1 : i32
        %dma_start3A_206 = arith.constant 0 : i32
        %dma_start3A_207 = arith.constant 1 : i32
        %dma_start3A_208 = arith.constant 0 : i32
        %dma_start3A_209 = tpu.memref_slice %arg6[%dma_start3A_206, %dma_start3A_207, %dma_start3A_208] : memref<2x2x128xi32, #tpu.memory_space<vmem>> -> memref<1x1x128xi32, #tpu.memory_space<vmem>>
        %dma_start3A_210 = tpu.memref_squeeze %dma_start3A_209 : memref<1x1x128xi32, #tpu.memory_space<vmem>> -> memref<128xi32, #tpu.memory_space<vmem>>
        %dma_start3A_211 = tpu.memref_slice %arg3[%dma_start3A_205, %mul3A_204] : memref<2x320000xi32, #tpu.memory_space<hbm>> -> memref<1x128xi32, #tpu.memory_space<hbm>>
        %dma_start3A_212 = tpu.memref_squeeze %dma_start3A_211 : memref<1x128xi32, #tpu.memory_space<hbm>> -> memref<128xi32, #tpu.memory_space<hbm>>
        %dma_start3A_213 = arith.constant 0 : i32
        %dma_start3A_214 = tpu.memref_slice %arg6[%dma_start3A_206, %dma_start3A_207, %dma_start3A_213] : memref<2x2x128xi32, #tpu.memory_space<vmem>> -> memref<1x1x128xi32, #tpu.memory_space<vmem>>
        %dma_start3A_215 = tpu.memref_squeeze %dma_start3A_214 : memref<1x1x128xi32, #tpu.memory_space<vmem>> -> memref<128xi32, #tpu.memory_space<vmem>>
        %dma_start3A_216 = tpu.memref_slice %arg3[%dma_start3A_205, %mul3A_204] : memref<2x320000xi32, #tpu.memory_space<hbm>> -> memref<1x128xi32, #tpu.memory_space<hbm>>
        %dma_start3A_217 = tpu.memref_squeeze %dma_start3A_216 : memref<1x128xi32, #tpu.memory_space<hbm>> -> memref<128xi32, #tpu.memory_space<hbm>>
        tpu.enqueue_dma source(%dma_start3A_217 : memref<128xi32, #tpu.memory_space<hbm>>) target(%dma_start3A_215 : memref<128xi32, #tpu.memory_space<vmem>>) target_semaphore(%arg9 : memref<!tpu.dma_semaphore, #tpu.memory_space<semaphore_mem>>)
      } else {
      }
      %dma_wait3A_169 = arith.constant 1 : i32
      %dma_wait3A_170 = arith.constant 0 : i32
      %dma_wait3A_171 = arith.constant 0 : i32
      %dma_wait3A_172 = tpu.memref_slice %arg6[%dma_wait3A_169, %dma_wait3A_170, %dma_wait3A_171] : memref<2x2x128xi32, #tpu.memory_space<vmem>> -> memref<1x1x128xi32, #tpu.memory_space<vmem>>
      %dma_wait3A_173 = tpu.memref_squeeze %dma_wait3A_172 : memref<1x1x128xi32, #tpu.memory_space<vmem>> -> memref<128xi32, #tpu.memory_space<vmem>>
      %dma_wait3A_174 = arith.constant 0 : i32
      %dma_wait3A_175 = arith.constant 0 : i32
      %dma_wait3A_176 = tpu.memref_slice %arg2[%dma_wait3A_174, %dma_wait3A_175] : memref<10240x48xf32, #tpu.memory_space<hbm>> -> memref<10240x48xf32, #tpu.memory_space<hbm>>
      tpu.wait_indirect_dma semaphore(%arg12 : memref<!tpu.dma_semaphore, #tpu.memory_space<semaphore_mem>>) src(%dma_wait3A_176 : memref<10240x48xf32, #tpu.memory_space<hbm>>) dst(%arg8 : memref<128x48xf32, #tpu.memory_space<vmem>>)
      %run_scoped3A_177 = arith.constant 1 : i32
      %run_scoped3A_178 = arith.constant 1 : i32
      "tpu.region"() ({
        %run_scoped3A_186 = tpu.sem_alloc : memref<!tpu.dma_semaphore, #tpu.memory_space<semaphore_mem>>
        %dma_start3A_187 = arith.constant 0 : i32
        %dma_start3A_188 = tpu.memref_slice %arg6[%run_scoped3A_177, %run_scoped3A_178, %dma_start3A_187] : memref<2x2x128xi32, #tpu.memory_space<vmem>> -> memref<1x1x128xi32, #tpu.memory_space<vmem>>
        %dma_start3A_189 = tpu.memref_squeeze %dma_start3A_188 : memref<1x1x128xi32, #tpu.memory_space<vmem>> -> memref<128xi32, #tpu.memory_space<vmem>>
        %dma_start3A_190 = arith.constant 0 : i32
        %dma_start3A_191 = arith.constant 0 : i32
        %dma_start3A_192 = tpu.memref_slice %arg5[%dma_start3A_190, %dma_start3A_191] : memref<10240x48xf32, #tpu.memory_space<vmem_shared>> -> memref<10240x48xf32, #tpu.memory_space<vmem_shared>>
        tpu.enqueue_indirect_dma source(%arg8 : memref<128x48xf32, #tpu.memory_space<vmem>>) target(%dma_start3A_192 : memref<10240x48xf32, #tpu.memory_space<vmem_shared>>) offsets(%dma_start3A_189 : memref<128xi32, #tpu.memory_space<vmem>>) semaphore(%run_scoped3A_186 : memref<!tpu.dma_semaphore, #tpu.memory_space<semaphore_mem>>) {add = true}
        %dma_wait3A_193 = arith.constant 0 : i32
        %dma_wait3A_194 = tpu.memref_slice %arg6[%run_scoped3A_177, %run_scoped3A_178, %dma_wait3A_193] : memref<2x2x128xi32, #tpu.memory_space<vmem>> -> memref<1x1x128xi32, #tpu.memory_space<vmem>>
        %dma_wait3A_195 = tpu.memref_squeeze %dma_wait3A_194 : memref<1x1x128xi32, #tpu.memory_space<vmem>> -> memref<128xi32, #tpu.memory_space<vmem>>
        %dma_wait3A_196 = arith.constant 0 : i32
        %dma_wait3A_197 = arith.constant 0 : i32
        %dma_wait3A_198 = tpu.memref_slice %arg5[%dma_wait3A_196, %dma_wait3A_197] : memref<10240x48xf32, #tpu.memory_space<vmem_shared>> -> memref<10240x48xf32, #tpu.memory_space<vmem_shared>>
        tpu.wait_indirect_dma semaphore(%run_scoped3A_186 : memref<!tpu.dma_semaphore, #tpu.memory_space<semaphore_mem>>) src(%arg8 : memref<128x48xf32, #tpu.memory_space<vmem>>) dst(%dma_wait3A_198 : memref<10240x48xf32, #tpu.memory_space<vmem_shared>>)
        tpu.yield
      }) : () -> ()
      %add3A_179 = arith.constant 1 : i32
      %add3A_180 = arith.addi %scan3A_72, %add3A_179 : i32
      %lt3A_181 = arith.constant 39 : i32
      %lt3A_182 = arith.cmpi slt, %add3A_180, %lt3A_181 : i32
      %convert_element_type3A_183 = arith.extui %lt3A_182 : i1 to i32
      %cond3A_184 = arith.constant 0 : i32
      %cond3A_185 = arith.cmpi ne, %convert_element_type3A_183, %cond3A_184 : i32
      scf.if %cond3A_185 {
        %add3A_186 = arith.constant 96 : i32
        %add3A_187 = arith.addi %add3A_77, %add3A_186 : i32
        %mul3A_188 = arith.constant 128 : i32
        %mul3A_189 = arith.muli %add3A_187, %mul3A_188 : i32
        %dma_start3A_190 = arith.constant 0 : i32
        %dma_start3A_191 = arith.constant 1 : i32
        %dma_start3A_192 = arith.constant 0 : i32
        %dma_start3A_193 = arith.constant 0 : i32
        %dma_start3A_194 = tpu.memref_slice %arg6[%dma_start3A_191, %dma_start3A_192, %dma_start3A_193] : memref<2x2x128xi32, #tpu.memory_space<vmem>> -> memref<1x1x128xi32, #tpu.memory_space<vmem>>
        %dma_start3A_195 = tpu.memref_squeeze %dma_start3A_194 : memref<1x1x128xi32, #tpu.memory_space<vmem>> -> memref<128xi32, #tpu.memory_space<vmem>>
        %dma_start3A_196 = tpu.memref_slice %arg3[%dma_start3A_190, %mul3A_189] : memref<2x320000xi32, #tpu.memory_space<hbm>> -> memref<1x128xi32, #tpu.memory_space<hbm>>
        %dma_start3A_197 = tpu.memref_squeeze %dma_start3A_196 : memref<1x128xi32, #tpu.memory_space<hbm>> -> memref<128xi32, #tpu.memory_space<hbm>>
        %dma_start3A_198 = arith.constant 0 : i32
        %dma_start3A_199 = tpu.memref_slice %arg6[%dma_start3A_191, %dma_start3A_192, %dma_start3A_198] : memref<2x2x128xi32, #tpu.memory_space<vmem>> -> memref<1x1x128xi32, #tpu.memory_space<vmem>>
        %dma_start3A_200 = tpu.memref_squeeze %dma_start3A_199 : memref<1x1x128xi32, #tpu.memory_space<vmem>> -> memref<128xi32, #tpu.memory_space<vmem>>
        %dma_start3A_201 = tpu.memref_slice %arg3[%dma_start3A_190, %mul3A_189] : memref<2x320000xi32, #tpu.memory_space<hbm>> -> memref<1x128xi32, #tpu.memory_space<hbm>>
        %dma_start3A_202 = tpu.memref_squeeze %dma_start3A_201 : memref<1x128xi32, #tpu.memory_space<hbm>> -> memref<128xi32, #tpu.memory_space<hbm>>
        tpu.enqueue_dma source(%dma_start3A_202 : memref<128xi32, #tpu.memory_space<hbm>>) target(%dma_start3A_200 : memref<128xi32, #tpu.memory_space<vmem>>) target_semaphore(%arg10 : memref<!tpu.dma_semaphore, #tpu.memory_space<semaphore_mem>>)
        %mul3A_203 = arith.constant 128 : i32
        %mul3A_204 = arith.muli %add3A_187, %mul3A_203 : i32
        %dma_start3A_205 = arith.constant 1 : i32
        %dma_start3A_206 = arith.constant 1 : i32
        %dma_start3A_207 = arith.constant 1 : i32
        %dma_start3A_208 = arith.constant 0 : i32
        %dma_start3A_209 = tpu.memref_slice %arg6[%dma_start3A_206, %dma_start3A_207, %dma_start3A_208] : memref<2x2x128xi32, #tpu.memory_space<vmem>> -> memref<1x1x128xi32, #tpu.memory_space<vmem>>
        %dma_start3A_210 = tpu.memref_squeeze %dma_start3A_209 : memref<1x1x128xi32, #tpu.memory_space<vmem>> -> memref<128xi32, #tpu.memory_space<vmem>>
        %dma_start3A_211 = tpu.memref_slice %arg3[%dma_start3A_205, %mul3A_204] : memref<2x320000xi32, #tpu.memory_space<hbm>> -> memref<1x128xi32, #tpu.memory_space<hbm>>
        %dma_start3A_212 = tpu.memref_squeeze %dma_start3A_211 : memref<1x128xi32, #tpu.memory_space<hbm>> -> memref<128xi32, #tpu.memory_space<hbm>>
        %dma_start3A_213 = arith.constant 0 : i32
        %dma_start3A_214 = tpu.memref_slice %arg6[%dma_start3A_206, %dma_start3A_207, %dma_start3A_213] : memref<2x2x128xi32, #tpu.memory_space<vmem>> -> memref<1x1x128xi32, #tpu.memory_space<vmem>>
        %dma_start3A_215 = tpu.memref_squeeze %dma_start3A_214 : memref<1x1x128xi32, #tpu.memory_space<vmem>> -> memref<128xi32, #tpu.memory_space<vmem>>
        %dma_start3A_216 = tpu.memref_slice %arg3[%dma_start3A_205, %mul3A_204] : memref<2x320000xi32, #tpu.memory_space<hbm>> -> memref<1x128xi32, #tpu.memory_space<hbm>>
        %dma_start3A_217 = tpu.memref_squeeze %dma_start3A_216 : memref<1x128xi32, #tpu.memory_space<hbm>> -> memref<128xi32, #tpu.memory_space<hbm>>
        tpu.enqueue_dma source(%dma_start3A_217 : memref<128xi32, #tpu.memory_space<hbm>>) target(%dma_start3A_215 : memref<128xi32, #tpu.memory_space<vmem>>) target_semaphore(%arg10 : memref<!tpu.dma_semaphore, #tpu.memory_space<semaphore_mem>>)
      } else {
      }
    }
    %scan3A_68 = arith.constant 39 : i32
    %lt3A = arith.constant 4 : i32
    %lt3A_69 = arith.cmpi slt, %add3A, %lt3A : i32
    %convert_element_type3A = arith.extui %lt3A_69 : i1 to i32
    %cond3A = arith.constant 0 : i32
    %cond3A_70 = arith.cmpi ne, %convert_element_type3A, %cond3A : i32
    scf.if %cond3A_70 {
      %add3A_72 = arith.constant 2496 : i32
      %add3A_73 = arith.addi %add3A, %add3A_72 : i32
      %mul3A_74 = arith.constant 128 : i32
      %mul3A_75 = arith.muli %add3A_73, %mul3A_74 : i32
      %dma_start3A_76 = arith.constant 0 : i32
      %dma_start3A_77 = arith.constant 0 : i32
      %dma_start3A_78 = arith.constant 0 : i32
      %dma_start3A_79 = arith.constant 0 : i32
      %dma_start3A_80 = tpu.memref_slice %arg6[%dma_start3A_77, %dma_start3A_78, %dma_start3A_79] : memref<2x2x128xi32, #tpu.memory_space<vmem>> -> memref<1x1x128xi32, #tpu.memory_space<vmem>>
      %dma_start3A_81 = tpu.memref_squeeze %dma_start3A_80 : memref<1x1x128xi32, #tpu.memory_space<vmem>> -> memref<128xi32, #tpu.memory_space<vmem>>
      %dma_start3A_82 = tpu.memref_slice %arg3[%dma_start3A_76, %mul3A_75] : memref<2x320000xi32, #tpu.memory_space<hbm>> -> memref<1x128xi32, #tpu.memory_space<hbm>>
      %dma_start3A_83 = tpu.memref_squeeze %dma_start3A_82 : memref<1x128xi32, #tpu.memory_space<hbm>> -> memref<128xi32, #tpu.memory_space<hbm>>
      %dma_start3A_84 = arith.constant 0 : i32
      %dma_start3A_85 = tpu.memref_slice %arg6[%dma_start3A_77, %dma_start3A_78, %dma_start3A_84] : memref<2x2x128xi32, #tpu.memory_space<vmem>> -> memref<1x1x128xi32, #tpu.memory_space<vmem>>
      %dma_start3A_86 = tpu.memref_squeeze %dma_start3A_85 : memref<1x1x128xi32, #tpu.memory_space<vmem>> -> memref<128xi32, #tpu.memory_space<vmem>>
      %dma_start3A_87 = tpu.memref_slice %arg3[%dma_start3A_76, %mul3A_75] : memref<2x320000xi32, #tpu.memory_space<hbm>> -> memref<1x128xi32, #tpu.memory_space<hbm>>
      %dma_start3A_88 = tpu.memref_squeeze %dma_start3A_87 : memref<1x128xi32, #tpu.memory_space<hbm>> -> memref<128xi32, #tpu.memory_space<hbm>>
      tpu.enqueue_dma source(%dma_start3A_88 : memref<128xi32, #tpu.memory_space<hbm>>) target(%dma_start3A_86 : memref<128xi32, #tpu.memory_space<vmem>>) target_semaphore(%arg9 : memref<!tpu.dma_semaphore, #tpu.memory_space<semaphore_mem>>)
      %mul3A_89 = arith.constant 128 : i32
      %mul3A_90 = arith.muli %add3A_73, %mul3A_89 : i32
      %dma_start3A_91 = arith.constant 1 : i32
      %dma_start3A_92 = arith.constant 0 : i32
      %dma_start3A_93 = arith.constant 1 : i32
      %dma_start3A_94 = arith.constant 0 : i32
      %dma_start3A_95 = tpu.memref_slice %arg6[%dma_start3A_92, %dma_start3A_93, %dma_start3A_94] : memref<2x2x128xi32, #tpu.memory_space<vmem>> -> memref<1x1x128xi32, #tpu.memory_space<vmem>>
      %dma_start3A_96 = tpu.memref_squeeze %dma_start3A_95 : memref<1x1x128xi32, #tpu.memory_space<vmem>> -> memref<128xi32, #tpu.memory_space<vmem>>
      %dma_start3A_97 = tpu.memref_slice %arg3[%dma_start3A_91, %mul3A_90] : memref<2x320000xi32, #tpu.memory_space<hbm>> -> memref<1x128xi32, #tpu.memory_space<hbm>>
      %dma_start3A_98 = tpu.memref_squeeze %dma_start3A_97 : memref<1x128xi32, #tpu.memory_space<hbm>> -> memref<128xi32, #tpu.memory_space<hbm>>
      %dma_start3A_99 = arith.constant 0 : i32
      %dma_start3A_100 = tpu.memref_slice %arg6[%dma_start3A_92, %dma_start3A_93, %dma_start3A_99] : memref<2x2x128xi32, #tpu.memory_space<vmem>> -> memref<1x1x128xi32, #tpu.memory_space<vmem>>
      %dma_start3A_101 = tpu.memref_squeeze %dma_start3A_100 : memref<1x1x128xi32, #tpu.memory_space<vmem>> -> memref<128xi32, #tpu.memory_space<vmem>>
      %dma_start3A_102 = tpu.memref_slice %arg3[%dma_start3A_91, %mul3A_90] : memref<2x320000xi32, #tpu.memory_space<hbm>> -> memref<1x128xi32, #tpu.memory_space<hbm>>
      %dma_start3A_103 = tpu.memref_squeeze %dma_start3A_102 : memref<1x128xi32, #tpu.memory_space<hbm>> -> memref<128xi32, #tpu.memory_space<hbm>>
      tpu.enqueue_dma source(%dma_start3A_103 : memref<128xi32, #tpu.memory_space<hbm>>) target(%dma_start3A_101 : memref<128xi32, #tpu.memory_space<vmem>>) target_semaphore(%arg9 : memref<!tpu.dma_semaphore, #tpu.memory_space<semaphore_mem>>)
      %dma_wait3A = arith.constant 0 : i32
      %dma_wait3A_104 = arith.constant 0 : i32
      %dma_wait3A_105 = arith.constant 0 : i32
      %dma_wait3A_106 = arith.constant 0 : i32
      %dma_wait3A_107 = tpu.memref_slice %arg6[%dma_wait3A_104, %dma_wait3A_105, %dma_wait3A_106] : memref<2x2x128xi32, #tpu.memory_space<vmem>> -> memref<1x1x128xi32, #tpu.memory_space<vmem>>
      %dma_wait3A_108 = tpu.memref_squeeze %dma_wait3A_107 : memref<1x1x128xi32, #tpu.memory_space<vmem>> -> memref<128xi32, #tpu.memory_space<vmem>>
      %dma_wait3A_109 = arith.constant 0 : i32
      %dma_wait3A_110 = tpu.memref_slice %arg3[%dma_wait3A, %dma_wait3A_109] : memref<2x320000xi32, #tpu.memory_space<hbm>> -> memref<1x128xi32, #tpu.memory_space<hbm>>
      %dma_wait3A_111 = tpu.memref_squeeze %dma_wait3A_110 : memref<1x128xi32, #tpu.memory_space<hbm>> -> memref<128xi32, #tpu.memory_space<hbm>>
      %dma_wait3A_112 = arith.constant 0 : i32
      %dma_wait3A_113 = tpu.memref_slice %arg6[%dma_wait3A_104, %dma_wait3A_105, %dma_wait3A_112] : memref<2x2x128xi32, #tpu.memory_space<vmem>> -> memref<1x1x128xi32, #tpu.memory_space<vmem>>
      %dma_wait3A_114 = tpu.memref_squeeze %dma_wait3A_113 : memref<1x1x128xi32, #tpu.memory_space<vmem>> -> memref<128xi32, #tpu.memory_space<vmem>>
      %dma_wait3A_115 = arith.constant 0 : i32
      %dma_wait3A_116 = tpu.memref_slice %arg3[%dma_wait3A, %dma_wait3A_115] : memref<2x320000xi32, #tpu.memory_space<hbm>> -> memref<1x128xi32, #tpu.memory_space<hbm>>
      %dma_wait3A_117 = tpu.memref_squeeze %dma_wait3A_116 : memref<1x128xi32, #tpu.memory_space<hbm>> -> memref<128xi32, #tpu.memory_space<hbm>>
      tpu.wait_dma2 semaphore(%arg9 : memref<!tpu.dma_semaphore, #tpu.memory_space<semaphore_mem>>) src(%dma_wait3A_117 : memref<128xi32, #tpu.memory_space<hbm>>) dst(%dma_wait3A_114 : memref<128xi32, #tpu.memory_space<vmem>>)
      %dma_wait3A_118 = arith.constant 1 : i32
      %dma_wait3A_119 = arith.constant 0 : i32
      %dma_wait3A_120 = arith.constant 1 : i32
      %dma_wait3A_121 = arith.constant 0 : i32
      %dma_wait3A_122 = tpu.memref_slice %arg6[%dma_wait3A_119, %dma_wait3A_120, %dma_wait3A_121] : memref<2x2x128xi32, #tpu.memory_space<vmem>> -> memref<1x1x128xi32, #tpu.memory_space<vmem>>
      %dma_wait3A_123 = tpu.memref_squeeze %dma_wait3A_122 : memref<1x1x128xi32, #tpu.memory_space<vmem>> -> memref<128xi32, #tpu.memory_space<vmem>>
      %dma_wait3A_124 = arith.constant 0 : i32
      %dma_wait3A_125 = tpu.memref_slice %arg3[%dma_wait3A_118, %dma_wait3A_124] : memref<2x320000xi32, #tpu.memory_space<hbm>> -> memref<1x128xi32, #tpu.memory_space<hbm>>
      %dma_wait3A_126 = tpu.memref_squeeze %dma_wait3A_125 : memref<1x128xi32, #tpu.memory_space<hbm>> -> memref<128xi32, #tpu.memory_space<hbm>>
      %dma_wait3A_127 = arith.constant 0 : i32
      %dma_wait3A_128 = tpu.memref_slice %arg6[%dma_wait3A_119, %dma_wait3A_120, %dma_wait3A_127] : memref<2x2x128xi32, #tpu.memory_space<vmem>> -> memref<1x1x128xi32, #tpu.memory_space<vmem>>
      %dma_wait3A_129 = tpu.memref_squeeze %dma_wait3A_128 : memref<1x1x128xi32, #tpu.memory_space<vmem>> -> memref<128xi32, #tpu.memory_space<vmem>>
      %dma_wait3A_130 = arith.constant 0 : i32
      %dma_wait3A_131 = tpu.memref_slice %arg3[%dma_wait3A_118, %dma_wait3A_130] : memref<2x320000xi32, #tpu.memory_space<hbm>> -> memref<1x128xi32, #tpu.memory_space<hbm>>
      %dma_wait3A_132 = tpu.memref_squeeze %dma_wait3A_131 : memref<1x128xi32, #tpu.memory_space<hbm>> -> memref<128xi32, #tpu.memory_space<hbm>>
      tpu.wait_dma2 semaphore(%arg9 : memref<!tpu.dma_semaphore, #tpu.memory_space<semaphore_mem>>) src(%dma_wait3A_132 : memref<128xi32, #tpu.memory_space<hbm>>) dst(%dma_wait3A_129 : memref<128xi32, #tpu.memory_space<vmem>>)
      %dma_start3A_133 = arith.constant 0 : i32
      %dma_start3A_134 = arith.constant 0 : i32
      %dma_start3A_135 = arith.constant 0 : i32
      %dma_start3A_136 = tpu.memref_slice %arg6[%dma_start3A_133, %dma_start3A_134, %dma_start3A_135] : memref<2x2x128xi32, #tpu.memory_space<vmem>> -> memref<1x1x128xi32, #tpu.memory_space<vmem>>
      %dma_start3A_137 = tpu.memref_squeeze %dma_start3A_136 : memref<1x1x128xi32, #tpu.memory_space<vmem>> -> memref<128xi32, #tpu.memory_space<vmem>>
      %dma_start3A_138 = arith.constant 0 : i32
      %dma_start3A_139 = arith.constant 0 : i32
      %dma_start3A_140 = tpu.memref_slice %arg2[%dma_start3A_138, %dma_start3A_139] : memref<10240x48xf32, #tpu.memory_space<hbm>> -> memref<10240x48xf32, #tpu.memory_space<hbm>>
      tpu.enqueue_indirect_dma source(%dma_start3A_140 : memref<10240x48xf32, #tpu.memory_space<hbm>>) target(%arg7 : memref<128x48xf32, #tpu.memory_space<vmem>>) offsets(%dma_start3A_137 : memref<128xi32, #tpu.memory_space<vmem>>) semaphore(%arg11 : memref<!tpu.dma_semaphore, #tpu.memory_space<semaphore_mem>>)
      %dma_wait3A_141 = arith.constant 0 : i32
      %dma_wait3A_142 = arith.constant 0 : i32
      %dma_wait3A_143 = arith.constant 0 : i32
      %dma_wait3A_144 = tpu.memref_slice %arg6[%dma_wait3A_141, %dma_wait3A_142, %dma_wait3A_143] : memref<2x2x128xi32, #tpu.memory_space<vmem>> -> memref<1x1x128xi32, #tpu.memory_space<vmem>>
      %dma_wait3A_145 = tpu.memref_squeeze %dma_wait3A_144 : memref<1x1x128xi32, #tpu.memory_space<vmem>> -> memref<128xi32, #tpu.memory_space<vmem>>
      %dma_wait3A_146 = arith.constant 0 : i32
      %dma_wait3A_147 = arith.constant 0 : i32
      %dma_wait3A_148 = tpu.memref_slice %arg2[%dma_wait3A_146, %dma_wait3A_147] : memref<10240x48xf32, #tpu.memory_space<hbm>> -> memref<10240x48xf32, #tpu.memory_space<hbm>>
      tpu.wait_indirect_dma semaphore(%arg11 : memref<!tpu.dma_semaphore, #tpu.memory_space<semaphore_mem>>) src(%dma_wait3A_148 : memref<10240x48xf32, #tpu.memory_space<hbm>>) dst(%arg7 : memref<128x48xf32, #tpu.memory_space<vmem>>)
      %run_scoped3A = arith.constant 0 : i32
      %run_scoped3A_149 = arith.constant 1 : i32
      "tpu.region"() ({
        %run_scoped3A_150 = tpu.sem_alloc : memref<!tpu.dma_semaphore, #tpu.memory_space<semaphore_mem>>
        %dma_start3A_151 = arith.constant 0 : i32
        %dma_start3A_152 = tpu.memref_slice %arg6[%run_scoped3A, %run_scoped3A_149, %dma_start3A_151] : memref<2x2x128xi32, #tpu.memory_space<vmem>> -> memref<1x1x128xi32, #tpu.memory_space<vmem>>
        %dma_start3A_153 = tpu.memref_squeeze %dma_start3A_152 : memref<1x1x128xi32, #tpu.memory_space<vmem>> -> memref<128xi32, #tpu.memory_space<vmem>>
        %dma_start3A_154 = arith.constant 0 : i32
        %dma_start3A_155 = arith.constant 0 : i32
        %dma_start3A_156 = tpu.memref_slice %arg5[%dma_start3A_154, %dma_start3A_155] : memref<10240x48xf32, #tpu.memory_space<vmem_shared>> -> memref<10240x48xf32, #tpu.memory_space<vmem_shared>>
        tpu.enqueue_indirect_dma source(%arg7 : memref<128x48xf32, #tpu.memory_space<vmem>>) target(%dma_start3A_156 : memref<10240x48xf32, #tpu.memory_space<vmem_shared>>) offsets(%dma_start3A_153 : memref<128xi32, #tpu.memory_space<vmem>>) semaphore(%run_scoped3A_150 : memref<!tpu.dma_semaphore, #tpu.memory_space<semaphore_mem>>) {add = true}
        %dma_wait3A_157 = arith.constant 0 : i32
        %dma_wait3A_158 = tpu.memref_slice %arg6[%run_scoped3A, %run_scoped3A_149, %dma_wait3A_157] : memref<2x2x128xi32, #tpu.memory_space<vmem>> -> memref<1x1x128xi32, #tpu.memory_space<vmem>>
        %dma_wait3A_159 = tpu.memref_squeeze %dma_wait3A_158 : memref<1x1x128xi32, #tpu.memory_space<vmem>> -> memref<128xi32, #tpu.memory_space<vmem>>
        %dma_wait3A_160 = arith.constant 0 : i32
        %dma_wait3A_161 = arith.constant 0 : i32
        %dma_wait3A_162 = tpu.memref_slice %arg5[%dma_wait3A_160, %dma_wait3A_161] : memref<10240x48xf32, #tpu.memory_space<vmem_shared>> -> memref<10240x48xf32, #tpu.memory_space<vmem_shared>>
        tpu.wait_indirect_dma semaphore(%run_scoped3A_150 : memref<!tpu.dma_semaphore, #tpu.memory_space<semaphore_mem>>) src(%arg7 : memref<128x48xf32, #tpu.memory_space<vmem>>) dst(%dma_wait3A_162 : memref<10240x48xf32, #tpu.memory_space<vmem_shared>>)
        tpu.yield
      }) : () -> ()
    } else {
    }
    %barrier3A_71 = arith.constant 0 : index
    tpu.barrier barrier_id(%barrier3A_71)
    "tpu.region"() ({
      %run_scoped3A = tpu.sem_alloc : memref<!tpu.dma_semaphore, #tpu.memory_space<semaphore_mem>>
      %dma_start3A_72 = arith.constant 0 : i32
      %dma_start3A_73 = tpu.memref_slice %arg4[%arg0, %mul3A_2, %dma_start3A_72] : memref<2x10240x48xf32, #tpu.memory_space<hbm>> -> memref<1x640x48xf32, #tpu.memory_space<hbm>>
      %dma_start3A_74 = tpu.memref_squeeze %dma_start3A_73 : memref<1x640x48xf32, #tpu.memory_space<hbm>> -> memref<640x48xf32, #tpu.memory_space<hbm>>
      %dma_start3A_75 = arith.constant 0 : i32
      %dma_start3A_76 = tpu.memref_slice %arg5[%mul3A_2, %dma_start3A_75] : memref<10240x48xf32, #tpu.memory_space<vmem_shared>> -> memref<640x48xf32, #tpu.memory_space<vmem_shared>>
      tpu.enqueue_dma source(%dma_start3A_76 : memref<640x48xf32, #tpu.memory_space<vmem_shared>>) target(%dma_start3A_74 : memref<640x48xf32, #tpu.memory_space<hbm>>) target_semaphore(%run_scoped3A : memref<!tpu.dma_semaphore, #tpu.memory_space<semaphore_mem>>)
      %dma_wait3A = arith.constant 0 : i32
      %dma_wait3A_77 = tpu.memref_slice %arg4[%arg0, %mul3A_2, %dma_wait3A] : memref<2x10240x48xf32, #tpu.memory_space<hbm>> -> memref<1x640x48xf32, #tpu.memory_space<hbm>>
      %dma_wait3A_78 = tpu.memref_squeeze %dma_wait3A_77 : memref<1x640x48xf32, #tpu.memory_space<hbm>> -> memref<640x48xf32, #tpu.memory_space<hbm>>
      %dma_wait3A_79 = arith.constant 0 : i32
      %dma_wait3A_80 = tpu.memref_slice %arg5[%mul3A_2, %dma_wait3A_79] : memref<10240x48xf32, #tpu.memory_space<vmem_shared>> -> memref<640x48xf32, #tpu.memory_space<vmem_shared>>
      tpu.wait_dma2 semaphore(%run_scoped3A : memref<!tpu.dma_semaphore, #tpu.memory_space<semaphore_mem>>) src(%dma_wait3A_80 : memref<640x48xf32, #tpu.memory_space<vmem_shared>>) dst(%dma_wait3A_78 : memref<640x48xf32, #tpu.memory_space<hbm>>)
      tpu.yield
    }) : () -> ()
    return
  }
}

#map = affine_map<(d0, d1) -> (0, 0)>
#map1 = affine_map<(d0, d1) -> (0, 0, 0)>
module attributes {stable_mosaic.version = 14 : i64} {
  func.func @agg(%arg0: i32, %arg1: i32, %arg2: memref<10240x128xf32, #tpu.memory_space<hbm>>, %arg3: memref<2x320000xi32, #tpu.memory_space<hbm>>, %arg4: memref<2x10240x128xf32, #tpu.memory_space<hbm>>, %arg5: memref<10240x128xf32, #tpu.memory_space<vmem_shared>>, %arg6: memref<2x2x128xi32, #tpu.memory_space<vmem>>, %arg7: memref<128x128xf32, #tpu.memory_space<vmem>>, %arg8: memref<128x128xf32, #tpu.memory_space<vmem>>, %arg9: memref<!tpu.dma_semaphore, #tpu.memory_space<semaphore_mem>>, %arg10: memref<!tpu.dma_semaphore, #tpu.memory_space<semaphore_mem>>, %arg11: memref<!tpu.dma_semaphore, #tpu.memory_space<semaphore_mem>>, %arg12: memref<!tpu.dma_semaphore, #tpu.memory_space<semaphore_mem>>) attributes {dimension_semantics = [#tpu.dimension_semantics<core_parallel>, #tpu.dimension_semantics<subcore_parallel>], iteration_bounds = array<i64: 2, 16>, scalar_prefetch = 0 : i64, scratch_operands = 8 : i64, tpu.core_type = #tpu.core_type<sc_vector_subcore>, window_params = [{transform_indices = #map}, {transform_indices = #map}, {transform_indices = #map1}]} {
    %mul3A = arith.constant 2 : i32
    %mul3A_0 = arith.muli %arg1, %mul3A : i32
    %add3A = arith.addi %mul3A_0, %arg0 : i32
    %mul3A_1 = arith.constant 640 : i32
    %mul3A_2 = arith.muli %arg1, %mul3A_1 : i32
    "tpu.region"() ({
      %run_scoped3A = tpu.sem_alloc : memref<!tpu.dma_semaphore, #tpu.memory_space<semaphore_mem>>
      %dma_start3A_72 = arith.constant 0 : i32
      %dma_start3A_73 = tpu.memref_slice %arg5[%mul3A_2, %dma_start3A_72] : memref<10240x128xf32, #tpu.memory_space<vmem_shared>> -> memref<640x128xf32, #tpu.memory_space<vmem_shared>>
      %dma_start3A_74 = arith.constant 0 : i32
      %dma_start3A_75 = tpu.memref_slice %arg2[%mul3A_2, %dma_start3A_74] : memref<10240x128xf32, #tpu.memory_space<hbm>> -> memref<640x128xf32, #tpu.memory_space<hbm>>
      tpu.enqueue_dma source(%dma_start3A_75 : memref<640x128xf32, #tpu.memory_space<hbm>>) target(%dma_start3A_73 : memref<640x128xf32, #tpu.memory_space<vmem_shared>>) target_semaphore(%run_scoped3A : memref<!tpu.dma_semaphore, #tpu.memory_space<semaphore_mem>>)
      %dma_wait3A = arith.constant 0 : i32
      %dma_wait3A_76 = tpu.memref_slice %arg5[%mul3A_2, %dma_wait3A] : memref<10240x128xf32, #tpu.memory_space<vmem_shared>> -> memref<640x128xf32, #tpu.memory_space<vmem_shared>>
      %dma_wait3A_77 = arith.constant 0 : i32
      %dma_wait3A_78 = tpu.memref_slice %arg2[%mul3A_2, %dma_wait3A_77] : memref<10240x128xf32, #tpu.memory_space<hbm>> -> memref<640x128xf32, #tpu.memory_space<hbm>>
      tpu.wait_dma2 semaphore(%run_scoped3A : memref<!tpu.dma_semaphore, #tpu.memory_space<semaphore_mem>>) src(%dma_wait3A_78 : memref<640x128xf32, #tpu.memory_space<hbm>>) dst(%dma_wait3A_76 : memref<640x128xf32, #tpu.memory_space<vmem_shared>>)
      tpu.yield
    }) : () -> ()
    %barrier3A = arith.constant 0 : index
    tpu.barrier barrier_id(%barrier3A)
    %mul3A_3 = arith.constant 128 : i32
    %mul3A_4 = arith.muli %add3A, %mul3A_3 : i32
    %dma_start3A = arith.constant 0 : i32
    %dma_start3A_5 = arith.constant 0 : i32
    %dma_start3A_6 = arith.constant 0 : i32
    %dma_start3A_7 = arith.constant 0 : i32
    %dma_start3A_8 = tpu.memref_slice %arg6[%dma_start3A_5, %dma_start3A_6, %dma_start3A_7] : memref<2x2x128xi32, #tpu.memory_space<vmem>> -> memref<1x1x128xi32, #tpu.memory_space<vmem>>
    %dma_start3A_9 = tpu.memref_squeeze %dma_start3A_8 : memref<1x1x128xi32, #tpu.memory_space<vmem>> -> memref<128xi32, #tpu.memory_space<vmem>>
    %dma_start3A_10 = tpu.memref_slice %arg3[%dma_start3A, %mul3A_4] : memref<2x320000xi32, #tpu.memory_space<hbm>> -> memref<1x128xi32, #tpu.memory_space<hbm>>
    %dma_start3A_11 = tpu.memref_squeeze %dma_start3A_10 : memref<1x128xi32, #tpu.memory_space<hbm>> -> memref<128xi32, #tpu.memory_space<hbm>>
    %dma_start3A_12 = arith.constant 0 : i32
    %dma_start3A_13 = tpu.memref_slice %arg6[%dma_start3A_5, %dma_start3A_6, %dma_start3A_12] : memref<2x2x128xi32, #tpu.memory_space<vmem>> -> memref<1x1x128xi32, #tpu.memory_space<vmem>>
    %dma_start3A_14 = tpu.memref_squeeze %dma_start3A_13 : memref<1x1x128xi32, #tpu.memory_space<vmem>> -> memref<128xi32, #tpu.memory_space<vmem>>
    %dma_start3A_15 = tpu.memref_slice %arg3[%dma_start3A, %mul3A_4] : memref<2x320000xi32, #tpu.memory_space<hbm>> -> memref<1x128xi32, #tpu.memory_space<hbm>>
    %dma_start3A_16 = tpu.memref_squeeze %dma_start3A_15 : memref<1x128xi32, #tpu.memory_space<hbm>> -> memref<128xi32, #tpu.memory_space<hbm>>
    tpu.enqueue_dma source(%dma_start3A_16 : memref<128xi32, #tpu.memory_space<hbm>>) target(%dma_start3A_14 : memref<128xi32, #tpu.memory_space<vmem>>) target_semaphore(%arg9 : memref<!tpu.dma_semaphore, #tpu.memory_space<semaphore_mem>>)
    %mul3A_17 = arith.constant 128 : i32
    %mul3A_18 = arith.muli %add3A, %mul3A_17 : i32
    %dma_start3A_19 = arith.constant 1 : i32
    %dma_start3A_20 = arith.constant 0 : i32
    %dma_start3A_21 = arith.constant 1 : i32
    %dma_start3A_22 = arith.constant 0 : i32
    %dma_start3A_23 = tpu.memref_slice %arg6[%dma_start3A_20, %dma_start3A_21, %dma_start3A_22] : memref<2x2x128xi32, #tpu.memory_space<vmem>> -> memref<1x1x128xi32, #tpu.memory_space<vmem>>
    %dma_start3A_24 = tpu.memref_squeeze %dma_start3A_23 : memref<1x1x128xi32, #tpu.memory_space<vmem>> -> memref<128xi32, #tpu.memory_space<vmem>>
    %dma_start3A_25 = tpu.memref_slice %arg3[%dma_start3A_19, %mul3A_18] : memref<2x320000xi32, #tpu.memory_space<hbm>> -> memref<1x128xi32, #tpu.memory_space<hbm>>
    %dma_start3A_26 = tpu.memref_squeeze %dma_start3A_25 : memref<1x128xi32, #tpu.memory_space<hbm>> -> memref<128xi32, #tpu.memory_space<hbm>>
    %dma_start3A_27 = arith.constant 0 : i32
    %dma_start3A_28 = tpu.memref_slice %arg6[%dma_start3A_20, %dma_start3A_21, %dma_start3A_27] : memref<2x2x128xi32, #tpu.memory_space<vmem>> -> memref<1x1x128xi32, #tpu.memory_space<vmem>>
    %dma_start3A_29 = tpu.memref_squeeze %dma_start3A_28 : memref<1x1x128xi32, #tpu.memory_space<vmem>> -> memref<128xi32, #tpu.memory_space<vmem>>
    %dma_start3A_30 = tpu.memref_slice %arg3[%dma_start3A_19, %mul3A_18] : memref<2x320000xi32, #tpu.memory_space<hbm>> -> memref<1x128xi32, #tpu.memory_space<hbm>>
    %dma_start3A_31 = tpu.memref_squeeze %dma_start3A_30 : memref<1x128xi32, #tpu.memory_space<hbm>> -> memref<128xi32, #tpu.memory_space<hbm>>
    tpu.enqueue_dma source(%dma_start3A_31 : memref<128xi32, #tpu.memory_space<hbm>>) target(%dma_start3A_29 : memref<128xi32, #tpu.memory_space<vmem>>) target_semaphore(%arg9 : memref<!tpu.dma_semaphore, #tpu.memory_space<semaphore_mem>>)
    %add3A_32 = arith.constant 32 : i32
    %add3A_33 = arith.addi %add3A, %add3A_32 : i32
    %mul3A_34 = arith.constant 128 : i32
    %mul3A_35 = arith.muli %add3A_33, %mul3A_34 : i32
    %dma_start3A_36 = arith.constant 0 : i32
    %dma_start3A_37 = arith.constant 1 : i32
    %dma_start3A_38 = arith.constant 0 : i32
    %dma_start3A_39 = arith.constant 0 : i32
    %dma_start3A_40 = tpu.memref_slice %arg6[%dma_start3A_37, %dma_start3A_38, %dma_start3A_39] : memref<2x2x128xi32, #tpu.memory_space<vmem>> -> memref<1x1x128xi32, #tpu.memory_space<vmem>>
    %dma_start3A_41 = tpu.memref_squeeze %dma_start3A_40 : memref<1x1x128xi32, #tpu.memory_space<vmem>> -> memref<128xi32, #tpu.memory_space<vmem>>
    %dma_start3A_42 = tpu.memref_slice %arg3[%dma_start3A_36, %mul3A_35] : memref<2x320000xi32, #tpu.memory_space<hbm>> -> memref<1x128xi32, #tpu.memory_space<hbm>>
    %dma_start3A_43 = tpu.memref_squeeze %dma_start3A_42 : memref<1x128xi32, #tpu.memory_space<hbm>> -> memref<128xi32, #tpu.memory_space<hbm>>
    %dma_start3A_44 = arith.constant 0 : i32
    %dma_start3A_45 = tpu.memref_slice %arg6[%dma_start3A_37, %dma_start3A_38, %dma_start3A_44] : memref<2x2x128xi32, #tpu.memory_space<vmem>> -> memref<1x1x128xi32, #tpu.memory_space<vmem>>
    %dma_start3A_46 = tpu.memref_squeeze %dma_start3A_45 : memref<1x1x128xi32, #tpu.memory_space<vmem>> -> memref<128xi32, #tpu.memory_space<vmem>>
    %dma_start3A_47 = tpu.memref_slice %arg3[%dma_start3A_36, %mul3A_35] : memref<2x320000xi32, #tpu.memory_space<hbm>> -> memref<1x128xi32, #tpu.memory_space<hbm>>
    %dma_start3A_48 = tpu.memref_squeeze %dma_start3A_47 : memref<1x128xi32, #tpu.memory_space<hbm>> -> memref<128xi32, #tpu.memory_space<hbm>>
    tpu.enqueue_dma source(%dma_start3A_48 : memref<128xi32, #tpu.memory_space<hbm>>) target(%dma_start3A_46 : memref<128xi32, #tpu.memory_space<vmem>>) target_semaphore(%arg10 : memref<!tpu.dma_semaphore, #tpu.memory_space<semaphore_mem>>)
    %mul3A_49 = arith.constant 128 : i32
    %mul3A_50 = arith.muli %add3A_33, %mul3A_49 : i32
    %dma_start3A_51 = arith.constant 1 : i32
    %dma_start3A_52 = arith.constant 1 : i32
    %dma_start3A_53 = arith.constant 1 : i32
    %dma_start3A_54 = arith.constant 0 : i32
    %dma_start3A_55 = tpu.memref_slice %arg6[%dma_start3A_52, %dma_start3A_53, %dma_start3A_54] : memref<2x2x128xi32, #tpu.memory_space<vmem>> -> memref<1x1x128xi32, #tpu.memory_space<vmem>>
    %dma_start3A_56 = tpu.memref_squeeze %dma_start3A_55 : memref<1x1x128xi32, #tpu.memory_space<vmem>> -> memref<128xi32, #tpu.memory_space<vmem>>
    %dma_start3A_57 = tpu.memref_slice %arg3[%dma_start3A_51, %mul3A_50] : memref<2x320000xi32, #tpu.memory_space<hbm>> -> memref<1x128xi32, #tpu.memory_space<hbm>>
    %dma_start3A_58 = tpu.memref_squeeze %dma_start3A_57 : memref<1x128xi32, #tpu.memory_space<hbm>> -> memref<128xi32, #tpu.memory_space<hbm>>
    %dma_start3A_59 = arith.constant 0 : i32
    %dma_start3A_60 = tpu.memref_slice %arg6[%dma_start3A_52, %dma_start3A_53, %dma_start3A_59] : memref<2x2x128xi32, #tpu.memory_space<vmem>> -> memref<1x1x128xi32, #tpu.memory_space<vmem>>
    %dma_start3A_61 = tpu.memref_squeeze %dma_start3A_60 : memref<1x1x128xi32, #tpu.memory_space<vmem>> -> memref<128xi32, #tpu.memory_space<vmem>>
    %dma_start3A_62 = tpu.memref_slice %arg3[%dma_start3A_51, %mul3A_50] : memref<2x320000xi32, #tpu.memory_space<hbm>> -> memref<1x128xi32, #tpu.memory_space<hbm>>
    %dma_start3A_63 = tpu.memref_squeeze %dma_start3A_62 : memref<1x128xi32, #tpu.memory_space<hbm>> -> memref<128xi32, #tpu.memory_space<hbm>>
    tpu.enqueue_dma source(%dma_start3A_63 : memref<128xi32, #tpu.memory_space<hbm>>) target(%dma_start3A_61 : memref<128xi32, #tpu.memory_space<vmem>>) target_semaphore(%arg10 : memref<!tpu.dma_semaphore, #tpu.memory_space<semaphore_mem>>)
    %scan3A = arith.constant 0 : i32
    %scan3A_64 = arith.constant 0 : i32
    %scan3A_65 = arith.constant 39 : i32
    %scan3A_66 = arith.addi %scan3A_64, %scan3A_65 : i32
    %scan3A_67 = arith.constant 1 : i32
    scf.for %scan3A_72 = %scan3A_64 to %scan3A_66 step %scan3A_67  : i32 {
      %mul3A_73 = arith.constant 2 : i32
      %mul3A_74 = arith.muli %mul3A_73, %scan3A_72 : i32
      %mul3A_75 = arith.constant 32 : i32
      %mul3A_76 = arith.muli %mul3A_74, %mul3A_75 : i32
      %add3A_77 = arith.addi %add3A, %mul3A_76 : i32
      %dma_wait3A = arith.constant 0 : i32
      %dma_wait3A_78 = arith.constant 0 : i32
      %dma_wait3A_79 = arith.constant 0 : i32
      %dma_wait3A_80 = arith.constant 0 : i32
      %dma_wait3A_81 = tpu.memref_slice %arg6[%dma_wait3A_78, %dma_wait3A_79, %dma_wait3A_80] : memref<2x2x128xi32, #tpu.memory_space<vmem>> -> memref<1x1x128xi32, #tpu.memory_space<vmem>>
      %dma_wait3A_82 = tpu.memref_squeeze %dma_wait3A_81 : memref<1x1x128xi32, #tpu.memory_space<vmem>> -> memref<128xi32, #tpu.memory_space<vmem>>
      %dma_wait3A_83 = arith.constant 0 : i32
      %dma_wait3A_84 = tpu.memref_slice %arg3[%dma_wait3A, %dma_wait3A_83] : memref<2x320000xi32, #tpu.memory_space<hbm>> -> memref<1x128xi32, #tpu.memory_space<hbm>>
      %dma_wait3A_85 = tpu.memref_squeeze %dma_wait3A_84 : memref<1x128xi32, #tpu.memory_space<hbm>> -> memref<128xi32, #tpu.memory_space<hbm>>
      %dma_wait3A_86 = arith.constant 0 : i32
      %dma_wait3A_87 = tpu.memref_slice %arg6[%dma_wait3A_78, %dma_wait3A_79, %dma_wait3A_86] : memref<2x2x128xi32, #tpu.memory_space<vmem>> -> memref<1x1x128xi32, #tpu.memory_space<vmem>>
      %dma_wait3A_88 = tpu.memref_squeeze %dma_wait3A_87 : memref<1x1x128xi32, #tpu.memory_space<vmem>> -> memref<128xi32, #tpu.memory_space<vmem>>
      %dma_wait3A_89 = arith.constant 0 : i32
      %dma_wait3A_90 = tpu.memref_slice %arg3[%dma_wait3A, %dma_wait3A_89] : memref<2x320000xi32, #tpu.memory_space<hbm>> -> memref<1x128xi32, #tpu.memory_space<hbm>>
      %dma_wait3A_91 = tpu.memref_squeeze %dma_wait3A_90 : memref<1x128xi32, #tpu.memory_space<hbm>> -> memref<128xi32, #tpu.memory_space<hbm>>
      tpu.wait_dma2 semaphore(%arg9 : memref<!tpu.dma_semaphore, #tpu.memory_space<semaphore_mem>>) src(%dma_wait3A_91 : memref<128xi32, #tpu.memory_space<hbm>>) dst(%dma_wait3A_88 : memref<128xi32, #tpu.memory_space<vmem>>)
      %dma_wait3A_92 = arith.constant 1 : i32
      %dma_wait3A_93 = arith.constant 0 : i32
      %dma_wait3A_94 = arith.constant 1 : i32
      %dma_wait3A_95 = arith.constant 0 : i32
      %dma_wait3A_96 = tpu.memref_slice %arg6[%dma_wait3A_93, %dma_wait3A_94, %dma_wait3A_95] : memref<2x2x128xi32, #tpu.memory_space<vmem>> -> memref<1x1x128xi32, #tpu.memory_space<vmem>>
      %dma_wait3A_97 = tpu.memref_squeeze %dma_wait3A_96 : memref<1x1x128xi32, #tpu.memory_space<vmem>> -> memref<128xi32, #tpu.memory_space<vmem>>
      %dma_wait3A_98 = arith.constant 0 : i32
      %dma_wait3A_99 = tpu.memref_slice %arg3[%dma_wait3A_92, %dma_wait3A_98] : memref<2x320000xi32, #tpu.memory_space<hbm>> -> memref<1x128xi32, #tpu.memory_space<hbm>>
      %dma_wait3A_100 = tpu.memref_squeeze %dma_wait3A_99 : memref<1x128xi32, #tpu.memory_space<hbm>> -> memref<128xi32, #tpu.memory_space<hbm>>
      %dma_wait3A_101 = arith.constant 0 : i32
      %dma_wait3A_102 = tpu.memref_slice %arg6[%dma_wait3A_93, %dma_wait3A_94, %dma_wait3A_101] : memref<2x2x128xi32, #tpu.memory_space<vmem>> -> memref<1x1x128xi32, #tpu.memory_space<vmem>>
      %dma_wait3A_103 = tpu.memref_squeeze %dma_wait3A_102 : memref<1x1x128xi32, #tpu.memory_space<vmem>> -> memref<128xi32, #tpu.memory_space<vmem>>
      %dma_wait3A_104 = arith.constant 0 : i32
      %dma_wait3A_105 = tpu.memref_slice %arg3[%dma_wait3A_92, %dma_wait3A_104] : memref<2x320000xi32, #tpu.memory_space<hbm>> -> memref<1x128xi32, #tpu.memory_space<hbm>>
      %dma_wait3A_106 = tpu.memref_squeeze %dma_wait3A_105 : memref<1x128xi32, #tpu.memory_space<hbm>> -> memref<128xi32, #tpu.memory_space<hbm>>
      tpu.wait_dma2 semaphore(%arg9 : memref<!tpu.dma_semaphore, #tpu.memory_space<semaphore_mem>>) src(%dma_wait3A_106 : memref<128xi32, #tpu.memory_space<hbm>>) dst(%dma_wait3A_103 : memref<128xi32, #tpu.memory_space<vmem>>)
      %dma_start3A_107 = arith.constant 0 : i32
      %dma_start3A_108 = arith.constant 0 : i32
      %dma_start3A_109 = arith.constant 0 : i32
      %dma_start3A_110 = tpu.memref_slice %arg6[%dma_start3A_107, %dma_start3A_108, %dma_start3A_109] : memref<2x2x128xi32, #tpu.memory_space<vmem>> -> memref<1x1x128xi32, #tpu.memory_space<vmem>>
      %dma_start3A_111 = tpu.memref_squeeze %dma_start3A_110 : memref<1x1x128xi32, #tpu.memory_space<vmem>> -> memref<128xi32, #tpu.memory_space<vmem>>
      %dma_start3A_112 = arith.constant 0 : i32
      %dma_start3A_113 = arith.constant 0 : i32
      %dma_start3A_114 = tpu.memref_slice %arg2[%dma_start3A_112, %dma_start3A_113] : memref<10240x128xf32, #tpu.memory_space<hbm>> -> memref<10240x128xf32, #tpu.memory_space<hbm>>
      tpu.enqueue_indirect_dma source(%dma_start3A_114 : memref<10240x128xf32, #tpu.memory_space<hbm>>) target(%arg7 : memref<128x128xf32, #tpu.memory_space<vmem>>) offsets(%dma_start3A_111 : memref<128xi32, #tpu.memory_space<vmem>>) semaphore(%arg11 : memref<!tpu.dma_semaphore, #tpu.memory_space<semaphore_mem>>)
      %dma_wait3A_115 = arith.constant 0 : i32
      %dma_wait3A_116 = arith.constant 1 : i32
      %dma_wait3A_117 = arith.constant 0 : i32
      %dma_wait3A_118 = arith.constant 0 : i32
      %dma_wait3A_119 = tpu.memref_slice %arg6[%dma_wait3A_116, %dma_wait3A_117, %dma_wait3A_118] : memref<2x2x128xi32, #tpu.memory_space<vmem>> -> memref<1x1x128xi32, #tpu.memory_space<vmem>>
      %dma_wait3A_120 = tpu.memref_squeeze %dma_wait3A_119 : memref<1x1x128xi32, #tpu.memory_space<vmem>> -> memref<128xi32, #tpu.memory_space<vmem>>
      %dma_wait3A_121 = arith.constant 0 : i32
      %dma_wait3A_122 = tpu.memref_slice %arg3[%dma_wait3A_115, %dma_wait3A_121] : memref<2x320000xi32, #tpu.memory_space<hbm>> -> memref<1x128xi32, #tpu.memory_space<hbm>>
      %dma_wait3A_123 = tpu.memref_squeeze %dma_wait3A_122 : memref<1x128xi32, #tpu.memory_space<hbm>> -> memref<128xi32, #tpu.memory_space<hbm>>
      %dma_wait3A_124 = arith.constant 0 : i32
      %dma_wait3A_125 = tpu.memref_slice %arg6[%dma_wait3A_116, %dma_wait3A_117, %dma_wait3A_124] : memref<2x2x128xi32, #tpu.memory_space<vmem>> -> memref<1x1x128xi32, #tpu.memory_space<vmem>>
      %dma_wait3A_126 = tpu.memref_squeeze %dma_wait3A_125 : memref<1x1x128xi32, #tpu.memory_space<vmem>> -> memref<128xi32, #tpu.memory_space<vmem>>
      %dma_wait3A_127 = arith.constant 0 : i32
      %dma_wait3A_128 = tpu.memref_slice %arg3[%dma_wait3A_115, %dma_wait3A_127] : memref<2x320000xi32, #tpu.memory_space<hbm>> -> memref<1x128xi32, #tpu.memory_space<hbm>>
      %dma_wait3A_129 = tpu.memref_squeeze %dma_wait3A_128 : memref<1x128xi32, #tpu.memory_space<hbm>> -> memref<128xi32, #tpu.memory_space<hbm>>
      tpu.wait_dma2 semaphore(%arg10 : memref<!tpu.dma_semaphore, #tpu.memory_space<semaphore_mem>>) src(%dma_wait3A_129 : memref<128xi32, #tpu.memory_space<hbm>>) dst(%dma_wait3A_126 : memref<128xi32, #tpu.memory_space<vmem>>)
      %dma_wait3A_130 = arith.constant 1 : i32
      %dma_wait3A_131 = arith.constant 1 : i32
      %dma_wait3A_132 = arith.constant 1 : i32
      %dma_wait3A_133 = arith.constant 0 : i32
      %dma_wait3A_134 = tpu.memref_slice %arg6[%dma_wait3A_131, %dma_wait3A_132, %dma_wait3A_133] : memref<2x2x128xi32, #tpu.memory_space<vmem>> -> memref<1x1x128xi32, #tpu.memory_space<vmem>>
      %dma_wait3A_135 = tpu.memref_squeeze %dma_wait3A_134 : memref<1x1x128xi32, #tpu.memory_space<vmem>> -> memref<128xi32, #tpu.memory_space<vmem>>
      %dma_wait3A_136 = arith.constant 0 : i32
      %dma_wait3A_137 = tpu.memref_slice %arg3[%dma_wait3A_130, %dma_wait3A_136] : memref<2x320000xi32, #tpu.memory_space<hbm>> -> memref<1x128xi32, #tpu.memory_space<hbm>>
      %dma_wait3A_138 = tpu.memref_squeeze %dma_wait3A_137 : memref<1x128xi32, #tpu.memory_space<hbm>> -> memref<128xi32, #tpu.memory_space<hbm>>
      %dma_wait3A_139 = arith.constant 0 : i32
      %dma_wait3A_140 = tpu.memref_slice %arg6[%dma_wait3A_131, %dma_wait3A_132, %dma_wait3A_139] : memref<2x2x128xi32, #tpu.memory_space<vmem>> -> memref<1x1x128xi32, #tpu.memory_space<vmem>>
      %dma_wait3A_141 = tpu.memref_squeeze %dma_wait3A_140 : memref<1x1x128xi32, #tpu.memory_space<vmem>> -> memref<128xi32, #tpu.memory_space<vmem>>
      %dma_wait3A_142 = arith.constant 0 : i32
      %dma_wait3A_143 = tpu.memref_slice %arg3[%dma_wait3A_130, %dma_wait3A_142] : memref<2x320000xi32, #tpu.memory_space<hbm>> -> memref<1x128xi32, #tpu.memory_space<hbm>>
      %dma_wait3A_144 = tpu.memref_squeeze %dma_wait3A_143 : memref<1x128xi32, #tpu.memory_space<hbm>> -> memref<128xi32, #tpu.memory_space<hbm>>
      tpu.wait_dma2 semaphore(%arg10 : memref<!tpu.dma_semaphore, #tpu.memory_space<semaphore_mem>>) src(%dma_wait3A_144 : memref<128xi32, #tpu.memory_space<hbm>>) dst(%dma_wait3A_141 : memref<128xi32, #tpu.memory_space<vmem>>)
      %dma_start3A_145 = arith.constant 1 : i32
      %dma_start3A_146 = arith.constant 0 : i32
      %dma_start3A_147 = arith.constant 0 : i32
      %dma_start3A_148 = tpu.memref_slice %arg6[%dma_start3A_145, %dma_start3A_146, %dma_start3A_147] : memref<2x2x128xi32, #tpu.memory_space<vmem>> -> memref<1x1x128xi32, #tpu.memory_space<vmem>>
      %dma_start3A_149 = tpu.memref_squeeze %dma_start3A_148 : memref<1x1x128xi32, #tpu.memory_space<vmem>> -> memref<128xi32, #tpu.memory_space<vmem>>
      %dma_start3A_150 = arith.constant 0 : i32
      %dma_start3A_151 = arith.constant 0 : i32
      %dma_start3A_152 = tpu.memref_slice %arg2[%dma_start3A_150, %dma_start3A_151] : memref<10240x128xf32, #tpu.memory_space<hbm>> -> memref<10240x128xf32, #tpu.memory_space<hbm>>
      tpu.enqueue_indirect_dma source(%dma_start3A_152 : memref<10240x128xf32, #tpu.memory_space<hbm>>) target(%arg8 : memref<128x128xf32, #tpu.memory_space<vmem>>) offsets(%dma_start3A_149 : memref<128xi32, #tpu.memory_space<vmem>>) semaphore(%arg12 : memref<!tpu.dma_semaphore, #tpu.memory_space<semaphore_mem>>)
      %dma_wait3A_153 = arith.constant 0 : i32
      %dma_wait3A_154 = arith.constant 0 : i32
      %dma_wait3A_155 = arith.constant 0 : i32
      %dma_wait3A_156 = tpu.memref_slice %arg6[%dma_wait3A_153, %dma_wait3A_154, %dma_wait3A_155] : memref<2x2x128xi32, #tpu.memory_space<vmem>> -> memref<1x1x128xi32, #tpu.memory_space<vmem>>
      %dma_wait3A_157 = tpu.memref_squeeze %dma_wait3A_156 : memref<1x1x128xi32, #tpu.memory_space<vmem>> -> memref<128xi32, #tpu.memory_space<vmem>>
      %dma_wait3A_158 = arith.constant 0 : i32
      %dma_wait3A_159 = arith.constant 0 : i32
      %dma_wait3A_160 = tpu.memref_slice %arg2[%dma_wait3A_158, %dma_wait3A_159] : memref<10240x128xf32, #tpu.memory_space<hbm>> -> memref<10240x128xf32, #tpu.memory_space<hbm>>
      tpu.wait_indirect_dma semaphore(%arg11 : memref<!tpu.dma_semaphore, #tpu.memory_space<semaphore_mem>>) src(%dma_wait3A_160 : memref<10240x128xf32, #tpu.memory_space<hbm>>) dst(%arg7 : memref<128x128xf32, #tpu.memory_space<vmem>>)
      %run_scoped3A = arith.constant 0 : i32
      %run_scoped3A_161 = arith.constant 1 : i32
      "tpu.region"() ({
        %run_scoped3A_186 = tpu.sem_alloc : memref<!tpu.dma_semaphore, #tpu.memory_space<semaphore_mem>>
        %dma_start3A_187 = arith.constant 0 : i32
        %dma_start3A_188 = tpu.memref_slice %arg6[%run_scoped3A, %run_scoped3A_161, %dma_start3A_187] : memref<2x2x128xi32, #tpu.memory_space<vmem>> -> memref<1x1x128xi32, #tpu.memory_space<vmem>>
        %dma_start3A_189 = tpu.memref_squeeze %dma_start3A_188 : memref<1x1x128xi32, #tpu.memory_space<vmem>> -> memref<128xi32, #tpu.memory_space<vmem>>
        %dma_start3A_190 = arith.constant 0 : i32
        %dma_start3A_191 = arith.constant 0 : i32
        %dma_start3A_192 = tpu.memref_slice %arg5[%dma_start3A_190, %dma_start3A_191] : memref<10240x128xf32, #tpu.memory_space<vmem_shared>> -> memref<10240x128xf32, #tpu.memory_space<vmem_shared>>
        tpu.enqueue_indirect_dma source(%arg7 : memref<128x128xf32, #tpu.memory_space<vmem>>) target(%dma_start3A_192 : memref<10240x128xf32, #tpu.memory_space<vmem_shared>>) offsets(%dma_start3A_189 : memref<128xi32, #tpu.memory_space<vmem>>) semaphore(%run_scoped3A_186 : memref<!tpu.dma_semaphore, #tpu.memory_space<semaphore_mem>>) {add = true}
        %dma_wait3A_193 = arith.constant 0 : i32
        %dma_wait3A_194 = tpu.memref_slice %arg6[%run_scoped3A, %run_scoped3A_161, %dma_wait3A_193] : memref<2x2x128xi32, #tpu.memory_space<vmem>> -> memref<1x1x128xi32, #tpu.memory_space<vmem>>
        %dma_wait3A_195 = tpu.memref_squeeze %dma_wait3A_194 : memref<1x1x128xi32, #tpu.memory_space<vmem>> -> memref<128xi32, #tpu.memory_space<vmem>>
        %dma_wait3A_196 = arith.constant 0 : i32
        %dma_wait3A_197 = arith.constant 0 : i32
        %dma_wait3A_198 = tpu.memref_slice %arg5[%dma_wait3A_196, %dma_wait3A_197] : memref<10240x128xf32, #tpu.memory_space<vmem_shared>> -> memref<10240x128xf32, #tpu.memory_space<vmem_shared>>
        tpu.wait_indirect_dma semaphore(%run_scoped3A_186 : memref<!tpu.dma_semaphore, #tpu.memory_space<semaphore_mem>>) src(%arg7 : memref<128x128xf32, #tpu.memory_space<vmem>>) dst(%dma_wait3A_198 : memref<10240x128xf32, #tpu.memory_space<vmem_shared>>)
        tpu.yield
      }) : () -> ()
      %add3A_162 = arith.constant 1 : i32
      %add3A_163 = arith.addi %scan3A_72, %add3A_162 : i32
      %lt3A_164 = arith.constant 39 : i32
      %lt3A_165 = arith.cmpi slt, %add3A_163, %lt3A_164 : i32
      %convert_element_type3A_166 = arith.extui %lt3A_165 : i1 to i32
      %cond3A_167 = arith.constant 0 : i32
      %cond3A_168 = arith.cmpi ne, %convert_element_type3A_166, %cond3A_167 : i32
      scf.if %cond3A_168 {
        %add3A_186 = arith.constant 64 : i32
        %add3A_187 = arith.addi %add3A_77, %add3A_186 : i32
        %mul3A_188 = arith.constant 128 : i32
        %mul3A_189 = arith.muli %add3A_187, %mul3A_188 : i32
        %dma_start3A_190 = arith.constant 0 : i32
        %dma_start3A_191 = arith.constant 0 : i32
        %dma_start3A_192 = arith.constant 0 : i32
        %dma_start3A_193 = arith.constant 0 : i32
        %dma_start3A_194 = tpu.memref_slice %arg6[%dma_start3A_191, %dma_start3A_192, %dma_start3A_193] : memref<2x2x128xi32, #tpu.memory_space<vmem>> -> memref<1x1x128xi32, #tpu.memory_space<vmem>>
        %dma_start3A_195 = tpu.memref_squeeze %dma_start3A_194 : memref<1x1x128xi32, #tpu.memory_space<vmem>> -> memref<128xi32, #tpu.memory_space<vmem>>
        %dma_start3A_196 = tpu.memref_slice %arg3[%dma_start3A_190, %mul3A_189] : memref<2x320000xi32, #tpu.memory_space<hbm>> -> memref<1x128xi32, #tpu.memory_space<hbm>>
        %dma_start3A_197 = tpu.memref_squeeze %dma_start3A_196 : memref<1x128xi32, #tpu.memory_space<hbm>> -> memref<128xi32, #tpu.memory_space<hbm>>
        %dma_start3A_198 = arith.constant 0 : i32
        %dma_start3A_199 = tpu.memref_slice %arg6[%dma_start3A_191, %dma_start3A_192, %dma_start3A_198] : memref<2x2x128xi32, #tpu.memory_space<vmem>> -> memref<1x1x128xi32, #tpu.memory_space<vmem>>
        %dma_start3A_200 = tpu.memref_squeeze %dma_start3A_199 : memref<1x1x128xi32, #tpu.memory_space<vmem>> -> memref<128xi32, #tpu.memory_space<vmem>>
        %dma_start3A_201 = tpu.memref_slice %arg3[%dma_start3A_190, %mul3A_189] : memref<2x320000xi32, #tpu.memory_space<hbm>> -> memref<1x128xi32, #tpu.memory_space<hbm>>
        %dma_start3A_202 = tpu.memref_squeeze %dma_start3A_201 : memref<1x128xi32, #tpu.memory_space<hbm>> -> memref<128xi32, #tpu.memory_space<hbm>>
        tpu.enqueue_dma source(%dma_start3A_202 : memref<128xi32, #tpu.memory_space<hbm>>) target(%dma_start3A_200 : memref<128xi32, #tpu.memory_space<vmem>>) target_semaphore(%arg9 : memref<!tpu.dma_semaphore, #tpu.memory_space<semaphore_mem>>)
        %mul3A_203 = arith.constant 128 : i32
        %mul3A_204 = arith.muli %add3A_187, %mul3A_203 : i32
        %dma_start3A_205 = arith.constant 1 : i32
        %dma_start3A_206 = arith.constant 0 : i32
        %dma_start3A_207 = arith.constant 1 : i32
        %dma_start3A_208 = arith.constant 0 : i32
        %dma_start3A_209 = tpu.memref_slice %arg6[%dma_start3A_206, %dma_start3A_207, %dma_start3A_208] : memref<2x2x128xi32, #tpu.memory_space<vmem>> -> memref<1x1x128xi32, #tpu.memory_space<vmem>>
        %dma_start3A_210 = tpu.memref_squeeze %dma_start3A_209 : memref<1x1x128xi32, #tpu.memory_space<vmem>> -> memref<128xi32, #tpu.memory_space<vmem>>
        %dma_start3A_211 = tpu.memref_slice %arg3[%dma_start3A_205, %mul3A_204] : memref<2x320000xi32, #tpu.memory_space<hbm>> -> memref<1x128xi32, #tpu.memory_space<hbm>>
        %dma_start3A_212 = tpu.memref_squeeze %dma_start3A_211 : memref<1x128xi32, #tpu.memory_space<hbm>> -> memref<128xi32, #tpu.memory_space<hbm>>
        %dma_start3A_213 = arith.constant 0 : i32
        %dma_start3A_214 = tpu.memref_slice %arg6[%dma_start3A_206, %dma_start3A_207, %dma_start3A_213] : memref<2x2x128xi32, #tpu.memory_space<vmem>> -> memref<1x1x128xi32, #tpu.memory_space<vmem>>
        %dma_start3A_215 = tpu.memref_squeeze %dma_start3A_214 : memref<1x1x128xi32, #tpu.memory_space<vmem>> -> memref<128xi32, #tpu.memory_space<vmem>>
        %dma_start3A_216 = tpu.memref_slice %arg3[%dma_start3A_205, %mul3A_204] : memref<2x320000xi32, #tpu.memory_space<hbm>> -> memref<1x128xi32, #tpu.memory_space<hbm>>
        %dma_start3A_217 = tpu.memref_squeeze %dma_start3A_216 : memref<1x128xi32, #tpu.memory_space<hbm>> -> memref<128xi32, #tpu.memory_space<hbm>>
        tpu.enqueue_dma source(%dma_start3A_217 : memref<128xi32, #tpu.memory_space<hbm>>) target(%dma_start3A_215 : memref<128xi32, #tpu.memory_space<vmem>>) target_semaphore(%arg9 : memref<!tpu.dma_semaphore, #tpu.memory_space<semaphore_mem>>)
      } else {
      }
      %dma_wait3A_169 = arith.constant 1 : i32
      %dma_wait3A_170 = arith.constant 0 : i32
      %dma_wait3A_171 = arith.constant 0 : i32
      %dma_wait3A_172 = tpu.memref_slice %arg6[%dma_wait3A_169, %dma_wait3A_170, %dma_wait3A_171] : memref<2x2x128xi32, #tpu.memory_space<vmem>> -> memref<1x1x128xi32, #tpu.memory_space<vmem>>
      %dma_wait3A_173 = tpu.memref_squeeze %dma_wait3A_172 : memref<1x1x128xi32, #tpu.memory_space<vmem>> -> memref<128xi32, #tpu.memory_space<vmem>>
      %dma_wait3A_174 = arith.constant 0 : i32
      %dma_wait3A_175 = arith.constant 0 : i32
      %dma_wait3A_176 = tpu.memref_slice %arg2[%dma_wait3A_174, %dma_wait3A_175] : memref<10240x128xf32, #tpu.memory_space<hbm>> -> memref<10240x128xf32, #tpu.memory_space<hbm>>
      tpu.wait_indirect_dma semaphore(%arg12 : memref<!tpu.dma_semaphore, #tpu.memory_space<semaphore_mem>>) src(%dma_wait3A_176 : memref<10240x128xf32, #tpu.memory_space<hbm>>) dst(%arg8 : memref<128x128xf32, #tpu.memory_space<vmem>>)
      %run_scoped3A_177 = arith.constant 1 : i32
      %run_scoped3A_178 = arith.constant 1 : i32
      "tpu.region"() ({
        %run_scoped3A_186 = tpu.sem_alloc : memref<!tpu.dma_semaphore, #tpu.memory_space<semaphore_mem>>
        %dma_start3A_187 = arith.constant 0 : i32
        %dma_start3A_188 = tpu.memref_slice %arg6[%run_scoped3A_177, %run_scoped3A_178, %dma_start3A_187] : memref<2x2x128xi32, #tpu.memory_space<vmem>> -> memref<1x1x128xi32, #tpu.memory_space<vmem>>
        %dma_start3A_189 = tpu.memref_squeeze %dma_start3A_188 : memref<1x1x128xi32, #tpu.memory_space<vmem>> -> memref<128xi32, #tpu.memory_space<vmem>>
        %dma_start3A_190 = arith.constant 0 : i32
        %dma_start3A_191 = arith.constant 0 : i32
        %dma_start3A_192 = tpu.memref_slice %arg5[%dma_start3A_190, %dma_start3A_191] : memref<10240x128xf32, #tpu.memory_space<vmem_shared>> -> memref<10240x128xf32, #tpu.memory_space<vmem_shared>>
        tpu.enqueue_indirect_dma source(%arg8 : memref<128x128xf32, #tpu.memory_space<vmem>>) target(%dma_start3A_192 : memref<10240x128xf32, #tpu.memory_space<vmem_shared>>) offsets(%dma_start3A_189 : memref<128xi32, #tpu.memory_space<vmem>>) semaphore(%run_scoped3A_186 : memref<!tpu.dma_semaphore, #tpu.memory_space<semaphore_mem>>) {add = true}
        %dma_wait3A_193 = arith.constant 0 : i32
        %dma_wait3A_194 = tpu.memref_slice %arg6[%run_scoped3A_177, %run_scoped3A_178, %dma_wait3A_193] : memref<2x2x128xi32, #tpu.memory_space<vmem>> -> memref<1x1x128xi32, #tpu.memory_space<vmem>>
        %dma_wait3A_195 = tpu.memref_squeeze %dma_wait3A_194 : memref<1x1x128xi32, #tpu.memory_space<vmem>> -> memref<128xi32, #tpu.memory_space<vmem>>
        %dma_wait3A_196 = arith.constant 0 : i32
        %dma_wait3A_197 = arith.constant 0 : i32
        %dma_wait3A_198 = tpu.memref_slice %arg5[%dma_wait3A_196, %dma_wait3A_197] : memref<10240x128xf32, #tpu.memory_space<vmem_shared>> -> memref<10240x128xf32, #tpu.memory_space<vmem_shared>>
        tpu.wait_indirect_dma semaphore(%run_scoped3A_186 : memref<!tpu.dma_semaphore, #tpu.memory_space<semaphore_mem>>) src(%arg8 : memref<128x128xf32, #tpu.memory_space<vmem>>) dst(%dma_wait3A_198 : memref<10240x128xf32, #tpu.memory_space<vmem_shared>>)
        tpu.yield
      }) : () -> ()
      %add3A_179 = arith.constant 1 : i32
      %add3A_180 = arith.addi %scan3A_72, %add3A_179 : i32
      %lt3A_181 = arith.constant 39 : i32
      %lt3A_182 = arith.cmpi slt, %add3A_180, %lt3A_181 : i32
      %convert_element_type3A_183 = arith.extui %lt3A_182 : i1 to i32
      %cond3A_184 = arith.constant 0 : i32
      %cond3A_185 = arith.cmpi ne, %convert_element_type3A_183, %cond3A_184 : i32
      scf.if %cond3A_185 {
        %add3A_186 = arith.constant 96 : i32
        %add3A_187 = arith.addi %add3A_77, %add3A_186 : i32
        %mul3A_188 = arith.constant 128 : i32
        %mul3A_189 = arith.muli %add3A_187, %mul3A_188 : i32
        %dma_start3A_190 = arith.constant 0 : i32
        %dma_start3A_191 = arith.constant 1 : i32
        %dma_start3A_192 = arith.constant 0 : i32
        %dma_start3A_193 = arith.constant 0 : i32
        %dma_start3A_194 = tpu.memref_slice %arg6[%dma_start3A_191, %dma_start3A_192, %dma_start3A_193] : memref<2x2x128xi32, #tpu.memory_space<vmem>> -> memref<1x1x128xi32, #tpu.memory_space<vmem>>
        %dma_start3A_195 = tpu.memref_squeeze %dma_start3A_194 : memref<1x1x128xi32, #tpu.memory_space<vmem>> -> memref<128xi32, #tpu.memory_space<vmem>>
        %dma_start3A_196 = tpu.memref_slice %arg3[%dma_start3A_190, %mul3A_189] : memref<2x320000xi32, #tpu.memory_space<hbm>> -> memref<1x128xi32, #tpu.memory_space<hbm>>
        %dma_start3A_197 = tpu.memref_squeeze %dma_start3A_196 : memref<1x128xi32, #tpu.memory_space<hbm>> -> memref<128xi32, #tpu.memory_space<hbm>>
        %dma_start3A_198 = arith.constant 0 : i32
        %dma_start3A_199 = tpu.memref_slice %arg6[%dma_start3A_191, %dma_start3A_192, %dma_start3A_198] : memref<2x2x128xi32, #tpu.memory_space<vmem>> -> memref<1x1x128xi32, #tpu.memory_space<vmem>>
        %dma_start3A_200 = tpu.memref_squeeze %dma_start3A_199 : memref<1x1x128xi32, #tpu.memory_space<vmem>> -> memref<128xi32, #tpu.memory_space<vmem>>
        %dma_start3A_201 = tpu.memref_slice %arg3[%dma_start3A_190, %mul3A_189] : memref<2x320000xi32, #tpu.memory_space<hbm>> -> memref<1x128xi32, #tpu.memory_space<hbm>>
        %dma_start3A_202 = tpu.memref_squeeze %dma_start3A_201 : memref<1x128xi32, #tpu.memory_space<hbm>> -> memref<128xi32, #tpu.memory_space<hbm>>
        tpu.enqueue_dma source(%dma_start3A_202 : memref<128xi32, #tpu.memory_space<hbm>>) target(%dma_start3A_200 : memref<128xi32, #tpu.memory_space<vmem>>) target_semaphore(%arg10 : memref<!tpu.dma_semaphore, #tpu.memory_space<semaphore_mem>>)
        %mul3A_203 = arith.constant 128 : i32
        %mul3A_204 = arith.muli %add3A_187, %mul3A_203 : i32
        %dma_start3A_205 = arith.constant 1 : i32
        %dma_start3A_206 = arith.constant 1 : i32
        %dma_start3A_207 = arith.constant 1 : i32
        %dma_start3A_208 = arith.constant 0 : i32
        %dma_start3A_209 = tpu.memref_slice %arg6[%dma_start3A_206, %dma_start3A_207, %dma_start3A_208] : memref<2x2x128xi32, #tpu.memory_space<vmem>> -> memref<1x1x128xi32, #tpu.memory_space<vmem>>
        %dma_start3A_210 = tpu.memref_squeeze %dma_start3A_209 : memref<1x1x128xi32, #tpu.memory_space<vmem>> -> memref<128xi32, #tpu.memory_space<vmem>>
        %dma_start3A_211 = tpu.memref_slice %arg3[%dma_start3A_205, %mul3A_204] : memref<2x320000xi32, #tpu.memory_space<hbm>> -> memref<1x128xi32, #tpu.memory_space<hbm>>
        %dma_start3A_212 = tpu.memref_squeeze %dma_start3A_211 : memref<1x128xi32, #tpu.memory_space<hbm>> -> memref<128xi32, #tpu.memory_space<hbm>>
        %dma_start3A_213 = arith.constant 0 : i32
        %dma_start3A_214 = tpu.memref_slice %arg6[%dma_start3A_206, %dma_start3A_207, %dma_start3A_213] : memref<2x2x128xi32, #tpu.memory_space<vmem>> -> memref<1x1x128xi32, #tpu.memory_space<vmem>>
        %dma_start3A_215 = tpu.memref_squeeze %dma_start3A_214 : memref<1x1x128xi32, #tpu.memory_space<vmem>> -> memref<128xi32, #tpu.memory_space<vmem>>
        %dma_start3A_216 = tpu.memref_slice %arg3[%dma_start3A_205, %mul3A_204] : memref<2x320000xi32, #tpu.memory_space<hbm>> -> memref<1x128xi32, #tpu.memory_space<hbm>>
        %dma_start3A_217 = tpu.memref_squeeze %dma_start3A_216 : memref<1x128xi32, #tpu.memory_space<hbm>> -> memref<128xi32, #tpu.memory_space<hbm>>
        tpu.enqueue_dma source(%dma_start3A_217 : memref<128xi32, #tpu.memory_space<hbm>>) target(%dma_start3A_215 : memref<128xi32, #tpu.memory_space<vmem>>) target_semaphore(%arg10 : memref<!tpu.dma_semaphore, #tpu.memory_space<semaphore_mem>>)
      } else {
      }
    }
    %scan3A_68 = arith.constant 39 : i32
    %lt3A = arith.constant 4 : i32
    %lt3A_69 = arith.cmpi slt, %add3A, %lt3A : i32
    %convert_element_type3A = arith.extui %lt3A_69 : i1 to i32
    %cond3A = arith.constant 0 : i32
    %cond3A_70 = arith.cmpi ne, %convert_element_type3A, %cond3A : i32
    scf.if %cond3A_70 {
      %add3A_72 = arith.constant 2496 : i32
      %add3A_73 = arith.addi %add3A, %add3A_72 : i32
      %mul3A_74 = arith.constant 128 : i32
      %mul3A_75 = arith.muli %add3A_73, %mul3A_74 : i32
      %dma_start3A_76 = arith.constant 0 : i32
      %dma_start3A_77 = arith.constant 0 : i32
      %dma_start3A_78 = arith.constant 0 : i32
      %dma_start3A_79 = arith.constant 0 : i32
      %dma_start3A_80 = tpu.memref_slice %arg6[%dma_start3A_77, %dma_start3A_78, %dma_start3A_79] : memref<2x2x128xi32, #tpu.memory_space<vmem>> -> memref<1x1x128xi32, #tpu.memory_space<vmem>>
      %dma_start3A_81 = tpu.memref_squeeze %dma_start3A_80 : memref<1x1x128xi32, #tpu.memory_space<vmem>> -> memref<128xi32, #tpu.memory_space<vmem>>
      %dma_start3A_82 = tpu.memref_slice %arg3[%dma_start3A_76, %mul3A_75] : memref<2x320000xi32, #tpu.memory_space<hbm>> -> memref<1x128xi32, #tpu.memory_space<hbm>>
      %dma_start3A_83 = tpu.memref_squeeze %dma_start3A_82 : memref<1x128xi32, #tpu.memory_space<hbm>> -> memref<128xi32, #tpu.memory_space<hbm>>
      %dma_start3A_84 = arith.constant 0 : i32
      %dma_start3A_85 = tpu.memref_slice %arg6[%dma_start3A_77, %dma_start3A_78, %dma_start3A_84] : memref<2x2x128xi32, #tpu.memory_space<vmem>> -> memref<1x1x128xi32, #tpu.memory_space<vmem>>
      %dma_start3A_86 = tpu.memref_squeeze %dma_start3A_85 : memref<1x1x128xi32, #tpu.memory_space<vmem>> -> memref<128xi32, #tpu.memory_space<vmem>>
      %dma_start3A_87 = tpu.memref_slice %arg3[%dma_start3A_76, %mul3A_75] : memref<2x320000xi32, #tpu.memory_space<hbm>> -> memref<1x128xi32, #tpu.memory_space<hbm>>
      %dma_start3A_88 = tpu.memref_squeeze %dma_start3A_87 : memref<1x128xi32, #tpu.memory_space<hbm>> -> memref<128xi32, #tpu.memory_space<hbm>>
      tpu.enqueue_dma source(%dma_start3A_88 : memref<128xi32, #tpu.memory_space<hbm>>) target(%dma_start3A_86 : memref<128xi32, #tpu.memory_space<vmem>>) target_semaphore(%arg9 : memref<!tpu.dma_semaphore, #tpu.memory_space<semaphore_mem>>)
      %mul3A_89 = arith.constant 128 : i32
      %mul3A_90 = arith.muli %add3A_73, %mul3A_89 : i32
      %dma_start3A_91 = arith.constant 1 : i32
      %dma_start3A_92 = arith.constant 0 : i32
      %dma_start3A_93 = arith.constant 1 : i32
      %dma_start3A_94 = arith.constant 0 : i32
      %dma_start3A_95 = tpu.memref_slice %arg6[%dma_start3A_92, %dma_start3A_93, %dma_start3A_94] : memref<2x2x128xi32, #tpu.memory_space<vmem>> -> memref<1x1x128xi32, #tpu.memory_space<vmem>>
      %dma_start3A_96 = tpu.memref_squeeze %dma_start3A_95 : memref<1x1x128xi32, #tpu.memory_space<vmem>> -> memref<128xi32, #tpu.memory_space<vmem>>
      %dma_start3A_97 = tpu.memref_slice %arg3[%dma_start3A_91, %mul3A_90] : memref<2x320000xi32, #tpu.memory_space<hbm>> -> memref<1x128xi32, #tpu.memory_space<hbm>>
      %dma_start3A_98 = tpu.memref_squeeze %dma_start3A_97 : memref<1x128xi32, #tpu.memory_space<hbm>> -> memref<128xi32, #tpu.memory_space<hbm>>
      %dma_start3A_99 = arith.constant 0 : i32
      %dma_start3A_100 = tpu.memref_slice %arg6[%dma_start3A_92, %dma_start3A_93, %dma_start3A_99] : memref<2x2x128xi32, #tpu.memory_space<vmem>> -> memref<1x1x128xi32, #tpu.memory_space<vmem>>
      %dma_start3A_101 = tpu.memref_squeeze %dma_start3A_100 : memref<1x1x128xi32, #tpu.memory_space<vmem>> -> memref<128xi32, #tpu.memory_space<vmem>>
      %dma_start3A_102 = tpu.memref_slice %arg3[%dma_start3A_91, %mul3A_90] : memref<2x320000xi32, #tpu.memory_space<hbm>> -> memref<1x128xi32, #tpu.memory_space<hbm>>
      %dma_start3A_103 = tpu.memref_squeeze %dma_start3A_102 : memref<1x128xi32, #tpu.memory_space<hbm>> -> memref<128xi32, #tpu.memory_space<hbm>>
      tpu.enqueue_dma source(%dma_start3A_103 : memref<128xi32, #tpu.memory_space<hbm>>) target(%dma_start3A_101 : memref<128xi32, #tpu.memory_space<vmem>>) target_semaphore(%arg9 : memref<!tpu.dma_semaphore, #tpu.memory_space<semaphore_mem>>)
      %dma_wait3A = arith.constant 0 : i32
      %dma_wait3A_104 = arith.constant 0 : i32
      %dma_wait3A_105 = arith.constant 0 : i32
      %dma_wait3A_106 = arith.constant 0 : i32
      %dma_wait3A_107 = tpu.memref_slice %arg6[%dma_wait3A_104, %dma_wait3A_105, %dma_wait3A_106] : memref<2x2x128xi32, #tpu.memory_space<vmem>> -> memref<1x1x128xi32, #tpu.memory_space<vmem>>
      %dma_wait3A_108 = tpu.memref_squeeze %dma_wait3A_107 : memref<1x1x128xi32, #tpu.memory_space<vmem>> -> memref<128xi32, #tpu.memory_space<vmem>>
      %dma_wait3A_109 = arith.constant 0 : i32
      %dma_wait3A_110 = tpu.memref_slice %arg3[%dma_wait3A, %dma_wait3A_109] : memref<2x320000xi32, #tpu.memory_space<hbm>> -> memref<1x128xi32, #tpu.memory_space<hbm>>
      %dma_wait3A_111 = tpu.memref_squeeze %dma_wait3A_110 : memref<1x128xi32, #tpu.memory_space<hbm>> -> memref<128xi32, #tpu.memory_space<hbm>>
      %dma_wait3A_112 = arith.constant 0 : i32
      %dma_wait3A_113 = tpu.memref_slice %arg6[%dma_wait3A_104, %dma_wait3A_105, %dma_wait3A_112] : memref<2x2x128xi32, #tpu.memory_space<vmem>> -> memref<1x1x128xi32, #tpu.memory_space<vmem>>
      %dma_wait3A_114 = tpu.memref_squeeze %dma_wait3A_113 : memref<1x1x128xi32, #tpu.memory_space<vmem>> -> memref<128xi32, #tpu.memory_space<vmem>>
      %dma_wait3A_115 = arith.constant 0 : i32
      %dma_wait3A_116 = tpu.memref_slice %arg3[%dma_wait3A, %dma_wait3A_115] : memref<2x320000xi32, #tpu.memory_space<hbm>> -> memref<1x128xi32, #tpu.memory_space<hbm>>
      %dma_wait3A_117 = tpu.memref_squeeze %dma_wait3A_116 : memref<1x128xi32, #tpu.memory_space<hbm>> -> memref<128xi32, #tpu.memory_space<hbm>>
      tpu.wait_dma2 semaphore(%arg9 : memref<!tpu.dma_semaphore, #tpu.memory_space<semaphore_mem>>) src(%dma_wait3A_117 : memref<128xi32, #tpu.memory_space<hbm>>) dst(%dma_wait3A_114 : memref<128xi32, #tpu.memory_space<vmem>>)
      %dma_wait3A_118 = arith.constant 1 : i32
      %dma_wait3A_119 = arith.constant 0 : i32
      %dma_wait3A_120 = arith.constant 1 : i32
      %dma_wait3A_121 = arith.constant 0 : i32
      %dma_wait3A_122 = tpu.memref_slice %arg6[%dma_wait3A_119, %dma_wait3A_120, %dma_wait3A_121] : memref<2x2x128xi32, #tpu.memory_space<vmem>> -> memref<1x1x128xi32, #tpu.memory_space<vmem>>
      %dma_wait3A_123 = tpu.memref_squeeze %dma_wait3A_122 : memref<1x1x128xi32, #tpu.memory_space<vmem>> -> memref<128xi32, #tpu.memory_space<vmem>>
      %dma_wait3A_124 = arith.constant 0 : i32
      %dma_wait3A_125 = tpu.memref_slice %arg3[%dma_wait3A_118, %dma_wait3A_124] : memref<2x320000xi32, #tpu.memory_space<hbm>> -> memref<1x128xi32, #tpu.memory_space<hbm>>
      %dma_wait3A_126 = tpu.memref_squeeze %dma_wait3A_125 : memref<1x128xi32, #tpu.memory_space<hbm>> -> memref<128xi32, #tpu.memory_space<hbm>>
      %dma_wait3A_127 = arith.constant 0 : i32
      %dma_wait3A_128 = tpu.memref_slice %arg6[%dma_wait3A_119, %dma_wait3A_120, %dma_wait3A_127] : memref<2x2x128xi32, #tpu.memory_space<vmem>> -> memref<1x1x128xi32, #tpu.memory_space<vmem>>
      %dma_wait3A_129 = tpu.memref_squeeze %dma_wait3A_128 : memref<1x1x128xi32, #tpu.memory_space<vmem>> -> memref<128xi32, #tpu.memory_space<vmem>>
      %dma_wait3A_130 = arith.constant 0 : i32
      %dma_wait3A_131 = tpu.memref_slice %arg3[%dma_wait3A_118, %dma_wait3A_130] : memref<2x320000xi32, #tpu.memory_space<hbm>> -> memref<1x128xi32, #tpu.memory_space<hbm>>
      %dma_wait3A_132 = tpu.memref_squeeze %dma_wait3A_131 : memref<1x128xi32, #tpu.memory_space<hbm>> -> memref<128xi32, #tpu.memory_space<hbm>>
      tpu.wait_dma2 semaphore(%arg9 : memref<!tpu.dma_semaphore, #tpu.memory_space<semaphore_mem>>) src(%dma_wait3A_132 : memref<128xi32, #tpu.memory_space<hbm>>) dst(%dma_wait3A_129 : memref<128xi32, #tpu.memory_space<vmem>>)
      %dma_start3A_133 = arith.constant 0 : i32
      %dma_start3A_134 = arith.constant 0 : i32
      %dma_start3A_135 = arith.constant 0 : i32
      %dma_start3A_136 = tpu.memref_slice %arg6[%dma_start3A_133, %dma_start3A_134, %dma_start3A_135] : memref<2x2x128xi32, #tpu.memory_space<vmem>> -> memref<1x1x128xi32, #tpu.memory_space<vmem>>
      %dma_start3A_137 = tpu.memref_squeeze %dma_start3A_136 : memref<1x1x128xi32, #tpu.memory_space<vmem>> -> memref<128xi32, #tpu.memory_space<vmem>>
      %dma_start3A_138 = arith.constant 0 : i32
      %dma_start3A_139 = arith.constant 0 : i32
      %dma_start3A_140 = tpu.memref_slice %arg2[%dma_start3A_138, %dma_start3A_139] : memref<10240x128xf32, #tpu.memory_space<hbm>> -> memref<10240x128xf32, #tpu.memory_space<hbm>>
      tpu.enqueue_indirect_dma source(%dma_start3A_140 : memref<10240x128xf32, #tpu.memory_space<hbm>>) target(%arg7 : memref<128x128xf32, #tpu.memory_space<vmem>>) offsets(%dma_start3A_137 : memref<128xi32, #tpu.memory_space<vmem>>) semaphore(%arg11 : memref<!tpu.dma_semaphore, #tpu.memory_space<semaphore_mem>>)
      %dma_wait3A_141 = arith.constant 0 : i32
      %dma_wait3A_142 = arith.constant 0 : i32
      %dma_wait3A_143 = arith.constant 0 : i32
      %dma_wait3A_144 = tpu.memref_slice %arg6[%dma_wait3A_141, %dma_wait3A_142, %dma_wait3A_143] : memref<2x2x128xi32, #tpu.memory_space<vmem>> -> memref<1x1x128xi32, #tpu.memory_space<vmem>>
      %dma_wait3A_145 = tpu.memref_squeeze %dma_wait3A_144 : memref<1x1x128xi32, #tpu.memory_space<vmem>> -> memref<128xi32, #tpu.memory_space<vmem>>
      %dma_wait3A_146 = arith.constant 0 : i32
      %dma_wait3A_147 = arith.constant 0 : i32
      %dma_wait3A_148 = tpu.memref_slice %arg2[%dma_wait3A_146, %dma_wait3A_147] : memref<10240x128xf32, #tpu.memory_space<hbm>> -> memref<10240x128xf32, #tpu.memory_space<hbm>>
      tpu.wait_indirect_dma semaphore(%arg11 : memref<!tpu.dma_semaphore, #tpu.memory_space<semaphore_mem>>) src(%dma_wait3A_148 : memref<10240x128xf32, #tpu.memory_space<hbm>>) dst(%arg7 : memref<128x128xf32, #tpu.memory_space<vmem>>)
      %run_scoped3A = arith.constant 0 : i32
      %run_scoped3A_149 = arith.constant 1 : i32
      "tpu.region"() ({
        %run_scoped3A_150 = tpu.sem_alloc : memref<!tpu.dma_semaphore, #tpu.memory_space<semaphore_mem>>
        %dma_start3A_151 = arith.constant 0 : i32
        %dma_start3A_152 = tpu.memref_slice %arg6[%run_scoped3A, %run_scoped3A_149, %dma_start3A_151] : memref<2x2x128xi32, #tpu.memory_space<vmem>> -> memref<1x1x128xi32, #tpu.memory_space<vmem>>
        %dma_start3A_153 = tpu.memref_squeeze %dma_start3A_152 : memref<1x1x128xi32, #tpu.memory_space<vmem>> -> memref<128xi32, #tpu.memory_space<vmem>>
        %dma_start3A_154 = arith.constant 0 : i32
        %dma_start3A_155 = arith.constant 0 : i32
        %dma_start3A_156 = tpu.memref_slice %arg5[%dma_start3A_154, %dma_start3A_155] : memref<10240x128xf32, #tpu.memory_space<vmem_shared>> -> memref<10240x128xf32, #tpu.memory_space<vmem_shared>>
        tpu.enqueue_indirect_dma source(%arg7 : memref<128x128xf32, #tpu.memory_space<vmem>>) target(%dma_start3A_156 : memref<10240x128xf32, #tpu.memory_space<vmem_shared>>) offsets(%dma_start3A_153 : memref<128xi32, #tpu.memory_space<vmem>>) semaphore(%run_scoped3A_150 : memref<!tpu.dma_semaphore, #tpu.memory_space<semaphore_mem>>) {add = true}
        %dma_wait3A_157 = arith.constant 0 : i32
        %dma_wait3A_158 = tpu.memref_slice %arg6[%run_scoped3A, %run_scoped3A_149, %dma_wait3A_157] : memref<2x2x128xi32, #tpu.memory_space<vmem>> -> memref<1x1x128xi32, #tpu.memory_space<vmem>>
        %dma_wait3A_159 = tpu.memref_squeeze %dma_wait3A_158 : memref<1x1x128xi32, #tpu.memory_space<vmem>> -> memref<128xi32, #tpu.memory_space<vmem>>
        %dma_wait3A_160 = arith.constant 0 : i32
        %dma_wait3A_161 = arith.constant 0 : i32
        %dma_wait3A_162 = tpu.memref_slice %arg5[%dma_wait3A_160, %dma_wait3A_161] : memref<10240x128xf32, #tpu.memory_space<vmem_shared>> -> memref<10240x128xf32, #tpu.memory_space<vmem_shared>>
        tpu.wait_indirect_dma semaphore(%run_scoped3A_150 : memref<!tpu.dma_semaphore, #tpu.memory_space<semaphore_mem>>) src(%arg7 : memref<128x128xf32, #tpu.memory_space<vmem>>) dst(%dma_wait3A_162 : memref<10240x128xf32, #tpu.memory_space<vmem_shared>>)
        tpu.yield
      }) : () -> ()
    } else {
    }
    %barrier3A_71 = arith.constant 0 : index
    tpu.barrier barrier_id(%barrier3A_71)
    "tpu.region"() ({
      %run_scoped3A = tpu.sem_alloc : memref<!tpu.dma_semaphore, #tpu.memory_space<semaphore_mem>>
      %dma_start3A_72 = arith.constant 0 : i32
      %dma_start3A_73 = tpu.memref_slice %arg4[%arg0, %mul3A_2, %dma_start3A_72] : memref<2x10240x128xf32, #tpu.memory_space<hbm>> -> memref<1x640x128xf32, #tpu.memory_space<hbm>>
      %dma_start3A_74 = tpu.memref_squeeze %dma_start3A_73 : memref<1x640x128xf32, #tpu.memory_space<hbm>> -> memref<640x128xf32, #tpu.memory_space<hbm>>
      %dma_start3A_75 = arith.constant 0 : i32
      %dma_start3A_76 = tpu.memref_slice %arg5[%mul3A_2, %dma_start3A_75] : memref<10240x128xf32, #tpu.memory_space<vmem_shared>> -> memref<640x128xf32, #tpu.memory_space<vmem_shared>>
      tpu.enqueue_dma source(%dma_start3A_76 : memref<640x128xf32, #tpu.memory_space<vmem_shared>>) target(%dma_start3A_74 : memref<640x128xf32, #tpu.memory_space<hbm>>) target_semaphore(%run_scoped3A : memref<!tpu.dma_semaphore, #tpu.memory_space<semaphore_mem>>)
      %dma_wait3A = arith.constant 0 : i32
      %dma_wait3A_77 = tpu.memref_slice %arg4[%arg0, %mul3A_2, %dma_wait3A] : memref<2x10240x128xf32, #tpu.memory_space<hbm>> -> memref<1x640x128xf32, #tpu.memory_space<hbm>>
      %dma_wait3A_78 = tpu.memref_squeeze %dma_wait3A_77 : memref<1x640x128xf32, #tpu.memory_space<hbm>> -> memref<640x128xf32, #tpu.memory_space<hbm>>
      %dma_wait3A_79 = arith.constant 0 : i32
      %dma_wait3A_80 = tpu.memref_slice %arg5[%mul3A_2, %dma_wait3A_79] : memref<10240x128xf32, #tpu.memory_space<vmem_shared>> -> memref<640x128xf32, #tpu.memory_space<vmem_shared>>
      tpu.wait_dma2 semaphore(%run_scoped3A : memref<!tpu.dma_semaphore, #tpu.memory_space<semaphore_mem>>) src(%dma_wait3A_80 : memref<640x128xf32, #tpu.memory_space<vmem_shared>>) dst(%dma_wait3A_78 : memref<640x128xf32, #tpu.memory_space<hbm>>)
      tpu.yield
    }) : () -> ()
    return
  }
}

#map = affine_map<(d0, d1) -> (0, 0)>
#map1 = affine_map<(d0, d1) -> (0, 0, 0)>
module attributes {stable_mosaic.version = 14 : i64} {
  func.func @agg(%arg0: i32, %arg1: i32, %arg2: memref<10240x144xf32, #tpu.memory_space<hbm>>, %arg3: memref<2x320000xi32, #tpu.memory_space<hbm>>, %arg4: memref<2x10240x144xf32, #tpu.memory_space<hbm>>, %arg5: memref<10240x144xf32, #tpu.memory_space<vmem_shared>>, %arg6: memref<2x2x128xi32, #tpu.memory_space<vmem>>, %arg7: memref<128x144xf32, #tpu.memory_space<vmem>>, %arg8: memref<128x144xf32, #tpu.memory_space<vmem>>, %arg9: memref<!tpu.dma_semaphore, #tpu.memory_space<semaphore_mem>>, %arg10: memref<!tpu.dma_semaphore, #tpu.memory_space<semaphore_mem>>, %arg11: memref<!tpu.dma_semaphore, #tpu.memory_space<semaphore_mem>>, %arg12: memref<!tpu.dma_semaphore, #tpu.memory_space<semaphore_mem>>) attributes {dimension_semantics = [#tpu.dimension_semantics<core_parallel>, #tpu.dimension_semantics<subcore_parallel>], iteration_bounds = array<i64: 2, 16>, scalar_prefetch = 0 : i64, scratch_operands = 8 : i64, tpu.core_type = #tpu.core_type<sc_vector_subcore>, window_params = [{transform_indices = #map}, {transform_indices = #map}, {transform_indices = #map1}]} {
    %mul3A = arith.constant 2 : i32
    %mul3A_0 = arith.muli %arg1, %mul3A : i32
    %add3A = arith.addi %mul3A_0, %arg0 : i32
    %mul3A_1 = arith.constant 640 : i32
    %mul3A_2 = arith.muli %arg1, %mul3A_1 : i32
    "tpu.region"() ({
      %run_scoped3A = tpu.sem_alloc : memref<!tpu.dma_semaphore, #tpu.memory_space<semaphore_mem>>
      %dma_start3A_72 = arith.constant 0 : i32
      %dma_start3A_73 = tpu.memref_slice %arg5[%mul3A_2, %dma_start3A_72] : memref<10240x144xf32, #tpu.memory_space<vmem_shared>> -> memref<640x144xf32, #tpu.memory_space<vmem_shared>>
      %dma_start3A_74 = arith.constant 0 : i32
      %dma_start3A_75 = tpu.memref_slice %arg2[%mul3A_2, %dma_start3A_74] : memref<10240x144xf32, #tpu.memory_space<hbm>> -> memref<640x144xf32, #tpu.memory_space<hbm>>
      tpu.enqueue_dma source(%dma_start3A_75 : memref<640x144xf32, #tpu.memory_space<hbm>>) target(%dma_start3A_73 : memref<640x144xf32, #tpu.memory_space<vmem_shared>>) target_semaphore(%run_scoped3A : memref<!tpu.dma_semaphore, #tpu.memory_space<semaphore_mem>>)
      %dma_wait3A = arith.constant 0 : i32
      %dma_wait3A_76 = tpu.memref_slice %arg5[%mul3A_2, %dma_wait3A] : memref<10240x144xf32, #tpu.memory_space<vmem_shared>> -> memref<640x144xf32, #tpu.memory_space<vmem_shared>>
      %dma_wait3A_77 = arith.constant 0 : i32
      %dma_wait3A_78 = tpu.memref_slice %arg2[%mul3A_2, %dma_wait3A_77] : memref<10240x144xf32, #tpu.memory_space<hbm>> -> memref<640x144xf32, #tpu.memory_space<hbm>>
      tpu.wait_dma2 semaphore(%run_scoped3A : memref<!tpu.dma_semaphore, #tpu.memory_space<semaphore_mem>>) src(%dma_wait3A_78 : memref<640x144xf32, #tpu.memory_space<hbm>>) dst(%dma_wait3A_76 : memref<640x144xf32, #tpu.memory_space<vmem_shared>>)
      tpu.yield
    }) : () -> ()
    %barrier3A = arith.constant 0 : index
    tpu.barrier barrier_id(%barrier3A)
    %mul3A_3 = arith.constant 128 : i32
    %mul3A_4 = arith.muli %add3A, %mul3A_3 : i32
    %dma_start3A = arith.constant 0 : i32
    %dma_start3A_5 = arith.constant 0 : i32
    %dma_start3A_6 = arith.constant 0 : i32
    %dma_start3A_7 = arith.constant 0 : i32
    %dma_start3A_8 = tpu.memref_slice %arg6[%dma_start3A_5, %dma_start3A_6, %dma_start3A_7] : memref<2x2x128xi32, #tpu.memory_space<vmem>> -> memref<1x1x128xi32, #tpu.memory_space<vmem>>
    %dma_start3A_9 = tpu.memref_squeeze %dma_start3A_8 : memref<1x1x128xi32, #tpu.memory_space<vmem>> -> memref<128xi32, #tpu.memory_space<vmem>>
    %dma_start3A_10 = tpu.memref_slice %arg3[%dma_start3A, %mul3A_4] : memref<2x320000xi32, #tpu.memory_space<hbm>> -> memref<1x128xi32, #tpu.memory_space<hbm>>
    %dma_start3A_11 = tpu.memref_squeeze %dma_start3A_10 : memref<1x128xi32, #tpu.memory_space<hbm>> -> memref<128xi32, #tpu.memory_space<hbm>>
    %dma_start3A_12 = arith.constant 0 : i32
    %dma_start3A_13 = tpu.memref_slice %arg6[%dma_start3A_5, %dma_start3A_6, %dma_start3A_12] : memref<2x2x128xi32, #tpu.memory_space<vmem>> -> memref<1x1x128xi32, #tpu.memory_space<vmem>>
    %dma_start3A_14 = tpu.memref_squeeze %dma_start3A_13 : memref<1x1x128xi32, #tpu.memory_space<vmem>> -> memref<128xi32, #tpu.memory_space<vmem>>
    %dma_start3A_15 = tpu.memref_slice %arg3[%dma_start3A, %mul3A_4] : memref<2x320000xi32, #tpu.memory_space<hbm>> -> memref<1x128xi32, #tpu.memory_space<hbm>>
    %dma_start3A_16 = tpu.memref_squeeze %dma_start3A_15 : memref<1x128xi32, #tpu.memory_space<hbm>> -> memref<128xi32, #tpu.memory_space<hbm>>
    tpu.enqueue_dma source(%dma_start3A_16 : memref<128xi32, #tpu.memory_space<hbm>>) target(%dma_start3A_14 : memref<128xi32, #tpu.memory_space<vmem>>) target_semaphore(%arg9 : memref<!tpu.dma_semaphore, #tpu.memory_space<semaphore_mem>>)
    %mul3A_17 = arith.constant 128 : i32
    %mul3A_18 = arith.muli %add3A, %mul3A_17 : i32
    %dma_start3A_19 = arith.constant 1 : i32
    %dma_start3A_20 = arith.constant 0 : i32
    %dma_start3A_21 = arith.constant 1 : i32
    %dma_start3A_22 = arith.constant 0 : i32
    %dma_start3A_23 = tpu.memref_slice %arg6[%dma_start3A_20, %dma_start3A_21, %dma_start3A_22] : memref<2x2x128xi32, #tpu.memory_space<vmem>> -> memref<1x1x128xi32, #tpu.memory_space<vmem>>
    %dma_start3A_24 = tpu.memref_squeeze %dma_start3A_23 : memref<1x1x128xi32, #tpu.memory_space<vmem>> -> memref<128xi32, #tpu.memory_space<vmem>>
    %dma_start3A_25 = tpu.memref_slice %arg3[%dma_start3A_19, %mul3A_18] : memref<2x320000xi32, #tpu.memory_space<hbm>> -> memref<1x128xi32, #tpu.memory_space<hbm>>
    %dma_start3A_26 = tpu.memref_squeeze %dma_start3A_25 : memref<1x128xi32, #tpu.memory_space<hbm>> -> memref<128xi32, #tpu.memory_space<hbm>>
    %dma_start3A_27 = arith.constant 0 : i32
    %dma_start3A_28 = tpu.memref_slice %arg6[%dma_start3A_20, %dma_start3A_21, %dma_start3A_27] : memref<2x2x128xi32, #tpu.memory_space<vmem>> -> memref<1x1x128xi32, #tpu.memory_space<vmem>>
    %dma_start3A_29 = tpu.memref_squeeze %dma_start3A_28 : memref<1x1x128xi32, #tpu.memory_space<vmem>> -> memref<128xi32, #tpu.memory_space<vmem>>
    %dma_start3A_30 = tpu.memref_slice %arg3[%dma_start3A_19, %mul3A_18] : memref<2x320000xi32, #tpu.memory_space<hbm>> -> memref<1x128xi32, #tpu.memory_space<hbm>>
    %dma_start3A_31 = tpu.memref_squeeze %dma_start3A_30 : memref<1x128xi32, #tpu.memory_space<hbm>> -> memref<128xi32, #tpu.memory_space<hbm>>
    tpu.enqueue_dma source(%dma_start3A_31 : memref<128xi32, #tpu.memory_space<hbm>>) target(%dma_start3A_29 : memref<128xi32, #tpu.memory_space<vmem>>) target_semaphore(%arg9 : memref<!tpu.dma_semaphore, #tpu.memory_space<semaphore_mem>>)
    %add3A_32 = arith.constant 32 : i32
    %add3A_33 = arith.addi %add3A, %add3A_32 : i32
    %mul3A_34 = arith.constant 128 : i32
    %mul3A_35 = arith.muli %add3A_33, %mul3A_34 : i32
    %dma_start3A_36 = arith.constant 0 : i32
    %dma_start3A_37 = arith.constant 1 : i32
    %dma_start3A_38 = arith.constant 0 : i32
    %dma_start3A_39 = arith.constant 0 : i32
    %dma_start3A_40 = tpu.memref_slice %arg6[%dma_start3A_37, %dma_start3A_38, %dma_start3A_39] : memref<2x2x128xi32, #tpu.memory_space<vmem>> -> memref<1x1x128xi32, #tpu.memory_space<vmem>>
    %dma_start3A_41 = tpu.memref_squeeze %dma_start3A_40 : memref<1x1x128xi32, #tpu.memory_space<vmem>> -> memref<128xi32, #tpu.memory_space<vmem>>
    %dma_start3A_42 = tpu.memref_slice %arg3[%dma_start3A_36, %mul3A_35] : memref<2x320000xi32, #tpu.memory_space<hbm>> -> memref<1x128xi32, #tpu.memory_space<hbm>>
    %dma_start3A_43 = tpu.memref_squeeze %dma_start3A_42 : memref<1x128xi32, #tpu.memory_space<hbm>> -> memref<128xi32, #tpu.memory_space<hbm>>
    %dma_start3A_44 = arith.constant 0 : i32
    %dma_start3A_45 = tpu.memref_slice %arg6[%dma_start3A_37, %dma_start3A_38, %dma_start3A_44] : memref<2x2x128xi32, #tpu.memory_space<vmem>> -> memref<1x1x128xi32, #tpu.memory_space<vmem>>
    %dma_start3A_46 = tpu.memref_squeeze %dma_start3A_45 : memref<1x1x128xi32, #tpu.memory_space<vmem>> -> memref<128xi32, #tpu.memory_space<vmem>>
    %dma_start3A_47 = tpu.memref_slice %arg3[%dma_start3A_36, %mul3A_35] : memref<2x320000xi32, #tpu.memory_space<hbm>> -> memref<1x128xi32, #tpu.memory_space<hbm>>
    %dma_start3A_48 = tpu.memref_squeeze %dma_start3A_47 : memref<1x128xi32, #tpu.memory_space<hbm>> -> memref<128xi32, #tpu.memory_space<hbm>>
    tpu.enqueue_dma source(%dma_start3A_48 : memref<128xi32, #tpu.memory_space<hbm>>) target(%dma_start3A_46 : memref<128xi32, #tpu.memory_space<vmem>>) target_semaphore(%arg10 : memref<!tpu.dma_semaphore, #tpu.memory_space<semaphore_mem>>)
    %mul3A_49 = arith.constant 128 : i32
    %mul3A_50 = arith.muli %add3A_33, %mul3A_49 : i32
    %dma_start3A_51 = arith.constant 1 : i32
    %dma_start3A_52 = arith.constant 1 : i32
    %dma_start3A_53 = arith.constant 1 : i32
    %dma_start3A_54 = arith.constant 0 : i32
    %dma_start3A_55 = tpu.memref_slice %arg6[%dma_start3A_52, %dma_start3A_53, %dma_start3A_54] : memref<2x2x128xi32, #tpu.memory_space<vmem>> -> memref<1x1x128xi32, #tpu.memory_space<vmem>>
    %dma_start3A_56 = tpu.memref_squeeze %dma_start3A_55 : memref<1x1x128xi32, #tpu.memory_space<vmem>> -> memref<128xi32, #tpu.memory_space<vmem>>
    %dma_start3A_57 = tpu.memref_slice %arg3[%dma_start3A_51, %mul3A_50] : memref<2x320000xi32, #tpu.memory_space<hbm>> -> memref<1x128xi32, #tpu.memory_space<hbm>>
    %dma_start3A_58 = tpu.memref_squeeze %dma_start3A_57 : memref<1x128xi32, #tpu.memory_space<hbm>> -> memref<128xi32, #tpu.memory_space<hbm>>
    %dma_start3A_59 = arith.constant 0 : i32
    %dma_start3A_60 = tpu.memref_slice %arg6[%dma_start3A_52, %dma_start3A_53, %dma_start3A_59] : memref<2x2x128xi32, #tpu.memory_space<vmem>> -> memref<1x1x128xi32, #tpu.memory_space<vmem>>
    %dma_start3A_61 = tpu.memref_squeeze %dma_start3A_60 : memref<1x1x128xi32, #tpu.memory_space<vmem>> -> memref<128xi32, #tpu.memory_space<vmem>>
    %dma_start3A_62 = tpu.memref_slice %arg3[%dma_start3A_51, %mul3A_50] : memref<2x320000xi32, #tpu.memory_space<hbm>> -> memref<1x128xi32, #tpu.memory_space<hbm>>
    %dma_start3A_63 = tpu.memref_squeeze %dma_start3A_62 : memref<1x128xi32, #tpu.memory_space<hbm>> -> memref<128xi32, #tpu.memory_space<hbm>>
    tpu.enqueue_dma source(%dma_start3A_63 : memref<128xi32, #tpu.memory_space<hbm>>) target(%dma_start3A_61 : memref<128xi32, #tpu.memory_space<vmem>>) target_semaphore(%arg10 : memref<!tpu.dma_semaphore, #tpu.memory_space<semaphore_mem>>)
    %scan3A = arith.constant 0 : i32
    %scan3A_64 = arith.constant 0 : i32
    %scan3A_65 = arith.constant 39 : i32
    %scan3A_66 = arith.addi %scan3A_64, %scan3A_65 : i32
    %scan3A_67 = arith.constant 1 : i32
    scf.for %scan3A_72 = %scan3A_64 to %scan3A_66 step %scan3A_67  : i32 {
      %mul3A_73 = arith.constant 2 : i32
      %mul3A_74 = arith.muli %mul3A_73, %scan3A_72 : i32
      %mul3A_75 = arith.constant 32 : i32
      %mul3A_76 = arith.muli %mul3A_74, %mul3A_75 : i32
      %add3A_77 = arith.addi %add3A, %mul3A_76 : i32
      %dma_wait3A = arith.constant 0 : i32
      %dma_wait3A_78 = arith.constant 0 : i32
      %dma_wait3A_79 = arith.constant 0 : i32
      %dma_wait3A_80 = arith.constant 0 : i32
      %dma_wait3A_81 = tpu.memref_slice %arg6[%dma_wait3A_78, %dma_wait3A_79, %dma_wait3A_80] : memref<2x2x128xi32, #tpu.memory_space<vmem>> -> memref<1x1x128xi32, #tpu.memory_space<vmem>>
      %dma_wait3A_82 = tpu.memref_squeeze %dma_wait3A_81 : memref<1x1x128xi32, #tpu.memory_space<vmem>> -> memref<128xi32, #tpu.memory_space<vmem>>
      %dma_wait3A_83 = arith.constant 0 : i32
      %dma_wait3A_84 = tpu.memref_slice %arg3[%dma_wait3A, %dma_wait3A_83] : memref<2x320000xi32, #tpu.memory_space<hbm>> -> memref<1x128xi32, #tpu.memory_space<hbm>>
      %dma_wait3A_85 = tpu.memref_squeeze %dma_wait3A_84 : memref<1x128xi32, #tpu.memory_space<hbm>> -> memref<128xi32, #tpu.memory_space<hbm>>
      %dma_wait3A_86 = arith.constant 0 : i32
      %dma_wait3A_87 = tpu.memref_slice %arg6[%dma_wait3A_78, %dma_wait3A_79, %dma_wait3A_86] : memref<2x2x128xi32, #tpu.memory_space<vmem>> -> memref<1x1x128xi32, #tpu.memory_space<vmem>>
      %dma_wait3A_88 = tpu.memref_squeeze %dma_wait3A_87 : memref<1x1x128xi32, #tpu.memory_space<vmem>> -> memref<128xi32, #tpu.memory_space<vmem>>
      %dma_wait3A_89 = arith.constant 0 : i32
      %dma_wait3A_90 = tpu.memref_slice %arg3[%dma_wait3A, %dma_wait3A_89] : memref<2x320000xi32, #tpu.memory_space<hbm>> -> memref<1x128xi32, #tpu.memory_space<hbm>>
      %dma_wait3A_91 = tpu.memref_squeeze %dma_wait3A_90 : memref<1x128xi32, #tpu.memory_space<hbm>> -> memref<128xi32, #tpu.memory_space<hbm>>
      tpu.wait_dma2 semaphore(%arg9 : memref<!tpu.dma_semaphore, #tpu.memory_space<semaphore_mem>>) src(%dma_wait3A_91 : memref<128xi32, #tpu.memory_space<hbm>>) dst(%dma_wait3A_88 : memref<128xi32, #tpu.memory_space<vmem>>)
      %dma_wait3A_92 = arith.constant 1 : i32
      %dma_wait3A_93 = arith.constant 0 : i32
      %dma_wait3A_94 = arith.constant 1 : i32
      %dma_wait3A_95 = arith.constant 0 : i32
      %dma_wait3A_96 = tpu.memref_slice %arg6[%dma_wait3A_93, %dma_wait3A_94, %dma_wait3A_95] : memref<2x2x128xi32, #tpu.memory_space<vmem>> -> memref<1x1x128xi32, #tpu.memory_space<vmem>>
      %dma_wait3A_97 = tpu.memref_squeeze %dma_wait3A_96 : memref<1x1x128xi32, #tpu.memory_space<vmem>> -> memref<128xi32, #tpu.memory_space<vmem>>
      %dma_wait3A_98 = arith.constant 0 : i32
      %dma_wait3A_99 = tpu.memref_slice %arg3[%dma_wait3A_92, %dma_wait3A_98] : memref<2x320000xi32, #tpu.memory_space<hbm>> -> memref<1x128xi32, #tpu.memory_space<hbm>>
      %dma_wait3A_100 = tpu.memref_squeeze %dma_wait3A_99 : memref<1x128xi32, #tpu.memory_space<hbm>> -> memref<128xi32, #tpu.memory_space<hbm>>
      %dma_wait3A_101 = arith.constant 0 : i32
      %dma_wait3A_102 = tpu.memref_slice %arg6[%dma_wait3A_93, %dma_wait3A_94, %dma_wait3A_101] : memref<2x2x128xi32, #tpu.memory_space<vmem>> -> memref<1x1x128xi32, #tpu.memory_space<vmem>>
      %dma_wait3A_103 = tpu.memref_squeeze %dma_wait3A_102 : memref<1x1x128xi32, #tpu.memory_space<vmem>> -> memref<128xi32, #tpu.memory_space<vmem>>
      %dma_wait3A_104 = arith.constant 0 : i32
      %dma_wait3A_105 = tpu.memref_slice %arg3[%dma_wait3A_92, %dma_wait3A_104] : memref<2x320000xi32, #tpu.memory_space<hbm>> -> memref<1x128xi32, #tpu.memory_space<hbm>>
      %dma_wait3A_106 = tpu.memref_squeeze %dma_wait3A_105 : memref<1x128xi32, #tpu.memory_space<hbm>> -> memref<128xi32, #tpu.memory_space<hbm>>
      tpu.wait_dma2 semaphore(%arg9 : memref<!tpu.dma_semaphore, #tpu.memory_space<semaphore_mem>>) src(%dma_wait3A_106 : memref<128xi32, #tpu.memory_space<hbm>>) dst(%dma_wait3A_103 : memref<128xi32, #tpu.memory_space<vmem>>)
      %dma_start3A_107 = arith.constant 0 : i32
      %dma_start3A_108 = arith.constant 0 : i32
      %dma_start3A_109 = arith.constant 0 : i32
      %dma_start3A_110 = tpu.memref_slice %arg6[%dma_start3A_107, %dma_start3A_108, %dma_start3A_109] : memref<2x2x128xi32, #tpu.memory_space<vmem>> -> memref<1x1x128xi32, #tpu.memory_space<vmem>>
      %dma_start3A_111 = tpu.memref_squeeze %dma_start3A_110 : memref<1x1x128xi32, #tpu.memory_space<vmem>> -> memref<128xi32, #tpu.memory_space<vmem>>
      %dma_start3A_112 = arith.constant 0 : i32
      %dma_start3A_113 = arith.constant 0 : i32
      %dma_start3A_114 = tpu.memref_slice %arg2[%dma_start3A_112, %dma_start3A_113] : memref<10240x144xf32, #tpu.memory_space<hbm>> -> memref<10240x144xf32, #tpu.memory_space<hbm>>
      tpu.enqueue_indirect_dma source(%dma_start3A_114 : memref<10240x144xf32, #tpu.memory_space<hbm>>) target(%arg7 : memref<128x144xf32, #tpu.memory_space<vmem>>) offsets(%dma_start3A_111 : memref<128xi32, #tpu.memory_space<vmem>>) semaphore(%arg11 : memref<!tpu.dma_semaphore, #tpu.memory_space<semaphore_mem>>)
      %dma_wait3A_115 = arith.constant 0 : i32
      %dma_wait3A_116 = arith.constant 1 : i32
      %dma_wait3A_117 = arith.constant 0 : i32
      %dma_wait3A_118 = arith.constant 0 : i32
      %dma_wait3A_119 = tpu.memref_slice %arg6[%dma_wait3A_116, %dma_wait3A_117, %dma_wait3A_118] : memref<2x2x128xi32, #tpu.memory_space<vmem>> -> memref<1x1x128xi32, #tpu.memory_space<vmem>>
      %dma_wait3A_120 = tpu.memref_squeeze %dma_wait3A_119 : memref<1x1x128xi32, #tpu.memory_space<vmem>> -> memref<128xi32, #tpu.memory_space<vmem>>
      %dma_wait3A_121 = arith.constant 0 : i32
      %dma_wait3A_122 = tpu.memref_slice %arg3[%dma_wait3A_115, %dma_wait3A_121] : memref<2x320000xi32, #tpu.memory_space<hbm>> -> memref<1x128xi32, #tpu.memory_space<hbm>>
      %dma_wait3A_123 = tpu.memref_squeeze %dma_wait3A_122 : memref<1x128xi32, #tpu.memory_space<hbm>> -> memref<128xi32, #tpu.memory_space<hbm>>
      %dma_wait3A_124 = arith.constant 0 : i32
      %dma_wait3A_125 = tpu.memref_slice %arg6[%dma_wait3A_116, %dma_wait3A_117, %dma_wait3A_124] : memref<2x2x128xi32, #tpu.memory_space<vmem>> -> memref<1x1x128xi32, #tpu.memory_space<vmem>>
      %dma_wait3A_126 = tpu.memref_squeeze %dma_wait3A_125 : memref<1x1x128xi32, #tpu.memory_space<vmem>> -> memref<128xi32, #tpu.memory_space<vmem>>
      %dma_wait3A_127 = arith.constant 0 : i32
      %dma_wait3A_128 = tpu.memref_slice %arg3[%dma_wait3A_115, %dma_wait3A_127] : memref<2x320000xi32, #tpu.memory_space<hbm>> -> memref<1x128xi32, #tpu.memory_space<hbm>>
      %dma_wait3A_129 = tpu.memref_squeeze %dma_wait3A_128 : memref<1x128xi32, #tpu.memory_space<hbm>> -> memref<128xi32, #tpu.memory_space<hbm>>
      tpu.wait_dma2 semaphore(%arg10 : memref<!tpu.dma_semaphore, #tpu.memory_space<semaphore_mem>>) src(%dma_wait3A_129 : memref<128xi32, #tpu.memory_space<hbm>>) dst(%dma_wait3A_126 : memref<128xi32, #tpu.memory_space<vmem>>)
      %dma_wait3A_130 = arith.constant 1 : i32
      %dma_wait3A_131 = arith.constant 1 : i32
      %dma_wait3A_132 = arith.constant 1 : i32
      %dma_wait3A_133 = arith.constant 0 : i32
      %dma_wait3A_134 = tpu.memref_slice %arg6[%dma_wait3A_131, %dma_wait3A_132, %dma_wait3A_133] : memref<2x2x128xi32, #tpu.memory_space<vmem>> -> memref<1x1x128xi32, #tpu.memory_space<vmem>>
      %dma_wait3A_135 = tpu.memref_squeeze %dma_wait3A_134 : memref<1x1x128xi32, #tpu.memory_space<vmem>> -> memref<128xi32, #tpu.memory_space<vmem>>
      %dma_wait3A_136 = arith.constant 0 : i32
      %dma_wait3A_137 = tpu.memref_slice %arg3[%dma_wait3A_130, %dma_wait3A_136] : memref<2x320000xi32, #tpu.memory_space<hbm>> -> memref<1x128xi32, #tpu.memory_space<hbm>>
      %dma_wait3A_138 = tpu.memref_squeeze %dma_wait3A_137 : memref<1x128xi32, #tpu.memory_space<hbm>> -> memref<128xi32, #tpu.memory_space<hbm>>
      %dma_wait3A_139 = arith.constant 0 : i32
      %dma_wait3A_140 = tpu.memref_slice %arg6[%dma_wait3A_131, %dma_wait3A_132, %dma_wait3A_139] : memref<2x2x128xi32, #tpu.memory_space<vmem>> -> memref<1x1x128xi32, #tpu.memory_space<vmem>>
      %dma_wait3A_141 = tpu.memref_squeeze %dma_wait3A_140 : memref<1x1x128xi32, #tpu.memory_space<vmem>> -> memref<128xi32, #tpu.memory_space<vmem>>
      %dma_wait3A_142 = arith.constant 0 : i32
      %dma_wait3A_143 = tpu.memref_slice %arg3[%dma_wait3A_130, %dma_wait3A_142] : memref<2x320000xi32, #tpu.memory_space<hbm>> -> memref<1x128xi32, #tpu.memory_space<hbm>>
      %dma_wait3A_144 = tpu.memref_squeeze %dma_wait3A_143 : memref<1x128xi32, #tpu.memory_space<hbm>> -> memref<128xi32, #tpu.memory_space<hbm>>
      tpu.wait_dma2 semaphore(%arg10 : memref<!tpu.dma_semaphore, #tpu.memory_space<semaphore_mem>>) src(%dma_wait3A_144 : memref<128xi32, #tpu.memory_space<hbm>>) dst(%dma_wait3A_141 : memref<128xi32, #tpu.memory_space<vmem>>)
      %dma_start3A_145 = arith.constant 1 : i32
      %dma_start3A_146 = arith.constant 0 : i32
      %dma_start3A_147 = arith.constant 0 : i32
      %dma_start3A_148 = tpu.memref_slice %arg6[%dma_start3A_145, %dma_start3A_146, %dma_start3A_147] : memref<2x2x128xi32, #tpu.memory_space<vmem>> -> memref<1x1x128xi32, #tpu.memory_space<vmem>>
      %dma_start3A_149 = tpu.memref_squeeze %dma_start3A_148 : memref<1x1x128xi32, #tpu.memory_space<vmem>> -> memref<128xi32, #tpu.memory_space<vmem>>
      %dma_start3A_150 = arith.constant 0 : i32
      %dma_start3A_151 = arith.constant 0 : i32
      %dma_start3A_152 = tpu.memref_slice %arg2[%dma_start3A_150, %dma_start3A_151] : memref<10240x144xf32, #tpu.memory_space<hbm>> -> memref<10240x144xf32, #tpu.memory_space<hbm>>
      tpu.enqueue_indirect_dma source(%dma_start3A_152 : memref<10240x144xf32, #tpu.memory_space<hbm>>) target(%arg8 : memref<128x144xf32, #tpu.memory_space<vmem>>) offsets(%dma_start3A_149 : memref<128xi32, #tpu.memory_space<vmem>>) semaphore(%arg12 : memref<!tpu.dma_semaphore, #tpu.memory_space<semaphore_mem>>)
      %dma_wait3A_153 = arith.constant 0 : i32
      %dma_wait3A_154 = arith.constant 0 : i32
      %dma_wait3A_155 = arith.constant 0 : i32
      %dma_wait3A_156 = tpu.memref_slice %arg6[%dma_wait3A_153, %dma_wait3A_154, %dma_wait3A_155] : memref<2x2x128xi32, #tpu.memory_space<vmem>> -> memref<1x1x128xi32, #tpu.memory_space<vmem>>
      %dma_wait3A_157 = tpu.memref_squeeze %dma_wait3A_156 : memref<1x1x128xi32, #tpu.memory_space<vmem>> -> memref<128xi32, #tpu.memory_space<vmem>>
      %dma_wait3A_158 = arith.constant 0 : i32
      %dma_wait3A_159 = arith.constant 0 : i32
      %dma_wait3A_160 = tpu.memref_slice %arg2[%dma_wait3A_158, %dma_wait3A_159] : memref<10240x144xf32, #tpu.memory_space<hbm>> -> memref<10240x144xf32, #tpu.memory_space<hbm>>
      tpu.wait_indirect_dma semaphore(%arg11 : memref<!tpu.dma_semaphore, #tpu.memory_space<semaphore_mem>>) src(%dma_wait3A_160 : memref<10240x144xf32, #tpu.memory_space<hbm>>) dst(%arg7 : memref<128x144xf32, #tpu.memory_space<vmem>>)
      %run_scoped3A = arith.constant 0 : i32
      %run_scoped3A_161 = arith.constant 1 : i32
      "tpu.region"() ({
        %run_scoped3A_186 = tpu.sem_alloc : memref<!tpu.dma_semaphore, #tpu.memory_space<semaphore_mem>>
        %dma_start3A_187 = arith.constant 0 : i32
        %dma_start3A_188 = tpu.memref_slice %arg6[%run_scoped3A, %run_scoped3A_161, %dma_start3A_187] : memref<2x2x128xi32, #tpu.memory_space<vmem>> -> memref<1x1x128xi32, #tpu.memory_space<vmem>>
        %dma_start3A_189 = tpu.memref_squeeze %dma_start3A_188 : memref<1x1x128xi32, #tpu.memory_space<vmem>> -> memref<128xi32, #tpu.memory_space<vmem>>
        %dma_start3A_190 = arith.constant 0 : i32
        %dma_start3A_191 = arith.constant 0 : i32
        %dma_start3A_192 = tpu.memref_slice %arg5[%dma_start3A_190, %dma_start3A_191] : memref<10240x144xf32, #tpu.memory_space<vmem_shared>> -> memref<10240x144xf32, #tpu.memory_space<vmem_shared>>
        tpu.enqueue_indirect_dma source(%arg7 : memref<128x144xf32, #tpu.memory_space<vmem>>) target(%dma_start3A_192 : memref<10240x144xf32, #tpu.memory_space<vmem_shared>>) offsets(%dma_start3A_189 : memref<128xi32, #tpu.memory_space<vmem>>) semaphore(%run_scoped3A_186 : memref<!tpu.dma_semaphore, #tpu.memory_space<semaphore_mem>>) {add = true}
        %dma_wait3A_193 = arith.constant 0 : i32
        %dma_wait3A_194 = tpu.memref_slice %arg6[%run_scoped3A, %run_scoped3A_161, %dma_wait3A_193] : memref<2x2x128xi32, #tpu.memory_space<vmem>> -> memref<1x1x128xi32, #tpu.memory_space<vmem>>
        %dma_wait3A_195 = tpu.memref_squeeze %dma_wait3A_194 : memref<1x1x128xi32, #tpu.memory_space<vmem>> -> memref<128xi32, #tpu.memory_space<vmem>>
        %dma_wait3A_196 = arith.constant 0 : i32
        %dma_wait3A_197 = arith.constant 0 : i32
        %dma_wait3A_198 = tpu.memref_slice %arg5[%dma_wait3A_196, %dma_wait3A_197] : memref<10240x144xf32, #tpu.memory_space<vmem_shared>> -> memref<10240x144xf32, #tpu.memory_space<vmem_shared>>
        tpu.wait_indirect_dma semaphore(%run_scoped3A_186 : memref<!tpu.dma_semaphore, #tpu.memory_space<semaphore_mem>>) src(%arg7 : memref<128x144xf32, #tpu.memory_space<vmem>>) dst(%dma_wait3A_198 : memref<10240x144xf32, #tpu.memory_space<vmem_shared>>)
        tpu.yield
      }) : () -> ()
      %add3A_162 = arith.constant 1 : i32
      %add3A_163 = arith.addi %scan3A_72, %add3A_162 : i32
      %lt3A_164 = arith.constant 39 : i32
      %lt3A_165 = arith.cmpi slt, %add3A_163, %lt3A_164 : i32
      %convert_element_type3A_166 = arith.extui %lt3A_165 : i1 to i32
      %cond3A_167 = arith.constant 0 : i32
      %cond3A_168 = arith.cmpi ne, %convert_element_type3A_166, %cond3A_167 : i32
      scf.if %cond3A_168 {
        %add3A_186 = arith.constant 64 : i32
        %add3A_187 = arith.addi %add3A_77, %add3A_186 : i32
        %mul3A_188 = arith.constant 128 : i32
        %mul3A_189 = arith.muli %add3A_187, %mul3A_188 : i32
        %dma_start3A_190 = arith.constant 0 : i32
        %dma_start3A_191 = arith.constant 0 : i32
        %dma_start3A_192 = arith.constant 0 : i32
        %dma_start3A_193 = arith.constant 0 : i32
        %dma_start3A_194 = tpu.memref_slice %arg6[%dma_start3A_191, %dma_start3A_192, %dma_start3A_193] : memref<2x2x128xi32, #tpu.memory_space<vmem>> -> memref<1x1x128xi32, #tpu.memory_space<vmem>>
        %dma_start3A_195 = tpu.memref_squeeze %dma_start3A_194 : memref<1x1x128xi32, #tpu.memory_space<vmem>> -> memref<128xi32, #tpu.memory_space<vmem>>
        %dma_start3A_196 = tpu.memref_slice %arg3[%dma_start3A_190, %mul3A_189] : memref<2x320000xi32, #tpu.memory_space<hbm>> -> memref<1x128xi32, #tpu.memory_space<hbm>>
        %dma_start3A_197 = tpu.memref_squeeze %dma_start3A_196 : memref<1x128xi32, #tpu.memory_space<hbm>> -> memref<128xi32, #tpu.memory_space<hbm>>
        %dma_start3A_198 = arith.constant 0 : i32
        %dma_start3A_199 = tpu.memref_slice %arg6[%dma_start3A_191, %dma_start3A_192, %dma_start3A_198] : memref<2x2x128xi32, #tpu.memory_space<vmem>> -> memref<1x1x128xi32, #tpu.memory_space<vmem>>
        %dma_start3A_200 = tpu.memref_squeeze %dma_start3A_199 : memref<1x1x128xi32, #tpu.memory_space<vmem>> -> memref<128xi32, #tpu.memory_space<vmem>>
        %dma_start3A_201 = tpu.memref_slice %arg3[%dma_start3A_190, %mul3A_189] : memref<2x320000xi32, #tpu.memory_space<hbm>> -> memref<1x128xi32, #tpu.memory_space<hbm>>
        %dma_start3A_202 = tpu.memref_squeeze %dma_start3A_201 : memref<1x128xi32, #tpu.memory_space<hbm>> -> memref<128xi32, #tpu.memory_space<hbm>>
        tpu.enqueue_dma source(%dma_start3A_202 : memref<128xi32, #tpu.memory_space<hbm>>) target(%dma_start3A_200 : memref<128xi32, #tpu.memory_space<vmem>>) target_semaphore(%arg9 : memref<!tpu.dma_semaphore, #tpu.memory_space<semaphore_mem>>)
        %mul3A_203 = arith.constant 128 : i32
        %mul3A_204 = arith.muli %add3A_187, %mul3A_203 : i32
        %dma_start3A_205 = arith.constant 1 : i32
        %dma_start3A_206 = arith.constant 0 : i32
        %dma_start3A_207 = arith.constant 1 : i32
        %dma_start3A_208 = arith.constant 0 : i32
        %dma_start3A_209 = tpu.memref_slice %arg6[%dma_start3A_206, %dma_start3A_207, %dma_start3A_208] : memref<2x2x128xi32, #tpu.memory_space<vmem>> -> memref<1x1x128xi32, #tpu.memory_space<vmem>>
        %dma_start3A_210 = tpu.memref_squeeze %dma_start3A_209 : memref<1x1x128xi32, #tpu.memory_space<vmem>> -> memref<128xi32, #tpu.memory_space<vmem>>
        %dma_start3A_211 = tpu.memref_slice %arg3[%dma_start3A_205, %mul3A_204] : memref<2x320000xi32, #tpu.memory_space<hbm>> -> memref<1x128xi32, #tpu.memory_space<hbm>>
        %dma_start3A_212 = tpu.memref_squeeze %dma_start3A_211 : memref<1x128xi32, #tpu.memory_space<hbm>> -> memref<128xi32, #tpu.memory_space<hbm>>
        %dma_start3A_213 = arith.constant 0 : i32
        %dma_start3A_214 = tpu.memref_slice %arg6[%dma_start3A_206, %dma_start3A_207, %dma_start3A_213] : memref<2x2x128xi32, #tpu.memory_space<vmem>> -> memref<1x1x128xi32, #tpu.memory_space<vmem>>
        %dma_start3A_215 = tpu.memref_squeeze %dma_start3A_214 : memref<1x1x128xi32, #tpu.memory_space<vmem>> -> memref<128xi32, #tpu.memory_space<vmem>>
        %dma_start3A_216 = tpu.memref_slice %arg3[%dma_start3A_205, %mul3A_204] : memref<2x320000xi32, #tpu.memory_space<hbm>> -> memref<1x128xi32, #tpu.memory_space<hbm>>
        %dma_start3A_217 = tpu.memref_squeeze %dma_start3A_216 : memref<1x128xi32, #tpu.memory_space<hbm>> -> memref<128xi32, #tpu.memory_space<hbm>>
        tpu.enqueue_dma source(%dma_start3A_217 : memref<128xi32, #tpu.memory_space<hbm>>) target(%dma_start3A_215 : memref<128xi32, #tpu.memory_space<vmem>>) target_semaphore(%arg9 : memref<!tpu.dma_semaphore, #tpu.memory_space<semaphore_mem>>)
      } else {
      }
      %dma_wait3A_169 = arith.constant 1 : i32
      %dma_wait3A_170 = arith.constant 0 : i32
      %dma_wait3A_171 = arith.constant 0 : i32
      %dma_wait3A_172 = tpu.memref_slice %arg6[%dma_wait3A_169, %dma_wait3A_170, %dma_wait3A_171] : memref<2x2x128xi32, #tpu.memory_space<vmem>> -> memref<1x1x128xi32, #tpu.memory_space<vmem>>
      %dma_wait3A_173 = tpu.memref_squeeze %dma_wait3A_172 : memref<1x1x128xi32, #tpu.memory_space<vmem>> -> memref<128xi32, #tpu.memory_space<vmem>>
      %dma_wait3A_174 = arith.constant 0 : i32
      %dma_wait3A_175 = arith.constant 0 : i32
      %dma_wait3A_176 = tpu.memref_slice %arg2[%dma_wait3A_174, %dma_wait3A_175] : memref<10240x144xf32, #tpu.memory_space<hbm>> -> memref<10240x144xf32, #tpu.memory_space<hbm>>
      tpu.wait_indirect_dma semaphore(%arg12 : memref<!tpu.dma_semaphore, #tpu.memory_space<semaphore_mem>>) src(%dma_wait3A_176 : memref<10240x144xf32, #tpu.memory_space<hbm>>) dst(%arg8 : memref<128x144xf32, #tpu.memory_space<vmem>>)
      %run_scoped3A_177 = arith.constant 1 : i32
      %run_scoped3A_178 = arith.constant 1 : i32
      "tpu.region"() ({
        %run_scoped3A_186 = tpu.sem_alloc : memref<!tpu.dma_semaphore, #tpu.memory_space<semaphore_mem>>
        %dma_start3A_187 = arith.constant 0 : i32
        %dma_start3A_188 = tpu.memref_slice %arg6[%run_scoped3A_177, %run_scoped3A_178, %dma_start3A_187] : memref<2x2x128xi32, #tpu.memory_space<vmem>> -> memref<1x1x128xi32, #tpu.memory_space<vmem>>
        %dma_start3A_189 = tpu.memref_squeeze %dma_start3A_188 : memref<1x1x128xi32, #tpu.memory_space<vmem>> -> memref<128xi32, #tpu.memory_space<vmem>>
        %dma_start3A_190 = arith.constant 0 : i32
        %dma_start3A_191 = arith.constant 0 : i32
        %dma_start3A_192 = tpu.memref_slice %arg5[%dma_start3A_190, %dma_start3A_191] : memref<10240x144xf32, #tpu.memory_space<vmem_shared>> -> memref<10240x144xf32, #tpu.memory_space<vmem_shared>>
        tpu.enqueue_indirect_dma source(%arg8 : memref<128x144xf32, #tpu.memory_space<vmem>>) target(%dma_start3A_192 : memref<10240x144xf32, #tpu.memory_space<vmem_shared>>) offsets(%dma_start3A_189 : memref<128xi32, #tpu.memory_space<vmem>>) semaphore(%run_scoped3A_186 : memref<!tpu.dma_semaphore, #tpu.memory_space<semaphore_mem>>) {add = true}
        %dma_wait3A_193 = arith.constant 0 : i32
        %dma_wait3A_194 = tpu.memref_slice %arg6[%run_scoped3A_177, %run_scoped3A_178, %dma_wait3A_193] : memref<2x2x128xi32, #tpu.memory_space<vmem>> -> memref<1x1x128xi32, #tpu.memory_space<vmem>>
        %dma_wait3A_195 = tpu.memref_squeeze %dma_wait3A_194 : memref<1x1x128xi32, #tpu.memory_space<vmem>> -> memref<128xi32, #tpu.memory_space<vmem>>
        %dma_wait3A_196 = arith.constant 0 : i32
        %dma_wait3A_197 = arith.constant 0 : i32
        %dma_wait3A_198 = tpu.memref_slice %arg5[%dma_wait3A_196, %dma_wait3A_197] : memref<10240x144xf32, #tpu.memory_space<vmem_shared>> -> memref<10240x144xf32, #tpu.memory_space<vmem_shared>>
        tpu.wait_indirect_dma semaphore(%run_scoped3A_186 : memref<!tpu.dma_semaphore, #tpu.memory_space<semaphore_mem>>) src(%arg8 : memref<128x144xf32, #tpu.memory_space<vmem>>) dst(%dma_wait3A_198 : memref<10240x144xf32, #tpu.memory_space<vmem_shared>>)
        tpu.yield
      }) : () -> ()
      %add3A_179 = arith.constant 1 : i32
      %add3A_180 = arith.addi %scan3A_72, %add3A_179 : i32
      %lt3A_181 = arith.constant 39 : i32
      %lt3A_182 = arith.cmpi slt, %add3A_180, %lt3A_181 : i32
      %convert_element_type3A_183 = arith.extui %lt3A_182 : i1 to i32
      %cond3A_184 = arith.constant 0 : i32
      %cond3A_185 = arith.cmpi ne, %convert_element_type3A_183, %cond3A_184 : i32
      scf.if %cond3A_185 {
        %add3A_186 = arith.constant 96 : i32
        %add3A_187 = arith.addi %add3A_77, %add3A_186 : i32
        %mul3A_188 = arith.constant 128 : i32
        %mul3A_189 = arith.muli %add3A_187, %mul3A_188 : i32
        %dma_start3A_190 = arith.constant 0 : i32
        %dma_start3A_191 = arith.constant 1 : i32
        %dma_start3A_192 = arith.constant 0 : i32
        %dma_start3A_193 = arith.constant 0 : i32
        %dma_start3A_194 = tpu.memref_slice %arg6[%dma_start3A_191, %dma_start3A_192, %dma_start3A_193] : memref<2x2x128xi32, #tpu.memory_space<vmem>> -> memref<1x1x128xi32, #tpu.memory_space<vmem>>
        %dma_start3A_195 = tpu.memref_squeeze %dma_start3A_194 : memref<1x1x128xi32, #tpu.memory_space<vmem>> -> memref<128xi32, #tpu.memory_space<vmem>>
        %dma_start3A_196 = tpu.memref_slice %arg3[%dma_start3A_190, %mul3A_189] : memref<2x320000xi32, #tpu.memory_space<hbm>> -> memref<1x128xi32, #tpu.memory_space<hbm>>
        %dma_start3A_197 = tpu.memref_squeeze %dma_start3A_196 : memref<1x128xi32, #tpu.memory_space<hbm>> -> memref<128xi32, #tpu.memory_space<hbm>>
        %dma_start3A_198 = arith.constant 0 : i32
        %dma_start3A_199 = tpu.memref_slice %arg6[%dma_start3A_191, %dma_start3A_192, %dma_start3A_198] : memref<2x2x128xi32, #tpu.memory_space<vmem>> -> memref<1x1x128xi32, #tpu.memory_space<vmem>>
        %dma_start3A_200 = tpu.memref_squeeze %dma_start3A_199 : memref<1x1x128xi32, #tpu.memory_space<vmem>> -> memref<128xi32, #tpu.memory_space<vmem>>
        %dma_start3A_201 = tpu.memref_slice %arg3[%dma_start3A_190, %mul3A_189] : memref<2x320000xi32, #tpu.memory_space<hbm>> -> memref<1x128xi32, #tpu.memory_space<hbm>>
        %dma_start3A_202 = tpu.memref_squeeze %dma_start3A_201 : memref<1x128xi32, #tpu.memory_space<hbm>> -> memref<128xi32, #tpu.memory_space<hbm>>
        tpu.enqueue_dma source(%dma_start3A_202 : memref<128xi32, #tpu.memory_space<hbm>>) target(%dma_start3A_200 : memref<128xi32, #tpu.memory_space<vmem>>) target_semaphore(%arg10 : memref<!tpu.dma_semaphore, #tpu.memory_space<semaphore_mem>>)
        %mul3A_203 = arith.constant 128 : i32
        %mul3A_204 = arith.muli %add3A_187, %mul3A_203 : i32
        %dma_start3A_205 = arith.constant 1 : i32
        %dma_start3A_206 = arith.constant 1 : i32
        %dma_start3A_207 = arith.constant 1 : i32
        %dma_start3A_208 = arith.constant 0 : i32
        %dma_start3A_209 = tpu.memref_slice %arg6[%dma_start3A_206, %dma_start3A_207, %dma_start3A_208] : memref<2x2x128xi32, #tpu.memory_space<vmem>> -> memref<1x1x128xi32, #tpu.memory_space<vmem>>
        %dma_start3A_210 = tpu.memref_squeeze %dma_start3A_209 : memref<1x1x128xi32, #tpu.memory_space<vmem>> -> memref<128xi32, #tpu.memory_space<vmem>>
        %dma_start3A_211 = tpu.memref_slice %arg3[%dma_start3A_205, %mul3A_204] : memref<2x320000xi32, #tpu.memory_space<hbm>> -> memref<1x128xi32, #tpu.memory_space<hbm>>
        %dma_start3A_212 = tpu.memref_squeeze %dma_start3A_211 : memref<1x128xi32, #tpu.memory_space<hbm>> -> memref<128xi32, #tpu.memory_space<hbm>>
        %dma_start3A_213 = arith.constant 0 : i32
        %dma_start3A_214 = tpu.memref_slice %arg6[%dma_start3A_206, %dma_start3A_207, %dma_start3A_213] : memref<2x2x128xi32, #tpu.memory_space<vmem>> -> memref<1x1x128xi32, #tpu.memory_space<vmem>>
        %dma_start3A_215 = tpu.memref_squeeze %dma_start3A_214 : memref<1x1x128xi32, #tpu.memory_space<vmem>> -> memref<128xi32, #tpu.memory_space<vmem>>
        %dma_start3A_216 = tpu.memref_slice %arg3[%dma_start3A_205, %mul3A_204] : memref<2x320000xi32, #tpu.memory_space<hbm>> -> memref<1x128xi32, #tpu.memory_space<hbm>>
        %dma_start3A_217 = tpu.memref_squeeze %dma_start3A_216 : memref<1x128xi32, #tpu.memory_space<hbm>> -> memref<128xi32, #tpu.memory_space<hbm>>
        tpu.enqueue_dma source(%dma_start3A_217 : memref<128xi32, #tpu.memory_space<hbm>>) target(%dma_start3A_215 : memref<128xi32, #tpu.memory_space<vmem>>) target_semaphore(%arg10 : memref<!tpu.dma_semaphore, #tpu.memory_space<semaphore_mem>>)
      } else {
      }
    }
    %scan3A_68 = arith.constant 39 : i32
    %lt3A = arith.constant 4 : i32
    %lt3A_69 = arith.cmpi slt, %add3A, %lt3A : i32
    %convert_element_type3A = arith.extui %lt3A_69 : i1 to i32
    %cond3A = arith.constant 0 : i32
    %cond3A_70 = arith.cmpi ne, %convert_element_type3A, %cond3A : i32
    scf.if %cond3A_70 {
      %add3A_72 = arith.constant 2496 : i32
      %add3A_73 = arith.addi %add3A, %add3A_72 : i32
      %mul3A_74 = arith.constant 128 : i32
      %mul3A_75 = arith.muli %add3A_73, %mul3A_74 : i32
      %dma_start3A_76 = arith.constant 0 : i32
      %dma_start3A_77 = arith.constant 0 : i32
      %dma_start3A_78 = arith.constant 0 : i32
      %dma_start3A_79 = arith.constant 0 : i32
      %dma_start3A_80 = tpu.memref_slice %arg6[%dma_start3A_77, %dma_start3A_78, %dma_start3A_79] : memref<2x2x128xi32, #tpu.memory_space<vmem>> -> memref<1x1x128xi32, #tpu.memory_space<vmem>>
      %dma_start3A_81 = tpu.memref_squeeze %dma_start3A_80 : memref<1x1x128xi32, #tpu.memory_space<vmem>> -> memref<128xi32, #tpu.memory_space<vmem>>
      %dma_start3A_82 = tpu.memref_slice %arg3[%dma_start3A_76, %mul3A_75] : memref<2x320000xi32, #tpu.memory_space<hbm>> -> memref<1x128xi32, #tpu.memory_space<hbm>>
      %dma_start3A_83 = tpu.memref_squeeze %dma_start3A_82 : memref<1x128xi32, #tpu.memory_space<hbm>> -> memref<128xi32, #tpu.memory_space<hbm>>
      %dma_start3A_84 = arith.constant 0 : i32
      %dma_start3A_85 = tpu.memref_slice %arg6[%dma_start3A_77, %dma_start3A_78, %dma_start3A_84] : memref<2x2x128xi32, #tpu.memory_space<vmem>> -> memref<1x1x128xi32, #tpu.memory_space<vmem>>
      %dma_start3A_86 = tpu.memref_squeeze %dma_start3A_85 : memref<1x1x128xi32, #tpu.memory_space<vmem>> -> memref<128xi32, #tpu.memory_space<vmem>>
      %dma_start3A_87 = tpu.memref_slice %arg3[%dma_start3A_76, %mul3A_75] : memref<2x320000xi32, #tpu.memory_space<hbm>> -> memref<1x128xi32, #tpu.memory_space<hbm>>
      %dma_start3A_88 = tpu.memref_squeeze %dma_start3A_87 : memref<1x128xi32, #tpu.memory_space<hbm>> -> memref<128xi32, #tpu.memory_space<hbm>>
      tpu.enqueue_dma source(%dma_start3A_88 : memref<128xi32, #tpu.memory_space<hbm>>) target(%dma_start3A_86 : memref<128xi32, #tpu.memory_space<vmem>>) target_semaphore(%arg9 : memref<!tpu.dma_semaphore, #tpu.memory_space<semaphore_mem>>)
      %mul3A_89 = arith.constant 128 : i32
      %mul3A_90 = arith.muli %add3A_73, %mul3A_89 : i32
      %dma_start3A_91 = arith.constant 1 : i32
      %dma_start3A_92 = arith.constant 0 : i32
      %dma_start3A_93 = arith.constant 1 : i32
      %dma_start3A_94 = arith.constant 0 : i32
      %dma_start3A_95 = tpu.memref_slice %arg6[%dma_start3A_92, %dma_start3A_93, %dma_start3A_94] : memref<2x2x128xi32, #tpu.memory_space<vmem>> -> memref<1x1x128xi32, #tpu.memory_space<vmem>>
      %dma_start3A_96 = tpu.memref_squeeze %dma_start3A_95 : memref<1x1x128xi32, #tpu.memory_space<vmem>> -> memref<128xi32, #tpu.memory_space<vmem>>
      %dma_start3A_97 = tpu.memref_slice %arg3[%dma_start3A_91, %mul3A_90] : memref<2x320000xi32, #tpu.memory_space<hbm>> -> memref<1x128xi32, #tpu.memory_space<hbm>>
      %dma_start3A_98 = tpu.memref_squeeze %dma_start3A_97 : memref<1x128xi32, #tpu.memory_space<hbm>> -> memref<128xi32, #tpu.memory_space<hbm>>
      %dma_start3A_99 = arith.constant 0 : i32
      %dma_start3A_100 = tpu.memref_slice %arg6[%dma_start3A_92, %dma_start3A_93, %dma_start3A_99] : memref<2x2x128xi32, #tpu.memory_space<vmem>> -> memref<1x1x128xi32, #tpu.memory_space<vmem>>
      %dma_start3A_101 = tpu.memref_squeeze %dma_start3A_100 : memref<1x1x128xi32, #tpu.memory_space<vmem>> -> memref<128xi32, #tpu.memory_space<vmem>>
      %dma_start3A_102 = tpu.memref_slice %arg3[%dma_start3A_91, %mul3A_90] : memref<2x320000xi32, #tpu.memory_space<hbm>> -> memref<1x128xi32, #tpu.memory_space<hbm>>
      %dma_start3A_103 = tpu.memref_squeeze %dma_start3A_102 : memref<1x128xi32, #tpu.memory_space<hbm>> -> memref<128xi32, #tpu.memory_space<hbm>>
      tpu.enqueue_dma source(%dma_start3A_103 : memref<128xi32, #tpu.memory_space<hbm>>) target(%dma_start3A_101 : memref<128xi32, #tpu.memory_space<vmem>>) target_semaphore(%arg9 : memref<!tpu.dma_semaphore, #tpu.memory_space<semaphore_mem>>)
      %dma_wait3A = arith.constant 0 : i32
      %dma_wait3A_104 = arith.constant 0 : i32
      %dma_wait3A_105 = arith.constant 0 : i32
      %dma_wait3A_106 = arith.constant 0 : i32
      %dma_wait3A_107 = tpu.memref_slice %arg6[%dma_wait3A_104, %dma_wait3A_105, %dma_wait3A_106] : memref<2x2x128xi32, #tpu.memory_space<vmem>> -> memref<1x1x128xi32, #tpu.memory_space<vmem>>
      %dma_wait3A_108 = tpu.memref_squeeze %dma_wait3A_107 : memref<1x1x128xi32, #tpu.memory_space<vmem>> -> memref<128xi32, #tpu.memory_space<vmem>>
      %dma_wait3A_109 = arith.constant 0 : i32
      %dma_wait3A_110 = tpu.memref_slice %arg3[%dma_wait3A, %dma_wait3A_109] : memref<2x320000xi32, #tpu.memory_space<hbm>> -> memref<1x128xi32, #tpu.memory_space<hbm>>
      %dma_wait3A_111 = tpu.memref_squeeze %dma_wait3A_110 : memref<1x128xi32, #tpu.memory_space<hbm>> -> memref<128xi32, #tpu.memory_space<hbm>>
      %dma_wait3A_112 = arith.constant 0 : i32
      %dma_wait3A_113 = tpu.memref_slice %arg6[%dma_wait3A_104, %dma_wait3A_105, %dma_wait3A_112] : memref<2x2x128xi32, #tpu.memory_space<vmem>> -> memref<1x1x128xi32, #tpu.memory_space<vmem>>
      %dma_wait3A_114 = tpu.memref_squeeze %dma_wait3A_113 : memref<1x1x128xi32, #tpu.memory_space<vmem>> -> memref<128xi32, #tpu.memory_space<vmem>>
      %dma_wait3A_115 = arith.constant 0 : i32
      %dma_wait3A_116 = tpu.memref_slice %arg3[%dma_wait3A, %dma_wait3A_115] : memref<2x320000xi32, #tpu.memory_space<hbm>> -> memref<1x128xi32, #tpu.memory_space<hbm>>
      %dma_wait3A_117 = tpu.memref_squeeze %dma_wait3A_116 : memref<1x128xi32, #tpu.memory_space<hbm>> -> memref<128xi32, #tpu.memory_space<hbm>>
      tpu.wait_dma2 semaphore(%arg9 : memref<!tpu.dma_semaphore, #tpu.memory_space<semaphore_mem>>) src(%dma_wait3A_117 : memref<128xi32, #tpu.memory_space<hbm>>) dst(%dma_wait3A_114 : memref<128xi32, #tpu.memory_space<vmem>>)
      %dma_wait3A_118 = arith.constant 1 : i32
      %dma_wait3A_119 = arith.constant 0 : i32
      %dma_wait3A_120 = arith.constant 1 : i32
      %dma_wait3A_121 = arith.constant 0 : i32
      %dma_wait3A_122 = tpu.memref_slice %arg6[%dma_wait3A_119, %dma_wait3A_120, %dma_wait3A_121] : memref<2x2x128xi32, #tpu.memory_space<vmem>> -> memref<1x1x128xi32, #tpu.memory_space<vmem>>
      %dma_wait3A_123 = tpu.memref_squeeze %dma_wait3A_122 : memref<1x1x128xi32, #tpu.memory_space<vmem>> -> memref<128xi32, #tpu.memory_space<vmem>>
      %dma_wait3A_124 = arith.constant 0 : i32
      %dma_wait3A_125 = tpu.memref_slice %arg3[%dma_wait3A_118, %dma_wait3A_124] : memref<2x320000xi32, #tpu.memory_space<hbm>> -> memref<1x128xi32, #tpu.memory_space<hbm>>
      %dma_wait3A_126 = tpu.memref_squeeze %dma_wait3A_125 : memref<1x128xi32, #tpu.memory_space<hbm>> -> memref<128xi32, #tpu.memory_space<hbm>>
      %dma_wait3A_127 = arith.constant 0 : i32
      %dma_wait3A_128 = tpu.memref_slice %arg6[%dma_wait3A_119, %dma_wait3A_120, %dma_wait3A_127] : memref<2x2x128xi32, #tpu.memory_space<vmem>> -> memref<1x1x128xi32, #tpu.memory_space<vmem>>
      %dma_wait3A_129 = tpu.memref_squeeze %dma_wait3A_128 : memref<1x1x128xi32, #tpu.memory_space<vmem>> -> memref<128xi32, #tpu.memory_space<vmem>>
      %dma_wait3A_130 = arith.constant 0 : i32
      %dma_wait3A_131 = tpu.memref_slice %arg3[%dma_wait3A_118, %dma_wait3A_130] : memref<2x320000xi32, #tpu.memory_space<hbm>> -> memref<1x128xi32, #tpu.memory_space<hbm>>
      %dma_wait3A_132 = tpu.memref_squeeze %dma_wait3A_131 : memref<1x128xi32, #tpu.memory_space<hbm>> -> memref<128xi32, #tpu.memory_space<hbm>>
      tpu.wait_dma2 semaphore(%arg9 : memref<!tpu.dma_semaphore, #tpu.memory_space<semaphore_mem>>) src(%dma_wait3A_132 : memref<128xi32, #tpu.memory_space<hbm>>) dst(%dma_wait3A_129 : memref<128xi32, #tpu.memory_space<vmem>>)
      %dma_start3A_133 = arith.constant 0 : i32
      %dma_start3A_134 = arith.constant 0 : i32
      %dma_start3A_135 = arith.constant 0 : i32
      %dma_start3A_136 = tpu.memref_slice %arg6[%dma_start3A_133, %dma_start3A_134, %dma_start3A_135] : memref<2x2x128xi32, #tpu.memory_space<vmem>> -> memref<1x1x128xi32, #tpu.memory_space<vmem>>
      %dma_start3A_137 = tpu.memref_squeeze %dma_start3A_136 : memref<1x1x128xi32, #tpu.memory_space<vmem>> -> memref<128xi32, #tpu.memory_space<vmem>>
      %dma_start3A_138 = arith.constant 0 : i32
      %dma_start3A_139 = arith.constant 0 : i32
      %dma_start3A_140 = tpu.memref_slice %arg2[%dma_start3A_138, %dma_start3A_139] : memref<10240x144xf32, #tpu.memory_space<hbm>> -> memref<10240x144xf32, #tpu.memory_space<hbm>>
      tpu.enqueue_indirect_dma source(%dma_start3A_140 : memref<10240x144xf32, #tpu.memory_space<hbm>>) target(%arg7 : memref<128x144xf32, #tpu.memory_space<vmem>>) offsets(%dma_start3A_137 : memref<128xi32, #tpu.memory_space<vmem>>) semaphore(%arg11 : memref<!tpu.dma_semaphore, #tpu.memory_space<semaphore_mem>>)
      %dma_wait3A_141 = arith.constant 0 : i32
      %dma_wait3A_142 = arith.constant 0 : i32
      %dma_wait3A_143 = arith.constant 0 : i32
      %dma_wait3A_144 = tpu.memref_slice %arg6[%dma_wait3A_141, %dma_wait3A_142, %dma_wait3A_143] : memref<2x2x128xi32, #tpu.memory_space<vmem>> -> memref<1x1x128xi32, #tpu.memory_space<vmem>>
      %dma_wait3A_145 = tpu.memref_squeeze %dma_wait3A_144 : memref<1x1x128xi32, #tpu.memory_space<vmem>> -> memref<128xi32, #tpu.memory_space<vmem>>
      %dma_wait3A_146 = arith.constant 0 : i32
      %dma_wait3A_147 = arith.constant 0 : i32
      %dma_wait3A_148 = tpu.memref_slice %arg2[%dma_wait3A_146, %dma_wait3A_147] : memref<10240x144xf32, #tpu.memory_space<hbm>> -> memref<10240x144xf32, #tpu.memory_space<hbm>>
      tpu.wait_indirect_dma semaphore(%arg11 : memref<!tpu.dma_semaphore, #tpu.memory_space<semaphore_mem>>) src(%dma_wait3A_148 : memref<10240x144xf32, #tpu.memory_space<hbm>>) dst(%arg7 : memref<128x144xf32, #tpu.memory_space<vmem>>)
      %run_scoped3A = arith.constant 0 : i32
      %run_scoped3A_149 = arith.constant 1 : i32
      "tpu.region"() ({
        %run_scoped3A_150 = tpu.sem_alloc : memref<!tpu.dma_semaphore, #tpu.memory_space<semaphore_mem>>
        %dma_start3A_151 = arith.constant 0 : i32
        %dma_start3A_152 = tpu.memref_slice %arg6[%run_scoped3A, %run_scoped3A_149, %dma_start3A_151] : memref<2x2x128xi32, #tpu.memory_space<vmem>> -> memref<1x1x128xi32, #tpu.memory_space<vmem>>
        %dma_start3A_153 = tpu.memref_squeeze %dma_start3A_152 : memref<1x1x128xi32, #tpu.memory_space<vmem>> -> memref<128xi32, #tpu.memory_space<vmem>>
        %dma_start3A_154 = arith.constant 0 : i32
        %dma_start3A_155 = arith.constant 0 : i32
        %dma_start3A_156 = tpu.memref_slice %arg5[%dma_start3A_154, %dma_start3A_155] : memref<10240x144xf32, #tpu.memory_space<vmem_shared>> -> memref<10240x144xf32, #tpu.memory_space<vmem_shared>>
        tpu.enqueue_indirect_dma source(%arg7 : memref<128x144xf32, #tpu.memory_space<vmem>>) target(%dma_start3A_156 : memref<10240x144xf32, #tpu.memory_space<vmem_shared>>) offsets(%dma_start3A_153 : memref<128xi32, #tpu.memory_space<vmem>>) semaphore(%run_scoped3A_150 : memref<!tpu.dma_semaphore, #tpu.memory_space<semaphore_mem>>) {add = true}
        %dma_wait3A_157 = arith.constant 0 : i32
        %dma_wait3A_158 = tpu.memref_slice %arg6[%run_scoped3A, %run_scoped3A_149, %dma_wait3A_157] : memref<2x2x128xi32, #tpu.memory_space<vmem>> -> memref<1x1x128xi32, #tpu.memory_space<vmem>>
        %dma_wait3A_159 = tpu.memref_squeeze %dma_wait3A_158 : memref<1x1x128xi32, #tpu.memory_space<vmem>> -> memref<128xi32, #tpu.memory_space<vmem>>
        %dma_wait3A_160 = arith.constant 0 : i32
        %dma_wait3A_161 = arith.constant 0 : i32
        %dma_wait3A_162 = tpu.memref_slice %arg5[%dma_wait3A_160, %dma_wait3A_161] : memref<10240x144xf32, #tpu.memory_space<vmem_shared>> -> memref<10240x144xf32, #tpu.memory_space<vmem_shared>>
        tpu.wait_indirect_dma semaphore(%run_scoped3A_150 : memref<!tpu.dma_semaphore, #tpu.memory_space<semaphore_mem>>) src(%arg7 : memref<128x144xf32, #tpu.memory_space<vmem>>) dst(%dma_wait3A_162 : memref<10240x144xf32, #tpu.memory_space<vmem_shared>>)
        tpu.yield
      }) : () -> ()
    } else {
    }
    %barrier3A_71 = arith.constant 0 : index
    tpu.barrier barrier_id(%barrier3A_71)
    "tpu.region"() ({
      %run_scoped3A = tpu.sem_alloc : memref<!tpu.dma_semaphore, #tpu.memory_space<semaphore_mem>>
      %dma_start3A_72 = arith.constant 0 : i32
      %dma_start3A_73 = tpu.memref_slice %arg4[%arg0, %mul3A_2, %dma_start3A_72] : memref<2x10240x144xf32, #tpu.memory_space<hbm>> -> memref<1x640x144xf32, #tpu.memory_space<hbm>>
      %dma_start3A_74 = tpu.memref_squeeze %dma_start3A_73 : memref<1x640x144xf32, #tpu.memory_space<hbm>> -> memref<640x144xf32, #tpu.memory_space<hbm>>
      %dma_start3A_75 = arith.constant 0 : i32
      %dma_start3A_76 = tpu.memref_slice %arg5[%mul3A_2, %dma_start3A_75] : memref<10240x144xf32, #tpu.memory_space<vmem_shared>> -> memref<640x144xf32, #tpu.memory_space<vmem_shared>>
      tpu.enqueue_dma source(%dma_start3A_76 : memref<640x144xf32, #tpu.memory_space<vmem_shared>>) target(%dma_start3A_74 : memref<640x144xf32, #tpu.memory_space<hbm>>) target_semaphore(%run_scoped3A : memref<!tpu.dma_semaphore, #tpu.memory_space<semaphore_mem>>)
      %dma_wait3A = arith.constant 0 : i32
      %dma_wait3A_77 = tpu.memref_slice %arg4[%arg0, %mul3A_2, %dma_wait3A] : memref<2x10240x144xf32, #tpu.memory_space<hbm>> -> memref<1x640x144xf32, #tpu.memory_space<hbm>>
      %dma_wait3A_78 = tpu.memref_squeeze %dma_wait3A_77 : memref<1x640x144xf32, #tpu.memory_space<hbm>> -> memref<640x144xf32, #tpu.memory_space<hbm>>
      %dma_wait3A_79 = arith.constant 0 : i32
      %dma_wait3A_80 = tpu.memref_slice %arg5[%mul3A_2, %dma_wait3A_79] : memref<10240x144xf32, #tpu.memory_space<vmem_shared>> -> memref<640x144xf32, #tpu.memory_space<vmem_shared>>
      tpu.wait_dma2 semaphore(%run_scoped3A : memref<!tpu.dma_semaphore, #tpu.memory_space<semaphore_mem>>) src(%dma_wait3A_80 : memref<640x144xf32, #tpu.memory_space<vmem_shared>>) dst(%dma_wait3A_78 : memref<640x144xf32, #tpu.memory_space<hbm>>)
      tpu.yield
    }) : () -> ()
    return
  }
}

module attributes {stable_mosaic.version = 14 : i64} {
  func.func @body(%arg0: i32, %arg1: memref<640x128xf32, #tpu.memory_space<vmem>>, %arg2: memref<128x128xf32, #tpu.memory_space<vmem>>, %arg3: memref<640x144xf32, #tpu.memory_space<vmem>>) attributes {dimension_semantics = [#tpu.dimension_semantics<arbitrary>], iteration_bounds = array<i64: 16>, scalar_prefetch = 0 : i64, scratch_operands = 0 : i64, tpu.core_type = #tpu.core_type<tc>, window_params = [{transform_indices = @transform_0, window_bounds = array<i64: 640, 128>}, {pipeline_mode = #tpu.pipeline_mode<synchronous>, transform_indices = @transform_1, window_bounds = array<i64: 128, 128>}, {transform_indices = @transform_2, window_bounds = array<i64: 640, 144>}]} {
    %get3A = arith.constant 0 : index
    %get3A_0 = arith.constant 0 : index
    %get3A_1 = vector.load %arg1[%get3A, %get3A_0] : memref<640x128xf32, #tpu.memory_space<vmem>>, vector<640x128xf32>
    %get3A_2 = arith.constant 0 : index
    %get3A_3 = arith.constant 0 : index
    %get3A_4 = vector.load %arg2[%get3A_2, %get3A_3] : memref<128x128xf32, #tpu.memory_space<vmem>>, vector<128x128xf32>
    %dot_general3A = arith.constant dense<0.000000e+00> : vector<640x128xf32>
    %dot_general3A_5 = tpu.matmul %get3A_1, %get3A_4, %dot_general3A {dimension_numbers = #tpu.dot_dimension_numbers<[1], [0], [0], [1], [0, 0, 1, 1], [], []>, transpose_lhs_hint = false} : vector<640x128xf32>, vector<128x128xf32>, vector<640x128xf32> -> vector<640x128xf32>
    %iota3A = tpu.iota {dimensions = array<i32: 1>} : vector<640x16xi32>
    %eq3A = arith.constant 0 : i32
    %eq3A_6 = vector.broadcast %eq3A : i32 to vector<640x16xi32>
    %eq3A_7 = arith.cmpi eq, %iota3A, %eq3A_6 : vector<640x16xi32>
    %convert_element_type3A = arith.extui %eq3A_7 : vector<640x16xi1> to vector<640x16xi32>
    %convert_element_type3A_8 = arith.sitofp %convert_element_type3A : vector<640x16xi32> to vector<640x16xf32>
    %concatenate3A = tpu.concatenate %dot_general3A_5, %convert_element_type3A_8 in 1 : vector<640x128xf32>, vector<640x16xf32> -> vector<640x144xf32>
    %swap3A = arith.constant 0 : index
    %swap3A_9 = arith.constant 0 : index
    %swap3A_10 = vector.load %arg3[%swap3A, %swap3A_9] : memref<640x144xf32, #tpu.memory_space<vmem>>, vector<640x144xf32>
    tpu.vector_store %arg3[%swap3A, %swap3A_9], %concatenate3A {strides = array<i32>} : memref<640x144xf32, #tpu.memory_space<vmem>>, vector<640x144xf32>,
    return
  }
  func.func @transform_0(%arg0: i32) -> (i32, i32) {
    %c0_i32 = arith.constant 0 : i32
    %c0_i32_0 = arith.constant 0 : i32
    return %arg0, %c0_i32 : i32, i32
  }
  func.func @transform_1(%arg0: i32) -> (i32, i32) {
    %c0_i32 = arith.constant 0 : i32
    %c0_i32_0 = arith.constant 0 : i32
    %c0_i32_1 = arith.constant 0 : i32
    return %c0_i32, %c0_i32_0 : i32, i32
  }
  func.func @transform_2(%arg0: i32) -> (i32, i32) {
    %c0_i32 = arith.constant 0 : i32
    %c0_i32_0 = arith.constant 0 : i32
    return %arg0, %c0_i32 : i32, i32
  }
}

module attributes {stable_mosaic.version = 14 : i64} {
  func.func @body(%arg0: i32, %arg1: memref<2x640x144xf32, #tpu.memory_space<vmem>>, %arg2: memref<640x144xf32, #tpu.memory_space<vmem>>, %arg3: memref<1x128xf32, #tpu.memory_space<vmem>>, %arg4: memref<128x128xf32, #tpu.memory_space<vmem>>, %arg5: memref<640x128xf32, #tpu.memory_space<vmem>>, %arg6: memref<640x1xf32, #tpu.memory_space<vmem>>) attributes {dimension_semantics = [#tpu.dimension_semantics<arbitrary>], iteration_bounds = array<i64: 16>, scalar_prefetch = 0 : i64, scratch_operands = 0 : i64, tpu.core_type = #tpu.core_type<tc>, window_params = [{transform_indices = @transform_0, window_bounds = array<i64: 2, 640, 144>}, {transform_indices = @transform_1, window_bounds = array<i64: 640, 144>}, {pipeline_mode = #tpu.pipeline_mode<synchronous>, transform_indices = @transform_2, window_bounds = array<i64: 1, 128>}, {pipeline_mode = #tpu.pipeline_mode<synchronous>, transform_indices = @transform_3, window_bounds = array<i64: 128, 128>}, {transform_indices = @transform_4, window_bounds = array<i64: 640, 128>}, {transform_indices = @transform_5, window_bounds = array<i64: 640, 1>}]} {
    %get3A = arith.constant 0 : index
    %get3A_0 = arith.constant 0 : index
    %get3A_1 = arith.constant 0 : index
    %get3A_2 = vector.load %arg1[%get3A, %get3A_0, %get3A_1] : memref<2x640x144xf32, #tpu.memory_space<vmem>>, vector<1x640x144xf32>
    %get3A_3 = vector.shape_cast %get3A_2 : vector<1x640x144xf32> to vector<640x144xf32>
    %get3A_4 = arith.constant 1 : index
    %get3A_5 = arith.constant 0 : index
    %get3A_6 = arith.constant 0 : index
    %get3A_7 = vector.load %arg1[%get3A_4, %get3A_5, %get3A_6] : memref<2x640x144xf32, #tpu.memory_space<vmem>>, vector<1x640x144xf32>
    %get3A_8 = vector.shape_cast %get3A_7 : vector<1x640x144xf32> to vector<640x144xf32>
    %add3A = arith.addf %get3A_3, %get3A_8 : vector<640x144xf32>
    %get3A_9 = arith.constant 0 : index
    %get3A_10 = arith.constant 0 : index
    %get3A_11 = vector.load %arg2[%get3A_9, %get3A_10] : memref<640x144xf32, #tpu.memory_space<vmem>>, vector<640x144xf32>
    %sub3A = arith.subf %add3A, %get3A_11 : vector<640x144xf32>
    %slice3A = vector.extract_strided_slice %sub3A {offsets = [0, 128], sizes = [640, 1], strides = [1, 1]} : vector<640x144xf32> to vector<640x1xf32>
    %div3A = arith.constant 1.000000e+00 : f32
    %div3A_12 = vector.broadcast %div3A : f32 to vector<640x1xf32>
    %div3A_13 = arith.divf %div3A_12, %slice3A : vector<640x1xf32>
    %slice3A_14 = vector.extract_strided_slice %sub3A {offsets = [0, 0], sizes = [640, 128], strides = [1, 1]} : vector<640x144xf32> to vector<640x128xf32>
    %mul3A = vector.broadcast %div3A_13 : vector<640x1xf32> to vector<640x128xf32>
    %mul3A_15 = arith.mulf %slice3A_14, %mul3A : vector<640x128xf32>
    %get3A_16 = arith.constant 0 : index
    %get3A_17 = arith.constant 0 : index
    %get3A_18 = vector.load %arg3[%get3A_16, %get3A_17] : memref<1x128xf32, #tpu.memory_space<vmem>>, vector<1x128xf32>
    %add3A_19 = vector.broadcast %get3A_18 : vector<1x128xf32> to vector<640x128xf32>
    %add3A_20 = arith.addf %mul3A_15, %add3A_19 : vector<640x128xf32>
    %max3A = arith.constant 0.000000e+00 : f32
    %max3A_21 = vector.broadcast %max3A : f32 to vector<640x128xf32>
    %max3A_22 = arith.maximumf %add3A_20, %max3A_21 : vector<640x128xf32>
    %get3A_23 = arith.constant 0 : index
    %get3A_24 = arith.constant 0 : index
    %get3A_25 = vector.load %arg4[%get3A_23, %get3A_24] : memref<128x128xf32, #tpu.memory_space<vmem>>, vector<128x128xf32>
    %dot_general3A = arith.constant dense<0.000000e+00> : vector<640x128xf32>
    %dot_general3A_26 = tpu.matmul %max3A_22, %get3A_25, %dot_general3A {dimension_numbers = #tpu.dot_dimension_numbers<[1], [0], [0], [1], [0, 0, 1, 1], [], []>, transpose_lhs_hint = false} : vector<640x128xf32>, vector<128x128xf32>, vector<640x128xf32> -> vector<640x128xf32>
    %swap3A = arith.constant 0 : index
    %swap3A_27 = arith.constant 0 : index
    %swap3A_28 = vector.load %arg5[%swap3A, %swap3A_27] : memref<640x128xf32, #tpu.memory_space<vmem>>, vector<640x128xf32>
    tpu.vector_store %arg5[%swap3A, %swap3A_27], %dot_general3A_26 {strides = array<i32>} : memref<640x128xf32, #tpu.memory_space<vmem>>, vector<640x128xf32>,
    %swap3A_29 = arith.constant 0 : index
    %swap3A_30 = arith.constant 0 : index
    %swap3A_31 = vector.load %arg6[%swap3A_29, %swap3A_30] : memref<640x1xf32, #tpu.memory_space<vmem>>, vector<640x1xf32>
    tpu.vector_store %arg6[%swap3A_29, %swap3A_30], %div3A_13 {strides = array<i32>} : memref<640x1xf32, #tpu.memory_space<vmem>>, vector<640x1xf32>,
    return
  }
  func.func @transform_0(%arg0: i32) -> (i32, i32, i32) {
    %c0_i32 = arith.constant 0 : i32
    %c0_i32_0 = arith.constant 0 : i32
    %c0_i32_1 = arith.constant 0 : i32
    return %c0_i32, %arg0, %c0_i32_0 : i32, i32, i32
  }
  func.func @transform_1(%arg0: i32) -> (i32, i32) {
    %c0_i32 = arith.constant 0 : i32
    %c0_i32_0 = arith.constant 0 : i32
    return %arg0, %c0_i32 : i32, i32
  }
  func.func @transform_2(%arg0: i32) -> (i32, i32) {
    %c0_i32 = arith.constant 0 : i32
    %c0_i32_0 = arith.constant 0 : i32
    %c0_i32_1 = arith.constant 0 : i32
    return %c0_i32, %c0_i32_0 : i32, i32
  }
  func.func @transform_3(%arg0: i32) -> (i32, i32) {
    %c0_i32 = arith.constant 0 : i32
    %c0_i32_0 = arith.constant 0 : i32
    %c0_i32_1 = arith.constant 0 : i32
    return %c0_i32, %c0_i32_0 : i32, i32
  }
  func.func @transform_4(%arg0: i32) -> (i32, i32) {
    %c0_i32 = arith.constant 0 : i32
    %c0_i32_0 = arith.constant 0 : i32
    return %arg0, %c0_i32 : i32, i32
  }
  func.func @transform_5(%arg0: i32) -> (i32, i32) {
    %c0_i32 = arith.constant 0 : i32
    %c0_i32_0 = arith.constant 0 : i32
    return %arg0, %c0_i32 : i32, i32
  }
}

module attributes {stable_mosaic.version = 14 : i64} {
  func.func @body(%arg0: i32, %arg1: memref<2x640x128xf32, #tpu.memory_space<vmem>>, %arg2: memref<640x128xf32, #tpu.memory_space<vmem>>, %arg3: memref<640x1xf32, #tpu.memory_space<vmem>>, %arg4: memref<1x128xf32, #tpu.memory_space<vmem>>, %arg5: memref<128x48xf32, #tpu.memory_space<vmem>>, %arg6: memref<640x48xf32, #tpu.memory_space<vmem>>) attributes {dimension_semantics = [#tpu.dimension_semantics<arbitrary>], iteration_bounds = array<i64: 16>, scalar_prefetch = 0 : i64, scratch_operands = 0 : i64, tpu.core_type = #tpu.core_type<tc>, window_params = [{transform_indices = @transform_0, window_bounds = array<i64: 2, 640, 128>}, {transform_indices = @transform_1, window_bounds = array<i64: 640, 128>}, {transform_indices = @transform_2, window_bounds = array<i64: 640, 1>}, {pipeline_mode = #tpu.pipeline_mode<synchronous>, transform_indices = @transform_3, window_bounds = array<i64: 1, 128>}, {pipeline_mode = #tpu.pipeline_mode<synchronous>, transform_indices = @transform_4, window_bounds = array<i64: 128, 48>}, {transform_indices = @transform_5, window_bounds = array<i64: 640, 48>}]} {
    %get3A = arith.constant 0 : index
    %get3A_0 = arith.constant 0 : index
    %get3A_1 = arith.constant 0 : index
    %get3A_2 = vector.load %arg1[%get3A, %get3A_0, %get3A_1] : memref<2x640x128xf32, #tpu.memory_space<vmem>>, vector<1x640x128xf32>
    %get3A_3 = vector.shape_cast %get3A_2 : vector<1x640x128xf32> to vector<640x128xf32>
    %get3A_4 = arith.constant 1 : index
    %get3A_5 = arith.constant 0 : index
    %get3A_6 = arith.constant 0 : index
    %get3A_7 = vector.load %arg1[%get3A_4, %get3A_5, %get3A_6] : memref<2x640x128xf32, #tpu.memory_space<vmem>>, vector<1x640x128xf32>
    %get3A_8 = vector.shape_cast %get3A_7 : vector<1x640x128xf32> to vector<640x128xf32>
    %add3A = arith.addf %get3A_3, %get3A_8 : vector<640x128xf32>
    %get3A_9 = arith.constant 0 : index
    %get3A_10 = arith.constant 0 : index
    %get3A_11 = vector.load %arg2[%get3A_9, %get3A_10] : memref<640x128xf32, #tpu.memory_space<vmem>>, vector<640x128xf32>
    %sub3A = arith.subf %add3A, %get3A_11 : vector<640x128xf32>
    %get3A_12 = arith.constant 0 : index
    %get3A_13 = arith.constant 0 : index
    %get3A_14 = vector.load %arg3[%get3A_12, %get3A_13] : memref<640x1xf32, #tpu.memory_space<vmem>>, vector<640x1xf32>
    %mul3A = vector.broadcast %get3A_14 : vector<640x1xf32> to vector<640x128xf32>
    %mul3A_15 = arith.mulf %sub3A, %mul3A : vector<640x128xf32>
    %get3A_16 = arith.constant 0 : index
    %get3A_17 = arith.constant 0 : index
    %get3A_18 = vector.load %arg4[%get3A_16, %get3A_17] : memref<1x128xf32, #tpu.memory_space<vmem>>, vector<1x128xf32>
    %add3A_19 = vector.broadcast %get3A_18 : vector<1x128xf32> to vector<640x128xf32>
    %add3A_20 = arith.addf %mul3A_15, %add3A_19 : vector<640x128xf32>
    %max3A = arith.constant 0.000000e+00 : f32
    %max3A_21 = vector.broadcast %max3A : f32 to vector<640x128xf32>
    %max3A_22 = arith.maximumf %add3A_20, %max3A_21 : vector<640x128xf32>
    %get3A_23 = arith.constant 0 : index
    %get3A_24 = arith.constant 0 : index
    %get3A_25 = vector.load %arg5[%get3A_23, %get3A_24] : memref<128x48xf32, #tpu.memory_space<vmem>>, vector<128x48xf32>
    %dot_general3A = arith.constant dense<0.000000e+00> : vector<640x48xf32>
    %dot_general3A_26 = tpu.matmul %max3A_22, %get3A_25, %dot_general3A {dimension_numbers = #tpu.dot_dimension_numbers<[1], [0], [0], [1], [0, 0, 1, 1], [], []>, transpose_lhs_hint = false} : vector<640x128xf32>, vector<128x48xf32>, vector<640x48xf32> -> vector<640x48xf32>
    %swap3A = arith.constant 0 : index
    %swap3A_27 = arith.constant 0 : index
    %swap3A_28 = vector.load %arg6[%swap3A, %swap3A_27] : memref<640x48xf32, #tpu.memory_space<vmem>>, vector<640x48xf32>
    tpu.vector_store %arg6[%swap3A, %swap3A_27], %dot_general3A_26 {strides = array<i32>} : memref<640x48xf32, #tpu.memory_space<vmem>>, vector<640x48xf32>,
    return
  }
  func.func @transform_0(%arg0: i32) -> (i32, i32, i32) {
    %c0_i32 = arith.constant 0 : i32
    %c0_i32_0 = arith.constant 0 : i32
    %c0_i32_1 = arith.constant 0 : i32
    return %c0_i32, %arg0, %c0_i32_0 : i32, i32, i32
  }
  func.func @transform_1(%arg0: i32) -> (i32, i32) {
    %c0_i32 = arith.constant 0 : i32
    %c0_i32_0 = arith.constant 0 : i32
    return %arg0, %c0_i32 : i32, i32
  }
  func.func @transform_2(%arg0: i32) -> (i32, i32) {
    %c0_i32 = arith.constant 0 : i32
    %c0_i32_0 = arith.constant 0 : i32
    return %arg0, %c0_i32 : i32, i32
  }
  func.func @transform_3(%arg0: i32) -> (i32, i32) {
    %c0_i32 = arith.constant 0 : i32
    %c0_i32_0 = arith.constant 0 : i32
    %c0_i32_1 = arith.constant 0 : i32
    return %c0_i32, %c0_i32_0 : i32, i32
  }
  func.func @transform_4(%arg0: i32) -> (i32, i32) {
    %c0_i32 = arith.constant 0 : i32
    %c0_i32_0 = arith.constant 0 : i32
    %c0_i32_1 = arith.constant 0 : i32
    return %c0_i32, %c0_i32_0 : i32, i32
  }
  func.func @transform_5(%arg0: i32) -> (i32, i32) {
    %c0_i32 = arith.constant 0 : i32
    %c0_i32_0 = arith.constant 0 : i32
    return %arg0, %c0_i32 : i32, i32
  }
}

module attributes {stable_mosaic.version = 14 : i64} {
  func.func @body(%arg0: i32, %arg1: memref<2x640x48xf32, #tpu.memory_space<vmem>>, %arg2: memref<640x48xf32, #tpu.memory_space<vmem>>, %arg3: memref<640x1xf32, #tpu.memory_space<vmem>>, %arg4: memref<1x48xf32, #tpu.memory_space<vmem>>, %arg5: memref<640x40xf32, #tpu.memory_space<vmem>>) attributes {dimension_semantics = [#tpu.dimension_semantics<arbitrary>], iteration_bounds = array<i64: 16>, scalar_prefetch = 0 : i64, scratch_operands = 0 : i64, tpu.core_type = #tpu.core_type<tc>, window_params = [{transform_indices = @transform_0, window_bounds = array<i64: 2, 640, 48>}, {transform_indices = @transform_1, window_bounds = array<i64: 640, 48>}, {transform_indices = @transform_2, window_bounds = array<i64: 640, 1>}, {pipeline_mode = #tpu.pipeline_mode<synchronous>, transform_indices = @transform_3, window_bounds = array<i64: 1, 48>}, {transform_indices = @transform_4, window_bounds = array<i64: 640, 40>}]} {
    %get3A = arith.constant 0 : index
    %get3A_0 = arith.constant 0 : index
    %get3A_1 = arith.constant 0 : index
    %get3A_2 = vector.load %arg1[%get3A, %get3A_0, %get3A_1] : memref<2x640x48xf32, #tpu.memory_space<vmem>>, vector<1x640x48xf32>
    %get3A_3 = vector.shape_cast %get3A_2 : vector<1x640x48xf32> to vector<640x48xf32>
    %get3A_4 = arith.constant 1 : index
    %get3A_5 = arith.constant 0 : index
    %get3A_6 = arith.constant 0 : index
    %get3A_7 = vector.load %arg1[%get3A_4, %get3A_5, %get3A_6] : memref<2x640x48xf32, #tpu.memory_space<vmem>>, vector<1x640x48xf32>
    %get3A_8 = vector.shape_cast %get3A_7 : vector<1x640x48xf32> to vector<640x48xf32>
    %add3A = arith.addf %get3A_3, %get3A_8 : vector<640x48xf32>
    %get3A_9 = arith.constant 0 : index
    %get3A_10 = arith.constant 0 : index
    %get3A_11 = vector.load %arg2[%get3A_9, %get3A_10] : memref<640x48xf32, #tpu.memory_space<vmem>>, vector<640x48xf32>
    %sub3A = arith.subf %add3A, %get3A_11 : vector<640x48xf32>
    %get3A_12 = arith.constant 0 : index
    %get3A_13 = arith.constant 0 : index
    %get3A_14 = vector.load %arg3[%get3A_12, %get3A_13] : memref<640x1xf32, #tpu.memory_space<vmem>>, vector<640x1xf32>
    %mul3A = vector.broadcast %get3A_14 : vector<640x1xf32> to vector<640x48xf32>
    %mul3A_15 = arith.mulf %sub3A, %mul3A : vector<640x48xf32>
    %get3A_16 = arith.constant 0 : index
    %get3A_17 = arith.constant 0 : index
    %get3A_18 = vector.load %arg4[%get3A_16, %get3A_17] : memref<1x48xf32, #tpu.memory_space<vmem>>, vector<1x48xf32>
    %add3A_19 = vector.broadcast %get3A_18 : vector<1x48xf32> to vector<640x48xf32>
    %add3A_20 = arith.addf %mul3A_15, %add3A_19 : vector<640x48xf32>
    %slice3A = vector.extract_strided_slice %add3A_20 {offsets = [0, 0], sizes = [640, 40], strides = [1, 1]} : vector<640x48xf32> to vector<640x40xf32>
    %swap3A = arith.constant 0 : index
    %swap3A_21 = arith.constant 0 : index
    %swap3A_22 = vector.load %arg5[%swap3A, %swap3A_21] : memref<640x40xf32, #tpu.memory_space<vmem>>, vector<640x40xf32>
    tpu.vector_store %arg5[%swap3A, %swap3A_21], %slice3A {strides = array<i32>} : memref<640x40xf32, #tpu.memory_space<vmem>>, vector<640x40xf32>,
    return
  }
  func.func @transform_0(%arg0: i32) -> (i32, i32, i32) {
    %c0_i32 = arith.constant 0 : i32
    %c0_i32_0 = arith.constant 0 : i32
    %c0_i32_1 = arith.constant 0 : i32
    return %c0_i32, %arg0, %c0_i32_0 : i32, i32, i32
  }
  func.func @transform_1(%arg0: i32) -> (i32, i32) {
    %c0_i32 = arith.constant 0 : i32
    %c0_i32_0 = arith.constant 0 : i32
    return %arg0, %c0_i32 : i32, i32
  }
  func.func @transform_2(%arg0: i32) -> (i32, i32) {
    %c0_i32 = arith.constant 0 : i32
    %c0_i32_0 = arith.constant 0 : i32
    return %arg0, %c0_i32 : i32, i32
  }
  func.func @transform_3(%arg0: i32) -> (i32, i32) {
    %c0_i32 = arith.constant 0 : i32
    %c0_i32_0 = arith.constant 0 : i32
    %c0_i32_1 = arith.constant 0 : i32
    return %c0_i32, %c0_i32_0 : i32, i32
  }
  func.func @transform_4(%arg0: i32) -> (i32, i32) {
    %c0_i32 = arith.constant 0 : i32
    %c0_i32_0 = arith.constant 0 : i32
    return %arg0, %c0_i32 : i32, i32
  }
}

</mosaic_0001>

<sc_bundles>
// kernel: kernel.12.cloned.1.call-start
scs
__scs_entry_jumppad:
0x0: {  	(pc) =	sbr.rel $0x88, $3  }
0x1: {  	(tag) =	ssettag $0x0;
	lr =	simm.s32 $0x1  }
0x2: {  	[smem:$0x3F99] =	sst lr;
	_ =	strace $0xD0000000  }
0x3: {  	_ = 	snop  }
0x4: {  	_ = 	snop  }
0x5: {  	_ = 	snop  }
0x6: {  	_ = 	snop  }
0x7: {  	_ = 	snop  }
__scs_overlays_trampoline_lowered:
0x8: {  	[smem:$0x3FA8] =	sst s0  }
0x9: {  	[smem:$0x3FA9] =	sst s1  }
0xa: {  	[smem:$0x3FAA] =	sst s2  }
0xb: {  	[smem:$0x3FAB] =	sst s3  }
0xc: {  	[smem:$0x3FAC] =	sst s4  }
0xd: {  	[smem:$0x3FAD] =	sst s5  }
0xe: {  	[smem:$0x3FAE] =	sst s6  }
0xf: {  	[smem:$0x3FAF] =	sst s7  }
0x10: {  	[smem:$0x3FB0] =	sst s8  }
0x11: {  	[smem:$0x3FB1] =	sst s9;
	s0 =	simm.s32 @!p0 $0x0  }
0x12: {  	s1 =	sld [smem:$0x3F97];
	s0 =	simm.s32 @p0 $0x1  }
0x13: {  	[smem:$0x3FB2] =	sst s0;
	s0 =	simm.s32 @!p1 $0x0  }
0x14: {  	s2 =	sld [smem:$0x3F96];
	s0 =	simm.s32 @p1 $0x1  }
0x15: {  	[smem:$0x3FB3] =	sst s0;
	s0 =	simm.s32 @!p2 $0x0  }
0x16: {  	s3 =	sld [smem:$0x3FDB];
	s0 =	simm.s32 @p2 $0x1  }
0x17: {  	s4 =	simm.s32 $0x1BF5;
	[smem:$0x3FB5] =	sst s0  }
0x18: {  	s0 =	sld [smem:$0x3F98];
	_ =	swait.ge [sflag:s4], $0x0  }
0x19: {  	s7 =	sld [smem:$0x3F99]  }
0x1a: {  	s8 =	sadd.s32 $0xFFFFE003, lr  }
0x1b: {  	s9 =	sadd.s32 $0xFFFFFEF7, lr;
	s5 =	simm.s32 $0xFFFFFFFF;
	p2 =	slt.u32 s8, $0xFFFFF086  }
0x1c: {  	p1 =	slt.u32 s9, $0xF7A;
	s5 =	simm.s32 @!p2 $0x0  }
0x1d: {  	s5 =	simm.s32 @p1 $0x1;
	p0 =	seq.s32 s7, s2  }
0x1e: {  	s7 =	smul.u32 @!p0 $0xF7A, s2;
	p2 =	seq.s32 @!p0 s5, $0x0  }
0x1f: {  	s9 =	smul.u32 $0xF7A, s1;
	s8 =	simm.s32 @!p0 $0x1BF5;
	p2 =	por !p2, p0  }
0x20: {  	[sflag:s8] =	ssyncset.s32 @!p0 $0xFFFFF086;
	s6 =	sadd.s32 @!p0 s3, s7;
	s7 =	simm.s32 @!p0 $0x108  }
0x21: {  	s3 =	sadd.s32 s3, s9;
	s6 =	sadd.s32 @!p0 $0x88, s6;
	s7 =	simm.s32 @p2 $0x1082  }
0x22: {  	[simem:s7], [sflag:s8] =	dma.local @!p0 [hbm:s6], $0xF7A  }
0x23: {  	s9 =	sor.u32 $0xD0000000, s2;
	s6 =	simm.s32 $0x108;
	_ =	swait.ge @!p0 [sflag:s8], $0x0  }
0x24: {  	s3 =	sadd.s32 $0x88, s3;
	s6 =	simm.s32 @!p1 $0x1082;
	[sflag:s4] =	ssyncset.s32 $0xFFFFF086  }
0x25: {  	[simem:s6], [sflag:s4] =	dma.local [hbm:s3], $0xF7A  }
0x26: {  	[smem:$0x3F99] =	sst s1;
	(tag) =	ssettag s2;
	_ =	strace s9  }
0x27: {  	s1 =	sld [smem:$0x3FA9]  }
0x28: {  	s2 =	sld [smem:$0x3FAA]  }
0x29: {  	s4 =	sld [smem:$0x3FAC]  }
0x2a: {  	p0 =	seq.s32 s5, $0x0;
	s5 =	sld [smem:$0x3FAD]  }
0x2b: {  	s6 =	sld [smem:$0x3FAE]  }
0x2c: {  	s7 =	sld [smem:$0x3FAF]  }
0x2d: {  	s3 =	simm.s32 $0x108;
	s8 =	sld [smem:$0x3FB0]  }
0x2e: {  	s3 =	simm.s32 @!p0 $0x1082;
	s9 =	sld [smem:$0x3FB1]  }
0x2f: {  	lr =	sadd.s32 s0, s3;
	s0 =	sld [smem:$0x3FA8]  }
0x30: {  	s3 =	sld [smem:$0x3FAB]  }
0x31: {  	[smem:$0x3FB4] =	sst s10  }
0x32: {  	s10 =	sld [smem:$0x3FB2];
	_ =	sdelay $0x3  }
0x33: {  	p0 =	seq.s32 s10, $0x1;
	s10 =	sld [smem:$0x3FB4];
	_ =	sdelay $0x3  }
0x34: {  	[smem:$0x3FB4] =	sst s10  }
0x35: {  	s10 =	sld [smem:$0x3FB3];
	_ =	sdelay $0x3  }
0x36: {  	p1 =	seq.s32 s10, $0x1;
	s10 =	sld [smem:$0x3FB4];
	_ =	sdelay $0x3  }
0x37: {  	[smem:$0x3FB4] =	sst s10  }
0x38: {  	s10 =	sld [smem:$0x3FB5]  }
0x39: {  	_ = 	snop;
	(pc) =	sbr.ind lr, $3  }
0x3a: {  	_ = 	snop  }
0x3b: {  	_ = 	snop  }
0x3c: {  	p2 =	seq.s32 s10, $0x1;
	s10 =	sld [smem:$0x3FB4]  }
0x3d: {  	_ =	shalt  }
0x3e: {  	_ =	shalt  }
0x3f: {  	_ =	shalt  }
0x40: {  	_ =	shalt  }
0x41: {  	_ =	shalt  }
0x42: {  	_ =	shalt  }
0x43: {  	_ =	shalt  }
0x44: {  	_ =	shalt  }
0x45: {  	_ =	shalt  }
0x46: {  	_ =	shalt  }
0x47: {  	_ =	shalt  }
0x48: {  	_ =	shalt  }
0x49: {  	_ =	shalt  }
0x4a: {  	_ =	shalt  }
0x4b: {  	_ =	shalt  }
0x4c: {  	_ =	shalt  }
0x4d: {  	_ =	shalt  }
0x4e: {  	_ =	shalt  }
0x4f: {  	_ =	shalt  }
0x50: {  	_ =	shalt  }
0x51: {  	_ =	shalt  }
0x52: {  	_ =	shalt  }
0x53: {  	_ =	shalt  }
0x54: {  	_ =	shalt  }
0x55: {  	_ =	shalt  }
0x56: {  	_ =	shalt  }
0x57: {  	_ =	shalt  }
0x58: {  	_ =	shalt  }
0x59: {  	_ =	shalt  }
0x5a: {  	_ =	shalt  }
0x5b: {  	_ =	shalt  }
0x5c: {  	_ =	shalt  }
0x5d: {  	_ =	shalt  }
0x5e: {  	_ =	shalt  }
0x5f: {  	_ =	shalt  }
0x60: {  	_ =	shalt  }
0x61: {  	_ =	shalt  }
0x62: {  	_ =	shalt  }
0x63: {  	_ =	shalt  }
0x64: {  	_ =	shalt  }
0x65: {  	_ =	shalt  }
0x66: {  	_ =	shalt  }
0x67: {  	_ =	shalt  }
0x68: {  	_ =	shalt  }
0x69: {  	_ =	shalt  }
0x6a: {  	_ =	shalt  }
0x6b: {  	_ =	shalt  }
0x6c: {  	_ =	shalt  }
0x6d: {  	_ =	shalt  }
0x6e: {  	_ =	shalt  }
0x6f: {  	_ =	shalt  }
0x70: {  	_ =	shalt  }
0x71: {  	_ =	shalt  }
0x72: {  	_ =	shalt  }
0x73: {  	_ =	shalt  }
0x74: {  	_ =	shalt  }
0x75: {  	_ =	shalt  }
0x76: {  	_ =	shalt  }
0x77: {  	_ =	shalt  }
0x78: {  	_ =	shalt  }
0x79: {  	_ =	shalt  }
0x7a: {  	_ =	shalt  }
0x7b: {  	_ =	shalt  }
0x7c: {  	_ =	shalt  }
0x7d: {  	_ =	shalt  }
0x7e: {  	_ =	shalt  }
0x7f: {  	_ =	shalt  }
0x80: {  	_ =	shalt  }
0x81: {  	_ =	shalt  }
0x82: {  	_ =	shalt  }
0x83: {  	_ =	shalt  }
0x84: {  	_ =	shalt  }
0x85: {  	_ =	shalt  }
0x86: {  	_ =	shalt  }
0x87: {  	_ =	shalt  }
.Lfunc_end0:
.L_simem_size_0:
called_computation.1_lowered:
.L_overlay_start_0:
0x88: {  	s2 =	sld [smem:$0x3FD9]  }
0x89: {  	s3 =	sld [smem:$0x3FFE];
	_ =	sdelay $0x1  }
0x8a: {  	s1 =	srdreg.scid  }
0x8b: {  	s0 =	sand.u32 $0x1, s1  }
0x8c: {  	s16 =	sshll.u32 s0, $0xA;
	s2 =	sadd.s32 s3, s2  }
0x8d: {  	s2 =	sadd.s32 s2, s16  }
0x8e: {  	[smem:$0x3FC0] =	sst s2  }
0x8f: {  	_ = 	snop  }
0x90: {  	(tm) =	ssettm $0x1  }
0x91: {  	s17 =	sld [smem:$0x3FFB];
	_ =	sdelay $0x3  }
0x92: {  	_ =	strace s17  }
0x93: {  	s2 =	sld [smem:$0x3FFC];
	_ =	sdelay $0x3  }
0x94: {  	_ =	strace s2  }
0x95: {  	s2 =	sld [smem:$0x3FFD];
	_ =	sdelay $0x3  }
0x96: {  	_ =	strace s2  }
0x97: {  	_ =	strace $0x8FFFFFFF  }
0x98: {  	s18 =	sld [smem:$0x3FDB];
	_ =	sdelay $0x1  }
0x99: {  	s19 =	simm.s32 $_scs_section_size  }
0x9a: {  	s4 =	simm.s32 $_size__tile_overlayer_lowered;
	s5 =	simm.s32 $_tile_overlayer_lowered  }
0x9b: {  	s22 =	simm.s32 $0x1BFF;
	s21 =	sshll.u32 s5, $0x1;
	s2 =	sadd.s32 s19, s18  }
0x9c: {  	s6 =	simm.s32 $0x0;
	s20 =	sshll.u32 s4, $0x1;
	s4 =	sadd.s32 s21, s2  }
0x9d: {  	[timem:s6], [sflag:s22] =	dma.local [hbm:s4], s20  }
0x9e: {  	_ =	swait.ge [sflag:s22], s20  }
0x9f: {  	s3 =	ssub.s32 $0x0, s20;
	[sflag:s22] =	ssyncset.done $0x0  }
0xa0: {  	[sflag:s22] =	ssyncadd.s32 s3;
	_ =	sdelay $0x1  }
0xa1: {  	s23 =	simm.s32 $0x1B8B  }
0xa2: {  	_ =	swait.ge [sflag:s23], $0x1  }
0xa3: {  	[sflag:s23] =	ssyncset.done $0x0  }
0xa4: {  	s25 =	simm.s32 $0x1B8E;
	s24 =	sld [smem:$0x3FFE];
	[sflag:s23] =	ssyncadd.s32 $0xFFFFFFFF  }
0xa5: {  	s26 =	simm.s32 $execute0_lowered;
	[smem:$0x3FD2] =	sst s25  }
0xa6: {  	s4 =	sshll.u32 s26, $0x1;
	_ =	strace $0x80000049;
	[dreg:$0x1] =	wrdreg $0xFFFFFFFF  }
0xa7: {  	s28 =	simm.s32 $_size_execute0_lowered;
	s2 =	sadd.s32 s2, s4;
	[dreg:$0x0] =	wrdreg $0x0  }
0xa8: {  	s4 =	sshll.u32 s28, $0x1;
	[dreg:$0x2] =	wrdreg s2  }
0xa9: {  	[dreg:$0x3] =	wrdreg s4  }
0xaa: {  	[dreg:$0x4] =	wrdreg $0xC0  }
0xab: {  	_ =	task [dreg:s6], $0x5FFFF  }
0xac: {  	[dreg:$0x1] =	wrdreg $0xFFFFFFFF  }
0xad: {  	[dreg:$0x0] =	wrdreg $0x60  }
0xae: {  	[dreg:$0x2] =	wrdreg s24  }
0xaf: {  	[dreg:$0x3] =	wrdreg $0x0  }
0xb0: {  	[dreg:$0x4] =	wrdreg $0x9  }
0xb1: {  	_ =	task.clear_ibuf [dreg:s6], $0x5FFFF;
	_ =	strace $0x90000049  }
0xb2: {  	s29 =	simm.s32 $0x9;
	_ =	strace $0x8000004B  }
0xb3: {  	_ =	swait.ge [sflag:s29], $0x1  }
0xb4: {  	[sflag:s29] =	ssyncadd.s32 $0xFFFFFFFF  }
0xb5: {  	_ =	strace $0x9000004B  }
0xb6: {  	_ =	sfence  }
0xb7: {  	s30 =	sld [smem:$0x0];
	_ =	sdelay $0x2  }
0xb8: {  	s31 =	sshll.u32 s1, $0xD;
	s1 =	sshrl.u32 s1, $0x2  }
0xb9: {  	s3 =	sand.u32 $0x4000, s31;
	s1 =	sadd.s32 s1, s30  }
0xba: {  	s0 =	sor.u32 s3, s0;
	s1 =	sshll.u32 s1, $0x11  }
0xbb: {  	s0 =	sor.u32 s1, s0  }
0xbc: {  	s0 =	sadd.s32 $0x8F2B, s0  }
0xbd: {  	[sflag:s0] =	ssyncadd.remote.s32 $0x1  }
0xbe: {  	_ =	sfence.sel $0xFFFF  }
0xbf: {  	[dreg:$0x0] =	wrdreg $0xFFFFFFFF;
	(pc) =	sbr.abs _section_cstart, $3  }
0xc0: {  	[dreg:$0x1] =	wrdreg $0xFFFFFFFF  }
0xc1: {  	_ =	task.clear_ibuf [dreg:s6], $0x2FFFF;
	_ =	strace $0x9FFFFFFF  }
0xc2: {  	(tm) =	ssettm $0x7FFFFFFF  }
0xc3: {  	_ =	shalt  }
tec
execute0_lowered:
.L_overlay_start_1:
0x0: {  	(tag) =	ssettag $0x1  }
0x1: {  	s0 =	rddreg [dreg:$0x0];
	s1 =	srdreg.scid  }
0x2: {  	s11 =	stileid.u32;
	s2 =	rddreg [dreg:$0x1]  }
0x3: {  	s3 =	simm.s32 $0x0;
	s28 =	simm.s32 $0x80;
	s29 =	simm.s32 $0x14200  }
0x4: {  	s30 =	simm.s32 $0x2;
	s31 =	simm.s32 $0x18200;
	s1 =	sand.u32 $0x1, s1  }
0x5: {  	s6 =	smul.u32 $0x14000, s11;
	[smem:$0x7FF] =	sst s3;
	s19 =	sshll.u32 s11, $0x5  }
0x6: {  	s21 =	sshll.u32 s11, $0x6;
	s25 =	sshll.u32 s11, $0x8;
	p0 =	sgt.u32 s11, $0x1  }
0x7: {  	s4 =	smul.u32 $0x140000, s1;
	_ =	strace $0x8000004A;
	s8 =	ssub.s32 $0x2, s1  }
0x8: {  	s20 =	sshll.u32 s1, $0x4;
	s1 =	sshll.u32 s1, $0x7;
	s18 =	sshrl.u32 s8, $0x1  }
0x9: {  	s10 =	sadd.s32 s6, s2;
	s1 =	sor.u32 s1, s25;
	s25 =	simm.s32 $0x14180  }
0xa: {  	s5 =	sadd.s32 s6, s4;
	s4 =	sadd.s32 $0x15A00, s0;
	s9 =	ssub.s32 s8, s18  }
0xb: {  	s6 =	sshrl.u32 s6, $0x3;
	s8 =	sor.u32 $0x1C05, s21;
	s16 =	sor.u32 $0x2000, s1  }
0xc: {  	s26 =	sadd.s32 $0x50200, s1;
	s21 =	simm.s32 $0x5;
	s7 =	sshrl.u32 s5, $0x3  }
0xd: {  	s5 =	sadd.s32 $0x2000, s0;
	s6 =	sadd.s32 s4, s6;
	s15 =	smax.u32 s9, $0x1  }
0xe: {  	s0 =	sadd.s32 s7, s0;
	s7 =	sor.u32 s20, s19;
	[dreg:$0x3] =	wrdreg s6  }
0xf: {  	s6 =	sadd.s32 $0x51200, s1;
	s1 =	sor.u32 $0x3000, s1;
	s20 =	sshrl.u32 s10, $0x3  }
0x10: {  	s7 =	sadd.s32 s5, s7;
	s14 =	sadd.s32 $0x3DA00, s0;
	s0 =	sshrl.u32 s26, $0x3  }
0x11: {  	s6 =	sshrl.u32 s6, $0x3;
	s1 =	sshrl.u32 s1, $0x3;
	s26 =	simm.s32 $0x1  }
0x12: {  	s22 =	sadd.s32 $0x9C40, s7;
	s23 =	sadd.s32 $0x200, s7;
	s24 =	sadd.s32 $0x9E40, s7  }
0x13: {  	s12 =	sadd.s32 $0x9C00, s7;
	s13 =	sadd.s32 $0x13840, s7;
	[dreg:$0x4] =	wrdreg s22  }
0x14: {  	s17 =	sadd.s32 s0, s5;
	s18 =	sadd.s32 s6, s5;
	[dreg:$0x5] =	wrdreg s23  }
0x15: {  	s19 =	sadd.s32 s1, s5;
	s1 =	simm.s32 $0x3;
	[dreg:$0x6] =	wrdreg s24  }
0x16: {  	s0 =	simm.s32 $0x4;
	s6 =	simm.s32 $0x0;
	[dreg:$0x7] =	wrdreg s12  }
0x17: {  	s22 =	simm.s32 $0x14000;
	s23 =	simm.s32 $0x14080;
	s24 =	simm.s32 $0x14100  }
.LBB2_1:
0x18: {  	s9 =	rddreg [dreg:$0x3]  }
0x19: {  	[spmem:s20], [sflag:s8] =	dma.local [hbm:s9], $0x2800  }
0x1a: {  	_ =	swait.ge [sflag:s21], $0x2800  }
0x1b: {  	[sflag:s21] =	ssyncset.done $0x0  }
0x1c: {  	[sflag:s21] =	ssyncadd.s32 $0xFFFFD800  }
0x1d: {  	[bflag:$0x0] =	sbarrier.arrive $0xFFFF  }
0x1e: {  	[tilespmem:s22], [sflag:$0x1] =	stream.linear.gather [hbm4b:s7+s3], $0x80, $0x38;
	[tilespmem:$0x1C200] =	vst v63  }
0x1f: {  	s10 =	rddreg [dreg:$0x4]  }
0x20: {  	[tilespmem:s23], [sflag:$0x1] =	stream.linear.gather [hbm4b:s10+s3], $0x80, $0x38;
	[tilespmem:$0x1C200] =	vst v63  }
0x21: {  	s11 =	rddreg [dreg:$0x5]  }
0x22: {  	[tilespmem:s24], [sflag:$0x2] =	stream.linear.gather [hbm4b:s11+s3], $0x80, $0x38;
	[tilespmem:$0x1C200] =	vst v63  }
0x23: {  	s12 =	rddreg [dreg:$0x6]  }
0x24: {  	[tilespmem:s25], [sflag:$0x2] =	stream.linear.gather [hbm4b:s12+s3], $0x80, $0x38;
	[tilespmem:$0x1C200] =	vst v63  }
0x25: {  	_ =	swait.ge [sflag:s26], $0x80  }
0x26: {  	[sflag:s26] =	ssyncset.done $0x0  }
0x27: {  	[sflag:s26] =	ssyncadd.s32 $0xFFFFFF80  }
0x28: {  	_ =	swait.ge [sflag:s26], $0x80  }
0x29: {  	[sflag:s26] =	ssyncset.done $0x0  }
0x2a: {  	[sflag:s26] =	ssyncadd.s32 $0xFFFFFF80  }
0x2b: {  	[tilespmem:s29], [sflag:$0x3] =	stream.indirect.gather [hbm4b:s4+s28], $0x80, s22, s28, $0xb8;
	[tilespmem:$0x1C200] =	vst v63  }
0x2c: {  	_ =	swait.ge [sflag:s30], $0x80  }
0x2d: {  	[sflag:s30] =	ssyncset.done $0x0  }
0x2e: {  	[sflag:s30] =	ssyncadd.s32 $0xFFFFFF80  }
0x2f: {  	_ =	swait.ge [sflag:s30], $0x80  }
0x30: {  	[sflag:s30] =	ssyncset.done $0x0  }
0x31: {  	[sflag:s30] =	ssyncadd.s32 $0xFFFFFF80  }
0x32: {  	[tilespmem:s31], [sflag:$0x4] =	stream.indirect.gather [hbm4b:s4+s28], $0x80, s24, s28, $0xb8;
	[tilespmem:$0x1C200] =	vst v63  }
0x33: {  	_ =	swait.ge [sflag:s1], $0x4000  }
0x34: {  	[sflag:s1] =	ssyncset.done $0x0  }
0x35: {  	[sflag:s1] =	ssyncadd.s32 $0xFFFFC000  }
0x36: {  	[spmem:s2] =	stream.indirect.scatter.add.f32 [tilespmem:s29], [sflag:$0x5], $0x80, s23, s28, $0xb8;
	[tilespmem:$0x1C200] =	vst v63  }
0x37: {  	_ =	swait.ge [sflag:s21], $0x4000  }
0x38: {  	s10 =	sshrl.u32 s16, $0x3;
	[sflag:s21] =	ssyncset.done $0x0  }
0x39: {  	s9 =	sadd.s32 s5, s10;
	[sflag:s21] =	ssyncadd.s32 $0xFFFFC000  }
0x3a: {  	[tilespmem:s22], [sflag:$0x1] =	stream.linear.gather [hbm4b:s9+s3], $0x80, $0x38;
	[tilespmem:$0x1C200] =	vst v63  }
0x3b: {  	s11 =	sadd.s32 $0x0, s17  }
0x3c: {  	[tilespmem:s23], [sflag:$0x1] =	stream.linear.gather [hbm4b:s11+s3], $0x80, $0x38;
	[tilespmem:$0x1C200] =	vst v63  }
0x3d: {  	_ =	swait.ge [sflag:s0], $0x4000  }
0x3e: {  	[sflag:s0] =	ssyncset.done $0x0  }
0x3f: {  	[sflag:s0] =	ssyncadd.s32 $0xFFFFC000  }
0x40: {  	[spmem:s2] =	stream.indirect.scatter.add.f32 [tilespmem:s31], [sflag:$0x5], $0x80, s25, s28, $0xb8;
	[tilespmem:$0x1C200] =	vst v63  }
0x41: {  	_ =	swait.ge [sflag:s21], $0x4000  }
0x42: {  	s10 =	sadd.s32 $0x2000, s16;
	s12 =	sadd.s32 $0x0, s19;
	[sflag:s21] =	ssyncset.done $0x0  }
0x43: {  	s9 =	simm.s32 $0x400;
	s11 =	sadd.s32 $0x0, s18;
	[sflag:s21] =	ssyncadd.s32 $0xFFFFC000  }
0x44: {  	[tilespmem:s24], [sflag:$0x2] =	stream.linear.gather [hbm4b:s12+s3], $0x80, $0x38;
	[tilespmem:$0x1C200] =	vst v63  }
.LBB2_2:
0x45: {  	[tilespmem:s25], [sflag:$0x2] =	stream.linear.gather [hbm4b:s11+s3], $0x80, $0x38;
	[tilespmem:$0x1C200] =	vst v63  }
0x46: {  	s11 =	smov.u32 s9  }
0x47: {  	p1 =	sne.s32 s9, $0x9400;
	s9 =	sadd.s32 $0x400, s9;
	_ =	swait.ge [sflag:s26], $0x80  }
0x48: {  	[sflag:s26] =	ssyncset.done $0x0  }
0x49: {  	[sflag:s26] =	ssyncadd.s32 $0xFFFFFF80  }
0x4a: {  	_ =	swait.ge [sflag:s26], $0x80  }
0x4b: {  	[sflag:s26] =	ssyncset.done $0x0  }
0x4c: {  	[sflag:s26] =	ssyncadd.s32 $0xFFFFFF80  }
0x4d: {  	[tilespmem:s29], [sflag:$0x3] =	stream.indirect.gather [hbm4b:s4+s28], $0x80, s22, s28, $0xb8;
	[tilespmem:$0x1C200] =	vst v63  }
0x4e: {  	_ =	swait.ge [sflag:s30], $0x80  }
0x4f: {  	[sflag:s30] =	ssyncset.done $0x0  }
0x50: {  	[sflag:s30] =	ssyncadd.s32 $0xFFFFFF80  }
0x51: {  	_ =	swait.ge [sflag:s30], $0x80  }
0x52: {  	[sflag:s30] =	ssyncset.done $0x0  }
0x53: {  	[sflag:s30] =	ssyncadd.s32 $0xFFFFFF80  }
0x54: {  	[tilespmem:s31], [sflag:$0x4] =	stream.indirect.gather [hbm4b:s4+s28], $0x80, s24, s28, $0xb8;
	[tilespmem:$0x1C200] =	vst v63  }
0x55: {  	_ =	swait.ge [sflag:s1], $0x4000  }
0x56: {  	[sflag:s1] =	ssyncset.done $0x0  }
0x57: {  	[sflag:s1] =	ssyncadd.s32 $0xFFFFC000  }
0x58: {  	[spmem:s2] =	stream.indirect.scatter.add.f32 [tilespmem:s29], [sflag:$0x5], $0x80, s23, s28, $0xb8;
	[tilespmem:$0x1C200] =	vst v63  }
0x59: {  	_ =	swait.ge [sflag:s21], $0x4000  }
0x5a: {  	s12 =	sshrl.u32 s10, $0x3;
	[sflag:s21] =	ssyncset.done $0x0  }
0x5b: {  	s12 =	sadd.s32 s5, s12;
	[sflag:s21] =	ssyncadd.s32 $0xFFFFC000  }
0x5c: {  	[tilespmem:s22], [sflag:$0x1] =	stream.linear.gather [hbm4b:s12+s3], $0x80, $0x38;
	[tilespmem:$0x1C200] =	vst v63  }
0x5d: {  	s12 =	sadd.s32 s11, s17  }
0x5e: {  	[tilespmem:s23], [sflag:$0x1] =	stream.linear.gather [hbm4b:s12+s3], $0x80, $0x38;
	[tilespmem:$0x1C200] =	vst v63  }
0x5f: {  	_ =	swait.ge [sflag:s0], $0x4000  }
0x60: {  	[sflag:s0] =	ssyncset.done $0x0  }
0x61: {  	[sflag:s0] =	ssyncadd.s32 $0xFFFFC000  }
0x62: {  	[spmem:s2] =	stream.indirect.scatter.add.f32 [tilespmem:s31], [sflag:$0x5], $0x80, s25, s28, $0xb8;
	[tilespmem:$0x1C200] =	vst v63  }
.Ltmp0:
0x63: {  	_ =	swait.ge [sflag:s21], $0x4000;
	(pc) =	sbr.rel @p1 .LBB2_2-.Ltmp0, $4  }
0x64: {  	[sflag:s21] =	ssyncset.done $0x0  }
0x65: {  	s12 =	sadd.s32 s11, s19;
	[sflag:s21] =	ssyncadd.s32 $0xFFFFC000  }
0x66: {  	[tilespmem:s24], [sflag:$0x2] =	stream.linear.gather [hbm4b:s12+s3], $0x80, $0x38;
	[tilespmem:$0x1C200] =	vst v63  }
0x67: {  	s10 =	sadd.s32 $0x2000, s10;
	s11 =	sadd.s32 s11, s18  }
0x68: {  	[tilespmem:s25], [sflag:$0x2] =	stream.linear.gather [hbm4b:s11+s3], $0x80, $0x38;
	[tilespmem:$0x1C200] =	vst v63  }
0x69: {  	_ =	swait.ge [sflag:s26], $0x80  }
0x6a: {  	[sflag:s26] =	ssyncset.done $0x0  }
0x6b: {  	[sflag:s26] =	ssyncadd.s32 $0xFFFFFF80  }
0x6c: {  	_ =	swait.ge [sflag:s26], $0x80  }
0x6d: {  	[sflag:s26] =	ssyncset.done $0x0  }
0x6e: {  	[sflag:s26] =	ssyncadd.s32 $0xFFFFFF80  }
0x6f: {  	[tilespmem:s29], [sflag:$0x3] =	stream.indirect.gather [hbm4b:s4+s28], $0x80, s22, s28, $0xb8;
	[tilespmem:$0x1C200] =	vst v63  }
0x70: {  	_ =	swait.ge [sflag:s30], $0x80  }
0x71: {  	[sflag:s30] =	ssyncset.done $0x0  }
0x72: {  	[sflag:s30] =	ssyncadd.s32 $0xFFFFFF80  }
0x73: {  	_ =	swait.ge [sflag:s30], $0x80  }
0x74: {  	[sflag:s30] =	ssyncset.done $0x0  }
0x75: {  	[sflag:s30] =	ssyncadd.s32 $0xFFFFFF80  }
0x76: {  	[tilespmem:s31], [sflag:$0x4] =	stream.indirect.gather [hbm4b:s4+s28], $0x80, s24, s28, $0xb8;
	[tilespmem:$0x1C200] =	vst v63  }
0x77: {  	_ =	swait.ge [sflag:s1], $0x4000  }
0x78: {  	[sflag:s1] =	ssyncset.done $0x0  }
0x79: {  	[sflag:s1] =	ssyncadd.s32 $0xFFFFC000  }
0x7a: {  	[spmem:s2] =	stream.indirect.scatter.add.f32 [tilespmem:s29], [sflag:$0x5], $0x80, s23, s28, $0xb8;
	[tilespmem:$0x1C200] =	vst v63  }
0x7b: {  	_ =	swait.ge [sflag:s21], $0x4000  }
0x7c: {  	[sflag:s21] =	ssyncset.done $0x0  }
0x7d: {  	[sflag:s21] =	ssyncadd.s32 $0xFFFFC000  }
0x7e: {  	_ =	swait.ge [sflag:s0], $0x4000  }
0x7f: {  	[sflag:s0] =	ssyncset.done $0x0  }
0x80: {  	[sflag:s0] =	ssyncadd.s32 $0xFFFFC000  }
0x81: {  	[spmem:s2] =	stream.indirect.scatter.add.f32 [tilespmem:s31], [sflag:$0x5], $0x80, s25, s28, $0xb8;
	[tilespmem:$0x1C200] =	vst v63  }
0x82: {  	_ =	swait.ge [sflag:s21], $0x4000  }
0x83: {  	s9 =	simm.s32 @!p0 $0x0;
	[sflag:s21] =	ssyncset.done $0x0  }
0x84: {  	s10 =	simm.s32 @!p0 $0x14000;
	s11 =	rddreg [dreg:$0x7];
	[sflag:s21] =	ssyncadd.s32 $0xFFFFC000  }
0x85: {  	[tilespmem:s10], [sflag:$0x1] =	stream.linear.gather @!p0 [hbm4b:s11+s9], $0x80, $0x38;
	[tilespmem:$0x1C200] =	vst v63  }
0x86: {  	s11 =	simm.s32 @!p0 $0x14080  }
0x87: {  	[tilespmem:s11], [sflag:$0x1] =	stream.linear.gather @!p0 [hbm4b:s13+s9], $0x80, $0x38;
	[tilespmem:$0x1C200] =	vst v63  }
0x88: {  	s9 =	simm.s32 @!p0 $0x1  }
0x89: {  	_ =	swait.ge @!p0 [sflag:s9], $0x80  }
0x8a: {  	[sflag:s9] =	ssyncset.done @!p0 $0x0  }
0x8b: {  	[sflag:s9] =	ssyncadd.s32 @!p0 $0xFFFFFF80  }
0x8c: {  	_ =	swait.ge @!p0 [sflag:s9], $0x80  }
0x8d: {  	[sflag:s9] =	ssyncset.done @!p0 $0x0  }
0x8e: {  	s12 =	simm.s32 @!p0 $0x14200;
	[sflag:s9] =	ssyncadd.s32 @!p0 $0xFFFFFF80;
	s9 =	simm.s32 @!p0 $0x80  }
0x8f: {  	[tilespmem:s12], [sflag:$0x3] =	stream.indirect.gather @!p0 [hbm4b:s4+s9], $0x80, s10, s9, $0xb8;
	[tilespmem:$0x1C200] =	vst v63  }
0x90: {  	s10 =	simm.s32 @!p0 $0x3  }
0x91: {  	_ =	swait.ge @!p0 [sflag:s10], $0x4000  }
0x92: {  	[sflag:s10] =	ssyncset.done @!p0 $0x0  }
0x93: {  	[sflag:s10] =	ssyncadd.s32 @!p0 $0xFFFFC000  }
0x94: {  	[spmem:s2] =	stream.indirect.scatter.add.f32 @!p0 [tilespmem:s12], [sflag:$0x5], $0x80, s11, s9, $0xb8;
	[tilespmem:$0x1C200] =	vst v63  }
0x95: {  	s9 =	simm.s32 @!p0 $0x5  }
0x96: {  	_ =	swait.ge @!p0 [sflag:s9], $0x4000  }
0x97: {  	s6 =	sadd.s32 $0x1, s6;
	[sflag:s9] =	ssyncset.done @!p0 $0x0  }
0x98: {  	p1 =	sne.s32 s6, s15;
	[sflag:s9] =	ssyncadd.s32 @!p0 $0xFFFFC000  }
.Ltmp1:
0x99: {  	[bflag:$0x0] =	sbarrier.arrive $0xFFFF;
	(pc) =	sbr.rel @p1 .LBB2_1-.Ltmp1, $4  }
0x9a: {  	[hbm:s14], [sflag:s8] =	dma.local [spmem:s20], $0x2800  }
0x9b: {  	_ =	swait.ge [sflag:s21], $0x2800  }
0x9c: {  	[sflag:s21] =	ssyncset.done $0x0  }
0x9d: {  	[sflag:s21] =	ssyncadd.s32 $0xFFFFD800  }
0x9e: {  	_ =	sfence.sel $0x180000  }
0x9f: {  	[bflag:$0x0] =	sbarrier.arrive $0xFFFF  }
0xa0: {  	_ =	strace $0x9000004A  }
0xa1: {  	s0 =	stileid.u32;
	[bflag:$0x2] =	sbarrier.arrive $0xFFFF  }
0xa2: {  	p0 =	sne.s32 s0, $0x0;
	s0 =	rddreg [dreg:$0x2]  }
0xa3: {  	s0 =	sadd.s32 @!p0 $0x100000, s0  }
0xa4: {  	[sflag:s0] =	ssyncadd.tile.s32 @!p0 $0x1;
	_ =	shalt  }
.Lfunc_end2:
_tile_overlayer_lowered:
.L_overlay_start_2:
0xa5: {  	(tag) =	ssettag $0x2  }
0xa6: {  	s0 =	rddreg [dreg:$0x0];
	s2 =	stileid.u32  }
0xa7: {  	s1 =	rddreg [dreg:$0x1];
	p0 =	sne.s32 s2, $0x0  }
0xa8: {  	s3 =	rddreg [dreg:$0x2];
	[bflag:$0x3] =	sbarrier.arrive $0xFFFF;
	s2 =	simm.s32 @!p0 $0x1C05  }
0xa9: {  	[timem:s3], [sflag:s2] =	dma.local @!p0 [hbm:s0], s1  }
0xaa: {  	s0 =	simm.s32 @!p0 $0x5  }
0xab: {  	_ =	swait.ge @!p0 [sflag:s0], s1  }
0xac: {  	s1 =	ssub.s32 @!p0 $0x0, s1;
	[sflag:s0] =	ssyncset.done @!p0 $0x0  }
0xad: {  	[sflag:s0] =	ssyncadd.s32 @!p0 s1  }
0xae: {  	[bflag:$0x3] =	sbarrier.arrive $0xFFFF  }
0xaf: {  	_ =	shalt  }

// kernel: kernel.15.cloned.1.call-start
scs
__scs_entry_jumppad:
0x0: {  	(pc) =	sbr.rel $0x88, $3  }
0x1: {  	(tag) =	ssettag $0x0;
	lr =	simm.s32 $0x1  }
0x2: {  	[smem:$0x3F99] =	sst lr;
	_ =	strace $0xD0000000  }
0x3: {  	_ = 	snop  }
0x4: {  	_ = 	snop  }
0x5: {  	_ = 	snop  }
0x6: {  	_ = 	snop  }
0x7: {  	_ = 	snop  }
__scs_overlays_trampoline_lowered:
0x8: {  	[smem:$0x3FA8] =	sst s0  }
0x9: {  	[smem:$0x3FA9] =	sst s1  }
0xa: {  	[smem:$0x3FAA] =	sst s2  }
0xb: {  	[smem:$0x3FAB] =	sst s3  }
0xc: {  	[smem:$0x3FAC] =	sst s4  }
0xd: {  	[smem:$0x3FAD] =	sst s5  }
0xe: {  	[smem:$0x3FAE] =	sst s6  }
0xf: {  	[smem:$0x3FAF] =	sst s7  }
0x10: {  	[smem:$0x3FB0] =	sst s8  }
0x11: {  	[smem:$0x3FB1] =	sst s9;
	s0 =	simm.s32 @!p0 $0x0  }
0x12: {  	s1 =	sld [smem:$0x3F97];
	s0 =	simm.s32 @p0 $0x1  }
0x13: {  	[smem:$0x3FB2] =	sst s0;
	s0 =	simm.s32 @!p1 $0x0  }
0x14: {  	s2 =	sld [smem:$0x3F96];
	s0 =	simm.s32 @p1 $0x1  }
0x15: {  	[smem:$0x3FB3] =	sst s0;
	s0 =	simm.s32 @!p2 $0x0  }
0x16: {  	s3 =	sld [smem:$0x3FDB];
	s0 =	simm.s32 @p2 $0x1  }
0x17: {  	s4 =	simm.s32 $0x1BF5;
	[smem:$0x3FB5] =	sst s0  }
0x18: {  	s0 =	sld [smem:$0x3F98];
	_ =	swait.ge [sflag:s4], $0x0  }
0x19: {  	s7 =	sld [smem:$0x3F99]  }
0x1a: {  	s8 =	sadd.s32 $0xFFFFE003, lr  }
0x1b: {  	s9 =	sadd.s32 $0xFFFFFEF7, lr;
	s5 =	simm.s32 $0xFFFFFFFF;
	p2 =	slt.u32 s8, $0xFFFFF086  }
0x1c: {  	p1 =	slt.u32 s9, $0xF7A;
	s5 =	simm.s32 @!p2 $0x0  }
0x1d: {  	s5 =	simm.s32 @p1 $0x1;
	p0 =	seq.s32 s7, s2  }
0x1e: {  	s7 =	smul.u32 @!p0 $0xF7A, s2;
	p2 =	seq.s32 @!p0 s5, $0x0  }
0x1f: {  	s9 =	smul.u32 $0xF7A, s1;
	s8 =	simm.s32 @!p0 $0x1BF5;
	p2 =	por !p2, p0  }
0x20: {  	[sflag:s8] =	ssyncset.s32 @!p0 $0xFFFFF086;
	s6 =	sadd.s32 @!p0 s3, s7;
	s7 =	simm.s32 @!p0 $0x108  }
0x21: {  	s3 =	sadd.s32 s3, s9;
	s6 =	sadd.s32 @!p0 $0x88, s6;
	s7 =	simm.s32 @p2 $0x1082  }
0x22: {  	[simem:s7], [sflag:s8] =	dma.local @!p0 [hbm:s6], $0xF7A  }
0x23: {  	s9 =	sor.u32 $0xD0000000, s2;
	s6 =	simm.s32 $0x108;
	_ =	swait.ge @!p0 [sflag:s8], $0x0  }
0x24: {  	s3 =	sadd.s32 $0x88, s3;
	s6 =	simm.s32 @!p1 $0x1082;
	[sflag:s4] =	ssyncset.s32 $0xFFFFF086  }
0x25: {  	[simem:s6], [sflag:s4] =	dma.local [hbm:s3], $0xF7A  }
0x26: {  	[smem:$0x3F99] =	sst s1;
	(tag) =	ssettag s2;
	_ =	strace s9  }
0x27: {  	s1 =	sld [smem:$0x3FA9]  }
0x28: {  	s2 =	sld [smem:$0x3FAA]  }
0x29: {  	s4 =	sld [smem:$0x3FAC]  }
0x2a: {  	p0 =	seq.s32 s5, $0x0;
	s5 =	sld [smem:$0x3FAD]  }
0x2b: {  	s6 =	sld [smem:$0x3FAE]  }
0x2c: {  	s7 =	sld [smem:$0x3FAF]  }
0x2d: {  	s3 =	simm.s32 $0x108;
	s8 =	sld [smem:$0x3FB0]  }
0x2e: {  	s3 =	simm.s32 @!p0 $0x1082;
	s9 =	sld [smem:$0x3FB1]  }
0x2f: {  	lr =	sadd.s32 s0, s3;
	s0 =	sld [smem:$0x3FA8]  }
0x30: {  	s3 =	sld [smem:$0x3FAB]  }
0x31: {  	[smem:$0x3FB4] =	sst s10  }
0x32: {  	s10 =	sld [smem:$0x3FB2];
	_ =	sdelay $0x3  }
0x33: {  	p0 =	seq.s32 s10, $0x1;
	s10 =	sld [smem:$0x3FB4];
	_ =	sdelay $0x3  }
0x34: {  	[smem:$0x3FB4] =	sst s10  }
0x35: {  	s10 =	sld [smem:$0x3FB3];
	_ =	sdelay $0x3  }
0x36: {  	p1 =	seq.s32 s10, $0x1;
	s10 =	sld [smem:$0x3FB4];
	_ =	sdelay $0x3  }
0x37: {  	[smem:$0x3FB4] =	sst s10  }
0x38: {  	s10 =	sld [smem:$0x3FB5]  }
0x39: {  	_ = 	snop;
	(pc) =	sbr.ind lr, $3  }
0x3a: {  	_ = 	snop  }
0x3b: {  	_ = 	snop  }
0x3c: {  	p2 =	seq.s32 s10, $0x1;
	s10 =	sld [smem:$0x3FB4]  }
0x3d: {  	_ =	shalt  }
0x3e: {  	_ =	shalt  }
0x3f: {  	_ =	shalt  }
0x40: {  	_ =	shalt  }
0x41: {  	_ =	shalt  }
0x42: {  	_ =	shalt  }
0x43: {  	_ =	shalt  }
0x44: {  	_ =	shalt  }
0x45: {  	_ =	shalt  }
0x46: {  	_ =	shalt  }
0x47: {  	_ =	shalt  }
0x48: {  	_ =	shalt  }
0x49: {  	_ =	shalt  }
0x4a: {  	_ =	shalt  }
0x4b: {  	_ =	shalt  }
0x4c: {  	_ =	shalt  }
0x4d: {  	_ =	shalt  }
0x4e: {  	_ =	shalt  }
0x4f: {  	_ =	shalt  }
0x50: {  	_ =	shalt  }
0x51: {  	_ =	shalt  }
0x52: {  	_ =	shalt  }
0x53: {  	_ =	shalt  }
0x54: {  	_ =	shalt  }
0x55: {  	_ =	shalt  }
0x56: {  	_ =	shalt  }
0x57: {  	_ =	shalt  }
0x58: {  	_ =	shalt  }
0x59: {  	_ =	shalt  }
0x5a: {  	_ =	shalt  }
0x5b: {  	_ =	shalt  }
0x5c: {  	_ =	shalt  }
0x5d: {  	_ =	shalt  }
0x5e: {  	_ =	shalt  }
0x5f: {  	_ =	shalt  }
0x60: {  	_ =	shalt  }
0x61: {  	_ =	shalt  }
0x62: {  	_ =	shalt  }
0x63: {  	_ =	shalt  }
0x64: {  	_ =	shalt  }
0x65: {  	_ =	shalt  }
0x66: {  	_ =	shalt  }
0x67: {  	_ =	shalt  }
0x68: {  	_ =	shalt  }
0x69: {  	_ =	shalt  }
0x6a: {  	_ =	shalt  }
0x6b: {  	_ =	shalt  }
0x6c: {  	_ =	shalt  }
0x6d: {  	_ =	shalt  }
0x6e: {  	_ =	shalt  }
0x6f: {  	_ =	shalt  }
0x70: {  	_ =	shalt  }
0x71: {  	_ =	shalt  }
0x72: {  	_ =	shalt  }
0x73: {  	_ =	shalt  }
0x74: {  	_ =	shalt  }
0x75: {  	_ =	shalt  }
0x76: {  	_ =	shalt  }
0x77: {  	_ =	shalt  }
0x78: {  	_ =	shalt  }
0x79: {  	_ =	shalt  }
0x7a: {  	_ =	shalt  }
0x7b: {  	_ =	shalt  }
0x7c: {  	_ =	shalt  }
0x7d: {  	_ =	shalt  }
0x7e: {  	_ =	shalt  }
0x7f: {  	_ =	shalt  }
0x80: {  	_ =	shalt  }
0x81: {  	_ =	shalt  }
0x82: {  	_ =	shalt  }
0x83: {  	_ =	shalt  }
0x84: {  	_ =	shalt  }
0x85: {  	_ =	shalt  }
0x86: {  	_ =	shalt  }
0x87: {  	_ =	shalt  }
.Lfunc_end0:
.L_simem_size_0:
called_computation.2_lowered:
.L_overlay_start_0:
0x88: {  	s2 =	sld [smem:$0x3FD9]  }
0x89: {  	s3 =	sld [smem:$0x3FFE];
	_ =	sdelay $0x1  }
0x8a: {  	s1 =	srdreg.scid  }
0x8b: {  	s0 =	sand.u32 $0x1, s1  }
0x8c: {  	s16 =	sshll.u32 s0, $0xA;
	s2 =	sadd.s32 s3, s2  }
0x8d: {  	s2 =	sadd.s32 s2, s16  }
0x8e: {  	[smem:$0x3FC0] =	sst s2  }
0x8f: {  	_ = 	snop  }
0x90: {  	(tm) =	ssettm $0x1  }
0x91: {  	s17 =	sld [smem:$0x3FFB];
	_ =	sdelay $0x3  }
0x92: {  	_ =	strace s17  }
0x93: {  	s2 =	sld [smem:$0x3FFC];
	_ =	sdelay $0x3  }
0x94: {  	_ =	strace s2  }
0x95: {  	s2 =	sld [smem:$0x3FFD];
	_ =	sdelay $0x3  }
0x96: {  	_ =	strace s2  }
0x97: {  	_ =	strace $0x8FFFFFFF  }
0x98: {  	s18 =	sld [smem:$0x3FDB];
	_ =	sdelay $0x1  }
0x99: {  	s19 =	simm.s32 $_scs_section_size  }
0x9a: {  	s4 =	simm.s32 $_size__tile_overlayer_lowered;
	s5 =	simm.s32 $_tile_overlayer_lowered  }
0x9b: {  	s22 =	simm.s32 $0x1BFF;
	s21 =	sshll.u32 s5, $0x1;
	s2 =	sadd.s32 s19, s18  }
0x9c: {  	s6 =	simm.s32 $0x0;
	s20 =	sshll.u32 s4, $0x1;
	s4 =	sadd.s32 s21, s2  }
0x9d: {  	[timem:s6], [sflag:s22] =	dma.local [hbm:s4], s20  }
0x9e: {  	_ =	swait.ge [sflag:s22], s20  }
0x9f: {  	s3 =	ssub.s32 $0x0, s20;
	[sflag:s22] =	ssyncset.done $0x0  }
0xa0: {  	[sflag:s22] =	ssyncadd.s32 s3;
	_ =	sdelay $0x1  }
0xa1: {  	s23 =	simm.s32 $0x1B8B  }
0xa2: {  	_ =	swait.ge [sflag:s23], $0x1  }
0xa3: {  	[sflag:s23] =	ssyncset.done $0x0  }
0xa4: {  	s25 =	simm.s32 $0x1B8E;
	s24 =	sld [smem:$0x3FFE];
	[sflag:s23] =	ssyncadd.s32 $0xFFFFFFFF  }
0xa5: {  	s26 =	simm.s32 $execute0_lowered;
	[smem:$0x3FD2] =	sst s25  }
0xa6: {  	s4 =	sshll.u32 s26, $0x1;
	_ =	strace $0x8000004C;
	[dreg:$0x1] =	wrdreg $0xFFFFFFFF  }
0xa7: {  	s28 =	simm.s32 $_size_execute0_lowered;
	s2 =	sadd.s32 s2, s4;
	[dreg:$0x0] =	wrdreg $0x0  }
0xa8: {  	s4 =	sshll.u32 s28, $0x1;
	[dreg:$0x2] =	wrdreg s2  }
0xa9: {  	[dreg:$0x3] =	wrdreg s4  }
0xaa: {  	[dreg:$0x4] =	wrdreg $0xC0  }
0xab: {  	_ =	task [dreg:s6], $0x5FFFF  }
0xac: {  	[dreg:$0x1] =	wrdreg $0xFFFFFFFF  }
0xad: {  	[dreg:$0x0] =	wrdreg $0x60  }
0xae: {  	[dreg:$0x2] =	wrdreg s24  }
0xaf: {  	[dreg:$0x3] =	wrdreg $0x0  }
0xb0: {  	[dreg:$0x4] =	wrdreg $0x9  }
0xb1: {  	_ =	task.clear_ibuf [dreg:s6], $0x5FFFF;
	_ =	strace $0x9000004C  }
0xb2: {  	s29 =	simm.s32 $0x9;
	_ =	strace $0x8000004E  }
0xb3: {  	_ =	swait.ge [sflag:s29], $0x1  }
0xb4: {  	[sflag:s29] =	ssyncadd.s32 $0xFFFFFFFF  }
0xb5: {  	_ =	strace $0x9000004E  }
0xb6: {  	_ =	sfence  }
0xb7: {  	s30 =	sld [smem:$0x0];
	_ =	sdelay $0x2  }
0xb8: {  	s31 =	sshll.u32 s1, $0xD;
	s1 =	sshrl.u32 s1, $0x2  }
0xb9: {  	s3 =	sand.u32 $0x4000, s31;
	s1 =	sadd.s32 s1, s30  }
0xba: {  	s0 =	sor.u32 s3, s0;
	s1 =	sshll.u32 s1, $0x11  }
0xbb: {  	s0 =	sor.u32 s1, s0  }
0xbc: {  	s0 =	sadd.s32 $0x8F2B, s0  }
0xbd: {  	[sflag:s0] =	ssyncadd.remote.s32 $0x1  }
0xbe: {  	_ =	sfence.sel $0xFFFF  }
0xbf: {  	[dreg:$0x0] =	wrdreg $0xFFFFFFFF;
	(pc) =	sbr.abs _section_cstart, $3  }
0xc0: {  	[dreg:$0x1] =	wrdreg $0xFFFFFFFF  }
0xc1: {  	_ =	task.clear_ibuf [dreg:s6], $0x2FFFF;
	_ =	strace $0x9FFFFFFF  }
0xc2: {  	(tm) =	ssettm $0x7FFFFFFF  }
0xc3: {  	_ =	shalt  }
tec
execute0_lowered:
.L_overlay_start_1:
0x0: {  	(tag) =	ssettag $0x1  }
0x1: {  	s0 =	rddreg [dreg:$0x0];
	s1 =	srdreg.scid  }
0x2: {  	s11 =	stileid.u32;
	s2 =	rddreg [dreg:$0x1]  }
0x3: {  	s3 =	simm.s32 $0x0;
	s28 =	simm.s32 $0x80;
	s29 =	simm.s32 $0x7A00  }
0x4: {  	s30 =	simm.s32 $0x2;
	s31 =	simm.s32 $0x9200;
	s1 =	sand.u32 $0x1, s1  }
0x5: {  	s6 =	smul.u32 $0x7800, s11;
	[smem:$0x7FF] =	sst s3;
	s19 =	sshll.u32 s11, $0x5  }
0x6: {  	s21 =	sshll.u32 s11, $0x6;
	s25 =	sshll.u32 s11, $0x8;
	p0 =	sgt.u32 s11, $0x1  }
0x7: {  	s4 =	smul.u32 $0x78000, s1;
	_ =	strace $0x8000004D;
	s8 =	ssub.s32 $0x2, s1  }
0x8: {  	s20 =	sshll.u32 s1, $0x4;
	s1 =	sshll.u32 s1, $0x7;
	s18 =	sshrl.u32 s8, $0x1  }
0x9: {  	s10 =	sadd.s32 s6, s2;
	s1 =	sor.u32 s1, s25;
	s25 =	simm.s32 $0x7980  }
0xa: {  	s5 =	sadd.s32 s6, s4;
	s4 =	sadd.s32 $0x15A00, s0;
	s9 =	ssub.s32 s8, s18  }
0xb: {  	s6 =	sshrl.u32 s6, $0x3;
	s8 =	sor.u32 $0x1C05, s21;
	s16 =	sor.u32 $0x2000, s1  }
0xc: {  	s26 =	sadd.s32 $0x50200, s1;
	s21 =	simm.s32 $0x5;
	s7 =	sshrl.u32 s5, $0x3  }
0xd: {  	s5 =	sadd.s32 $0x2000, s0;
	s6 =	sadd.s32 s4, s6;
	s15 =	smax.u32 s9, $0x1  }
0xe: {  	s0 =	sadd.s32 s7, s0;
	s7 =	sor.u32 s20, s19;
	[dreg:$0x3] =	wrdreg s6  }
0xf: {  	s6 =	sadd.s32 $0x51200, s1;
	s1 =	sor.u32 $0x3000, s1;
	s20 =	sshrl.u32 s10, $0x3  }
0x10: {  	s7 =	sadd.s32 s5, s7;
	s14 =	sadd.s32 $0x24A00, s0;
	s0 =	sshrl.u32 s26, $0x3  }
0x11: {  	s6 =	sshrl.u32 s6, $0x3;
	s1 =	sshrl.u32 s1, $0x3;
	s26 =	simm.s32 $0x1  }
0x12: {  	s22 =	sadd.s32 $0x9C40, s7;
	s23 =	sadd.s32 $0x200, s7;
	s24 =	sadd.s32 $0x9E40, s7  }
0x13: {  	s12 =	sadd.s32 $0x9C00, s7;
	s13 =	sadd.s32 $0x13840, s7;
	[dreg:$0x4] =	wrdreg s22  }
0x14: {  	s17 =	sadd.s32 s0, s5;
	s18 =	sadd.s32 s6, s5;
	[dreg:$0x5] =	wrdreg s23  }
0x15: {  	s19 =	sadd.s32 s1, s5;
	s1 =	simm.s32 $0x3;
	[dreg:$0x6] =	wrdreg s24  }
0x16: {  	s0 =	simm.s32 $0x4;
	s6 =	simm.s32 $0x0;
	[dreg:$0x7] =	wrdreg s12  }
0x17: {  	s22 =	simm.s32 $0x7800;
	s23 =	simm.s32 $0x7880;
	s24 =	simm.s32 $0x7900  }
.LBB2_1:
0x18: {  	s9 =	rddreg [dreg:$0x3]  }
0x19: {  	[spmem:s20], [sflag:s8] =	dma.local [hbm:s9], $0xF00  }
0x1a: {  	_ =	swait.ge [sflag:s21], $0xF00  }
0x1b: {  	[sflag:s21] =	ssyncset.done $0x0  }
0x1c: {  	[sflag:s21] =	ssyncadd.s32 $0xFFFFF100  }
0x1d: {  	[bflag:$0x0] =	sbarrier.arrive $0xFFFF  }
0x1e: {  	[tilespmem:s22], [sflag:$0x1] =	stream.linear.gather [hbm4b:s7+s3], $0x80, $0x38;
	[tilespmem:$0xAA00] =	vst v63  }
0x1f: {  	s10 =	rddreg [dreg:$0x4]  }
0x20: {  	[tilespmem:s23], [sflag:$0x1] =	stream.linear.gather [hbm4b:s10+s3], $0x80, $0x38;
	[tilespmem:$0xAA00] =	vst v63  }
0x21: {  	s11 =	rddreg [dreg:$0x5]  }
0x22: {  	[tilespmem:s24], [sflag:$0x2] =	stream.linear.gather [hbm4b:s11+s3], $0x80, $0x38;
	[tilespmem:$0xAA00] =	vst v63  }
0x23: {  	s12 =	rddreg [dreg:$0x6]  }
0x24: {  	[tilespmem:s25], [sflag:$0x2] =	stream.linear.gather [hbm4b:s12+s3], $0x80, $0x38;
	[tilespmem:$0xAA00] =	vst v63  }
0x25: {  	_ =	swait.ge [sflag:s26], $0x80  }
0x26: {  	[sflag:s26] =	ssyncset.done $0x0  }
0x27: {  	[sflag:s26] =	ssyncadd.s32 $0xFFFFFF80  }
0x28: {  	_ =	swait.ge [sflag:s26], $0x80  }
0x29: {  	[sflag:s26] =	ssyncset.done $0x0  }
0x2a: {  	[sflag:s26] =	ssyncadd.s32 $0xFFFFFF80  }
0x2b: {  	[tilespmem:s29], [sflag:$0x3] =	stream.indirect.gather [hbm4b:s4+s28], $0x30, s22, s28, $0xb8;
	[tilespmem:$0xAA00] =	vst v63  }
0x2c: {  	_ =	swait.ge [sflag:s30], $0x80  }
0x2d: {  	[sflag:s30] =	ssyncset.done $0x0  }
0x2e: {  	[sflag:s30] =	ssyncadd.s32 $0xFFFFFF80  }
0x2f: {  	_ =	swait.ge [sflag:s30], $0x80  }
0x30: {  	[sflag:s30] =	ssyncset.done $0x0  }
0x31: {  	[sflag:s30] =	ssyncadd.s32 $0xFFFFFF80  }
0x32: {  	[tilespmem:s31], [sflag:$0x4] =	stream.indirect.gather [hbm4b:s4+s28], $0x30, s24, s28, $0xb8;
	[tilespmem:$0xAA00] =	vst v63  }
0x33: {  	_ =	swait.ge [sflag:s1], $0x1800  }
0x34: {  	[sflag:s1] =	ssyncset.done $0x0  }
0x35: {  	[sflag:s1] =	ssyncadd.s32 $0xFFFFE800  }
0x36: {  	[spmem:s2] =	stream.indirect.scatter.add.f32 [tilespmem:s29], [sflag:$0x5], $0x30, s23, s28, $0xb8;
	[tilespmem:$0xAA00] =	vst v63  }
0x37: {  	_ =	swait.ge [sflag:s21], $0x1800  }
0x38: {  	s10 =	sshrl.u32 s16, $0x3;
	[sflag:s21] =	ssyncset.done $0x0  }
0x39: {  	s9 =	sadd.s32 s5, s10;
	[sflag:s21] =	ssyncadd.s32 $0xFFFFE800  }
0x3a: {  	[tilespmem:s22], [sflag:$0x1] =	stream.linear.gather [hbm4b:s9+s3], $0x80, $0x38;
	[tilespmem:$0xAA00] =	vst v63  }
0x3b: {  	s11 =	sadd.s32 $0x0, s17  }
0x3c: {  	[tilespmem:s23], [sflag:$0x1] =	stream.linear.gather [hbm4b:s11+s3], $0x80, $0x38;
	[tilespmem:$0xAA00] =	vst v63  }
0x3d: {  	_ =	swait.ge [sflag:s0], $0x1800  }
0x3e: {  	[sflag:s0] =	ssyncset.done $0x0  }
0x3f: {  	[sflag:s0] =	ssyncadd.s32 $0xFFFFE800  }
0x40: {  	[spmem:s2] =	stream.indirect.scatter.add.f32 [tilespmem:s31], [sflag:$0x5], $0x30, s25, s28, $0xb8;
	[tilespmem:$0xAA00] =	vst v63  }
0x41: {  	_ =	swait.ge [sflag:s21], $0x1800  }
0x42: {  	s10 =	sadd.s32 $0x2000, s16;
	s12 =	sadd.s32 $0x0, s19;
	[sflag:s21] =	ssyncset.done $0x0  }
0x43: {  	s9 =	simm.s32 $0x400;
	s11 =	sadd.s32 $0x0, s18;
	[sflag:s21] =	ssyncadd.s32 $0xFFFFE800  }
0x44: {  	[tilespmem:s24], [sflag:$0x2] =	stream.linear.gather [hbm4b:s12+s3], $0x80, $0x38;
	[tilespmem:$0xAA00] =	vst v63  }
.LBB2_2:
0x45: {  	[tilespmem:s25], [sflag:$0x2] =	stream.linear.gather [hbm4b:s11+s3], $0x80, $0x38;
	[tilespmem:$0xAA00] =	vst v63  }
0x46: {  	s11 =	smov.u32 s9  }
0x47: {  	p1 =	sne.s32 s9, $0x9400;
	s9 =	sadd.s32 $0x400, s9;
	_ =	swait.ge [sflag:s26], $0x80  }
0x48: {  	[sflag:s26] =	ssyncset.done $0x0  }
0x49: {  	[sflag:s26] =	ssyncadd.s32 $0xFFFFFF80  }
0x4a: {  	_ =	swait.ge [sflag:s26], $0x80  }
0x4b: {  	[sflag:s26] =	ssyncset.done $0x0  }
0x4c: {  	[sflag:s26] =	ssyncadd.s32 $0xFFFFFF80  }
0x4d: {  	[tilespmem:s29], [sflag:$0x3] =	stream.indirect.gather [hbm4b:s4+s28], $0x30, s22, s28, $0xb8;
	[tilespmem:$0xAA00] =	vst v63  }
0x4e: {  	_ =	swait.ge [sflag:s30], $0x80  }
0x4f: {  	[sflag:s30] =	ssyncset.done $0x0  }
0x50: {  	[sflag:s30] =	ssyncadd.s32 $0xFFFFFF80  }
0x51: {  	_ =	swait.ge [sflag:s30], $0x80  }
0x52: {  	[sflag:s30] =	ssyncset.done $0x0  }
0x53: {  	[sflag:s30] =	ssyncadd.s32 $0xFFFFFF80  }
0x54: {  	[tilespmem:s31], [sflag:$0x4] =	stream.indirect.gather [hbm4b:s4+s28], $0x30, s24, s28, $0xb8;
	[tilespmem:$0xAA00] =	vst v63  }
0x55: {  	_ =	swait.ge [sflag:s1], $0x1800  }
0x56: {  	[sflag:s1] =	ssyncset.done $0x0  }
0x57: {  	[sflag:s1] =	ssyncadd.s32 $0xFFFFE800  }
0x58: {  	[spmem:s2] =	stream.indirect.scatter.add.f32 [tilespmem:s29], [sflag:$0x5], $0x30, s23, s28, $0xb8;
	[tilespmem:$0xAA00] =	vst v63  }
0x59: {  	_ =	swait.ge [sflag:s21], $0x1800  }
0x5a: {  	s12 =	sshrl.u32 s10, $0x3;
	[sflag:s21] =	ssyncset.done $0x0  }
0x5b: {  	s12 =	sadd.s32 s5, s12;
	[sflag:s21] =	ssyncadd.s32 $0xFFFFE800  }
0x5c: {  	[tilespmem:s22], [sflag:$0x1] =	stream.linear.gather [hbm4b:s12+s3], $0x80, $0x38;
	[tilespmem:$0xAA00] =	vst v63  }
0x5d: {  	s12 =	sadd.s32 s11, s17  }
0x5e: {  	[tilespmem:s23], [sflag:$0x1] =	stream.linear.gather [hbm4b:s12+s3], $0x80, $0x38;
	[tilespmem:$0xAA00] =	vst v63  }
0x5f: {  	_ =	swait.ge [sflag:s0], $0x1800  }
0x60: {  	[sflag:s0] =	ssyncset.done $0x0  }
0x61: {  	[sflag:s0] =	ssyncadd.s32 $0xFFFFE800  }
0x62: {  	[spmem:s2] =	stream.indirect.scatter.add.f32 [tilespmem:s31], [sflag:$0x5], $0x30, s25, s28, $0xb8;
	[tilespmem:$0xAA00] =	vst v63  }
.Ltmp0:
0x63: {  	_ =	swait.ge [sflag:s21], $0x1800;
	(pc) =	sbr.rel @p1 .LBB2_2-.Ltmp0, $4  }
0x64: {  	[sflag:s21] =	ssyncset.done $0x0  }
0x65: {  	s12 =	sadd.s32 s11, s19;
	[sflag:s21] =	ssyncadd.s32 $0xFFFFE800  }
0x66: {  	[tilespmem:s24], [sflag:$0x2] =	stream.linear.gather [hbm4b:s12+s3], $0x80, $0x38;
	[tilespmem:$0xAA00] =	vst v63  }
0x67: {  	s10 =	sadd.s32 $0x2000, s10;
	s11 =	sadd.s32 s11, s18  }
0x68: {  	[tilespmem:s25], [sflag:$0x2] =	stream.linear.gather [hbm4b:s11+s3], $0x80, $0x38;
	[tilespmem:$0xAA00] =	vst v63  }
0x69: {  	_ =	swait.ge [sflag:s26], $0x80  }
0x6a: {  	[sflag:s26] =	ssyncset.done $0x0  }
0x6b: {  	[sflag:s26] =	ssyncadd.s32 $0xFFFFFF80  }
0x6c: {  	_ =	swait.ge [sflag:s26], $0x80  }
0x6d: {  	[sflag:s26] =	ssyncset.done $0x0  }
0x6e: {  	[sflag:s26] =	ssyncadd.s32 $0xFFFFFF80  }
0x6f: {  	[tilespmem:s29], [sflag:$0x3] =	stream.indirect.gather [hbm4b:s4+s28], $0x30, s22, s28, $0xb8;
	[tilespmem:$0xAA00] =	vst v63  }
0x70: {  	_ =	swait.ge [sflag:s30], $0x80  }
0x71: {  	[sflag:s30] =	ssyncset.done $0x0  }
0x72: {  	[sflag:s30] =	ssyncadd.s32 $0xFFFFFF80  }
0x73: {  	_ =	swait.ge [sflag:s30], $0x80  }
0x74: {  	[sflag:s30] =	ssyncset.done $0x0  }
0x75: {  	[sflag:s30] =	ssyncadd.s32 $0xFFFFFF80  }
0x76: {  	[tilespmem:s31], [sflag:$0x4] =	stream.indirect.gather [hbm4b:s4+s28], $0x30, s24, s28, $0xb8;
	[tilespmem:$0xAA00] =	vst v63  }
0x77: {  	_ =	swait.ge [sflag:s1], $0x1800  }
0x78: {  	[sflag:s1] =	ssyncset.done $0x0  }
0x79: {  	[sflag:s1] =	ssyncadd.s32 $0xFFFFE800  }
0x7a: {  	[spmem:s2] =	stream.indirect.scatter.add.f32 [tilespmem:s29], [sflag:$0x5], $0x30, s23, s28, $0xb8;
	[tilespmem:$0xAA00] =	vst v63  }
0x7b: {  	_ =	swait.ge [sflag:s21], $0x1800  }
0x7c: {  	[sflag:s21] =	ssyncset.done $0x0  }
0x7d: {  	[sflag:s21] =	ssyncadd.s32 $0xFFFFE800  }
0x7e: {  	_ =	swait.ge [sflag:s0], $0x1800  }
0x7f: {  	[sflag:s0] =	ssyncset.done $0x0  }
0x80: {  	[sflag:s0] =	ssyncadd.s32 $0xFFFFE800  }
0x81: {  	[spmem:s2] =	stream.indirect.scatter.add.f32 [tilespmem:s31], [sflag:$0x5], $0x30, s25, s28, $0xb8;
	[tilespmem:$0xAA00] =	vst v63  }
0x82: {  	_ =	swait.ge [sflag:s21], $0x1800  }
0x83: {  	s9 =	simm.s32 @!p0 $0x0;
	[sflag:s21] =	ssyncset.done $0x0  }
0x84: {  	s10 =	simm.s32 @!p0 $0x7800;
	s11 =	rddreg [dreg:$0x7];
	[sflag:s21] =	ssyncadd.s32 $0xFFFFE800  }
0x85: {  	[tilespmem:s10], [sflag:$0x1] =	stream.linear.gather @!p0 [hbm4b:s11+s9], $0x80, $0x38;
	[tilespmem:$0xAA00] =	vst v63  }
0x86: {  	s11 =	simm.s32 @!p0 $0x7880  }
0x87: {  	[tilespmem:s11], [sflag:$0x1] =	stream.linear.gather @!p0 [hbm4b:s13+s9], $0x80, $0x38;
	[tilespmem:$0xAA00] =	vst v63  }
0x88: {  	s9 =	simm.s32 @!p0 $0x1  }
0x89: {  	_ =	swait.ge @!p0 [sflag:s9], $0x80  }
0x8a: {  	[sflag:s9] =	ssyncset.done @!p0 $0x0  }
0x8b: {  	[sflag:s9] =	ssyncadd.s32 @!p0 $0xFFFFFF80  }
0x8c: {  	_ =	swait.ge @!p0 [sflag:s9], $0x80  }
0x8d: {  	[sflag:s9] =	ssyncset.done @!p0 $0x0  }
0x8e: {  	s12 =	simm.s32 @!p0 $0x7A00;
	[sflag:s9] =	ssyncadd.s32 @!p0 $0xFFFFFF80;
	s9 =	simm.s32 @!p0 $0x80  }
0x8f: {  	[tilespmem:s12], [sflag:$0x3] =	stream.indirect.gather @!p0 [hbm4b:s4+s9], $0x30, s10, s9, $0xb8;
	[tilespmem:$0xAA00] =	vst v63  }
0x90: {  	s10 =	simm.s32 @!p0 $0x3  }
0x91: {  	_ =	swait.ge @!p0 [sflag:s10], $0x1800  }
0x92: {  	[sflag:s10] =	ssyncset.done @!p0 $0x0  }
0x93: {  	[sflag:s10] =	ssyncadd.s32 @!p0 $0xFFFFE800  }
0x94: {  	[spmem:s2] =	stream.indirect.scatter.add.f32 @!p0 [tilespmem:s12], [sflag:$0x5], $0x30, s11, s9, $0xb8;
	[tilespmem:$0xAA00] =	vst v63  }
0x95: {  	s9 =	simm.s32 @!p0 $0x5  }
0x96: {  	_ =	swait.ge @!p0 [sflag:s9], $0x1800  }
0x97: {  	s6 =	sadd.s32 $0x1, s6;
	[sflag:s9] =	ssyncset.done @!p0 $0x0  }
0x98: {  	p1 =	sne.s32 s6, s15;
	[sflag:s9] =	ssyncadd.s32 @!p0 $0xFFFFE800  }
.Ltmp1:
0x99: {  	[bflag:$0x0] =	sbarrier.arrive $0xFFFF;
	(pc) =	sbr.rel @p1 .LBB2_1-.Ltmp1, $4  }
0x9a: {  	[hbm:s14], [sflag:s8] =	dma.local [spmem:s20], $0xF00  }
0x9b: {  	_ =	swait.ge [sflag:s21], $0xF00  }
0x9c: {  	[sflag:s21] =	ssyncset.done $0x0  }
0x9d: {  	[sflag:s21] =	ssyncadd.s32 $0xFFFFF100  }
0x9e: {  	_ =	sfence.sel $0x180000  }
0x9f: {  	[bflag:$0x0] =	sbarrier.arrive $0xFFFF  }
0xa0: {  	_ =	strace $0x9000004D  }
0xa1: {  	s0 =	stileid.u32;
	[bflag:$0x2] =	sbarrier.arrive $0xFFFF  }
0xa2: {  	p0 =	sne.s32 s0, $0x0;
	s0 =	rddreg [dreg:$0x2]  }
0xa3: {  	s0 =	sadd.s32 @!p0 $0x100000, s0  }
0xa4: {  	[sflag:s0] =	ssyncadd.tile.s32 @!p0 $0x1;
	_ =	shalt  }
.Lfunc_end2:
_tile_overlayer_lowered:
.L_overlay_start_2:
0xa5: {  	(tag) =	ssettag $0x2  }
0xa6: {  	s0 =	rddreg [dreg:$0x0];
	s2 =	stileid.u32  }
0xa7: {  	s1 =	rddreg [dreg:$0x1];
	p0 =	sne.s32 s2, $0x0  }
0xa8: {  	s3 =	rddreg [dreg:$0x2];
	[bflag:$0x3] =	sbarrier.arrive $0xFFFF;
	s2 =	simm.s32 @!p0 $0x1C05  }
0xa9: {  	[timem:s3], [sflag:s2] =	dma.local @!p0 [hbm:s0], s1  }
0xaa: {  	s0 =	simm.s32 @!p0 $0x5  }
0xab: {  	_ =	swait.ge @!p0 [sflag:s0], s1  }
0xac: {  	s1 =	ssub.s32 @!p0 $0x0, s1;
	[sflag:s0] =	ssyncset.done @!p0 $0x0  }
0xad: {  	[sflag:s0] =	ssyncadd.s32 @!p0 s1  }
0xae: {  	[bflag:$0x3] =	sbarrier.arrive $0xFFFF  }
0xaf: {  	_ =	shalt  }

// kernel: kernel.9.cloned.1.call-start
scs
__scs_entry_jumppad:
0x0: {  	(pc) =	sbr.rel $0x88, $3  }
0x1: {  	(tag) =	ssettag $0x0;
	lr =	simm.s32 $0x1  }
0x2: {  	[smem:$0x3F99] =	sst lr;
	_ =	strace $0xD0000000  }
0x3: {  	_ = 	snop  }
0x4: {  	_ = 	snop  }
0x5: {  	_ = 	snop  }
0x6: {  	_ = 	snop  }
0x7: {  	_ = 	snop  }
__scs_overlays_trampoline_lowered:
0x8: {  	[smem:$0x3FA8] =	sst s0  }
0x9: {  	[smem:$0x3FA9] =	sst s1  }
0xa: {  	[smem:$0x3FAA] =	sst s2  }
0xb: {  	[smem:$0x3FAB] =	sst s3  }
0xc: {  	[smem:$0x3FAC] =	sst s4  }
0xd: {  	[smem:$0x3FAD] =	sst s5  }
0xe: {  	[smem:$0x3FAE] =	sst s6  }
0xf: {  	[smem:$0x3FAF] =	sst s7  }
0x10: {  	[smem:$0x3FB0] =	sst s8  }
0x11: {  	[smem:$0x3FB1] =	sst s9;
	s0 =	simm.s32 @!p0 $0x0  }
0x12: {  	s1 =	sld [smem:$0x3F97];
	s0 =	simm.s32 @p0 $0x1  }
0x13: {  	[smem:$0x3FB2] =	sst s0;
	s0 =	simm.s32 @!p1 $0x0  }
0x14: {  	s2 =	sld [smem:$0x3F96];
	s0 =	simm.s32 @p1 $0x1  }
0x15: {  	[smem:$0x3FB3] =	sst s0;
	s0 =	simm.s32 @!p2 $0x0  }
0x16: {  	s3 =	sld [smem:$0x3FDB];
	s0 =	simm.s32 @p2 $0x1  }
0x17: {  	s4 =	simm.s32 $0x1BF5;
	[smem:$0x3FB5] =	sst s0  }
0x18: {  	s0 =	sld [smem:$0x3F98];
	_ =	swait.ge [sflag:s4], $0x0  }
0x19: {  	s7 =	sld [smem:$0x3F99]  }
0x1a: {  	s8 =	sadd.s32 $0xFFFFE003, lr  }
0x1b: {  	s9 =	sadd.s32 $0xFFFFFEF7, lr;
	s5 =	simm.s32 $0xFFFFFFFF;
	p2 =	slt.u32 s8, $0xFFFFF086  }
0x1c: {  	p1 =	slt.u32 s9, $0xF7A;
	s5 =	simm.s32 @!p2 $0x0  }
0x1d: {  	s5 =	simm.s32 @p1 $0x1;
	p0 =	seq.s32 s7, s2  }
0x1e: {  	s7 =	smul.u32 @!p0 $0xF7A, s2;
	p2 =	seq.s32 @!p0 s5, $0x0  }
0x1f: {  	s9 =	smul.u32 $0xF7A, s1;
	s8 =	simm.s32 @!p0 $0x1BF5;
	p2 =	por !p2, p0  }
0x20: {  	[sflag:s8] =	ssyncset.s32 @!p0 $0xFFFFF086;
	s6 =	sadd.s32 @!p0 s3, s7;
	s7 =	simm.s32 @!p0 $0x108  }
0x21: {  	s3 =	sadd.s32 s3, s9;
	s6 =	sadd.s32 @!p0 $0x88, s6;
	s7 =	simm.s32 @p2 $0x1082  }
0x22: {  	[simem:s7], [sflag:s8] =	dma.local @!p0 [hbm:s6], $0xF7A  }
0x23: {  	s9 =	sor.u32 $0xD0000000, s2;
	s6 =	simm.s32 $0x108;
	_ =	swait.ge @!p0 [sflag:s8], $0x0  }
0x24: {  	s3 =	sadd.s32 $0x88, s3;
	s6 =	simm.s32 @!p1 $0x1082;
	[sflag:s4] =	ssyncset.s32 $0xFFFFF086  }
0x25: {  	[simem:s6], [sflag:s4] =	dma.local [hbm:s3], $0xF7A  }
0x26: {  	[smem:$0x3F99] =	sst s1;
	(tag) =	ssettag s2;
	_ =	strace s9  }
0x27: {  	s1 =	sld [smem:$0x3FA9]  }
0x28: {  	s2 =	sld [smem:$0x3FAA]  }
0x29: {  	s4 =	sld [smem:$0x3FAC]  }
0x2a: {  	p0 =	seq.s32 s5, $0x0;
	s5 =	sld [smem:$0x3FAD]  }
0x2b: {  	s6 =	sld [smem:$0x3FAE]  }
0x2c: {  	s7 =	sld [smem:$0x3FAF]  }
0x2d: {  	s3 =	simm.s32 $0x108;
	s8 =	sld [smem:$0x3FB0]  }
0x2e: {  	s3 =	simm.s32 @!p0 $0x1082;
	s9 =	sld [smem:$0x3FB1]  }
0x2f: {  	lr =	sadd.s32 s0, s3;
	s0 =	sld [smem:$0x3FA8]  }
0x30: {  	s3 =	sld [smem:$0x3FAB]  }
0x31: {  	[smem:$0x3FB4] =	sst s10  }
0x32: {  	s10 =	sld [smem:$0x3FB2];
	_ =	sdelay $0x3  }
0x33: {  	p0 =	seq.s32 s10, $0x1;
	s10 =	sld [smem:$0x3FB4];
	_ =	sdelay $0x3  }
0x34: {  	[smem:$0x3FB4] =	sst s10  }
0x35: {  	s10 =	sld [smem:$0x3FB3];
	_ =	sdelay $0x3  }
0x36: {  	p1 =	seq.s32 s10, $0x1;
	s10 =	sld [smem:$0x3FB4];
	_ =	sdelay $0x3  }
0x37: {  	[smem:$0x3FB4] =	sst s10  }
0x38: {  	s10 =	sld [smem:$0x3FB5]  }
0x39: {  	_ = 	snop;
	(pc) =	sbr.ind lr, $3  }
0x3a: {  	_ = 	snop  }
0x3b: {  	_ = 	snop  }
0x3c: {  	p2 =	seq.s32 s10, $0x1;
	s10 =	sld [smem:$0x3FB4]  }
0x3d: {  	_ =	shalt  }
0x3e: {  	_ =	shalt  }
0x3f: {  	_ =	shalt  }
0x40: {  	_ =	shalt  }
0x41: {  	_ =	shalt  }
0x42: {  	_ =	shalt  }
0x43: {  	_ =	shalt  }
0x44: {  	_ =	shalt  }
0x45: {  	_ =	shalt  }
0x46: {  	_ =	shalt  }
0x47: {  	_ =	shalt  }
0x48: {  	_ =	shalt  }
0x49: {  	_ =	shalt  }
0x4a: {  	_ =	shalt  }
0x4b: {  	_ =	shalt  }
0x4c: {  	_ =	shalt  }
0x4d: {  	_ =	shalt  }
0x4e: {  	_ =	shalt  }
0x4f: {  	_ =	shalt  }
0x50: {  	_ =	shalt  }
0x51: {  	_ =	shalt  }
0x52: {  	_ =	shalt  }
0x53: {  	_ =	shalt  }
0x54: {  	_ =	shalt  }
0x55: {  	_ =	shalt  }
0x56: {  	_ =	shalt  }
0x57: {  	_ =	shalt  }
0x58: {  	_ =	shalt  }
0x59: {  	_ =	shalt  }
0x5a: {  	_ =	shalt  }
0x5b: {  	_ =	shalt  }
0x5c: {  	_ =	shalt  }
0x5d: {  	_ =	shalt  }
0x5e: {  	_ =	shalt  }
0x5f: {  	_ =	shalt  }
0x60: {  	_ =	shalt  }
0x61: {  	_ =	shalt  }
0x62: {  	_ =	shalt  }
0x63: {  	_ =	shalt  }
0x64: {  	_ =	shalt  }
0x65: {  	_ =	shalt  }
0x66: {  	_ =	shalt  }
0x67: {  	_ =	shalt  }
0x68: {  	_ =	shalt  }
0x69: {  	_ =	shalt  }
0x6a: {  	_ =	shalt  }
0x6b: {  	_ =	shalt  }
0x6c: {  	_ =	shalt  }
0x6d: {  	_ =	shalt  }
0x6e: {  	_ =	shalt  }
0x6f: {  	_ =	shalt  }
0x70: {  	_ =	shalt  }
0x71: {  	_ =	shalt  }
0x72: {  	_ =	shalt  }
0x73: {  	_ =	shalt  }
0x74: {  	_ =	shalt  }
0x75: {  	_ =	shalt  }
0x76: {  	_ =	shalt  }
0x77: {  	_ =	shalt  }
0x78: {  	_ =	shalt  }
0x79: {  	_ =	shalt  }
0x7a: {  	_ =	shalt  }
0x7b: {  	_ =	shalt  }
0x7c: {  	_ =	shalt  }
0x7d: {  	_ =	shalt  }
0x7e: {  	_ =	shalt  }
0x7f: {  	_ =	shalt  }
0x80: {  	_ =	shalt  }
0x81: {  	_ =	shalt  }
0x82: {  	_ =	shalt  }
0x83: {  	_ =	shalt  }
0x84: {  	_ =	shalt  }
0x85: {  	_ =	shalt  }
0x86: {  	_ =	shalt  }
0x87: {  	_ =	shalt  }
.Lfunc_end0:
.L_simem_size_0:
called_computation_lowered:
.L_overlay_start_0:
0x88: {  	s2 =	sld [smem:$0x3FD9]  }
0x89: {  	s3 =	sld [smem:$0x3FFE];
	_ =	sdelay $0x1  }
0x8a: {  	s1 =	srdreg.scid  }
0x8b: {  	s0 =	sand.u32 $0x1, s1  }
0x8c: {  	s16 =	sshll.u32 s0, $0xA;
	s2 =	sadd.s32 s3, s2  }
0x8d: {  	s2 =	sadd.s32 s2, s16  }
0x8e: {  	[smem:$0x3FC0] =	sst s2  }
0x8f: {  	_ = 	snop  }
0x90: {  	(tm) =	ssettm $0x1  }
0x91: {  	s17 =	sld [smem:$0x3FFB];
	_ =	sdelay $0x3  }
0x92: {  	_ =	strace s17  }
0x93: {  	s2 =	sld [smem:$0x3FFC];
	_ =	sdelay $0x3  }
0x94: {  	_ =	strace s2  }
0x95: {  	s2 =	sld [smem:$0x3FFD];
	_ =	sdelay $0x3  }
0x96: {  	_ =	strace s2  }
0x97: {  	_ =	strace $0x8FFFFFFF  }
0x98: {  	s18 =	sld [smem:$0x3FDB];
	_ =	sdelay $0x1  }
0x99: {  	s19 =	simm.s32 $_scs_section_size  }
0x9a: {  	s4 =	simm.s32 $_size__tile_overlayer_lowered;
	s5 =	simm.s32 $_tile_overlayer_lowered  }
0x9b: {  	s22 =	simm.s32 $0x1BFF;
	s21 =	sshll.u32 s5, $0x1;
	s2 =	sadd.s32 s19, s18  }
0x9c: {  	s6 =	simm.s32 $0x0;
	s20 =	sshll.u32 s4, $0x1;
	s4 =	sadd.s32 s21, s2  }
0x9d: {  	[timem:s6], [sflag:s22] =	dma.local [hbm:s4], s20  }
0x9e: {  	_ =	swait.ge [sflag:s22], s20  }
0x9f: {  	s3 =	ssub.s32 $0x0, s20;
	[sflag:s22] =	ssyncset.done $0x0  }
0xa0: {  	[sflag:s22] =	ssyncadd.s32 s3;
	_ =	sdelay $0x1  }
0xa1: {  	s23 =	simm.s32 $0x1B8B  }
0xa2: {  	_ =	swait.ge [sflag:s23], $0x1  }
0xa3: {  	[sflag:s23] =	ssyncset.done $0x0  }
0xa4: {  	s25 =	simm.s32 $0x1B8E;
	s24 =	sld [smem:$0x3FFE];
	[sflag:s23] =	ssyncadd.s32 $0xFFFFFFFF  }
0xa5: {  	s26 =	simm.s32 $execute0_lowered;
	[smem:$0x3FD2] =	sst s25  }
0xa6: {  	s4 =	sshll.u32 s26, $0x1;
	_ =	strace $0x80000046;
	[dreg:$0x1] =	wrdreg $0xFFFFFFFF  }
0xa7: {  	s28 =	simm.s32 $_size_execute0_lowered;
	s2 =	sadd.s32 s2, s4;
	[dreg:$0x0] =	wrdreg $0x0  }
0xa8: {  	s4 =	sshll.u32 s28, $0x1;
	[dreg:$0x2] =	wrdreg s2  }
0xa9: {  	[dreg:$0x3] =	wrdreg s4  }
0xaa: {  	[dreg:$0x4] =	wrdreg $0xC0  }
0xab: {  	_ =	task [dreg:s6], $0x5FFFF  }
0xac: {  	[dreg:$0x1] =	wrdreg $0xFFFFFFFF  }
0xad: {  	[dreg:$0x0] =	wrdreg $0x60  }
0xae: {  	[dreg:$0x2] =	wrdreg s24  }
0xaf: {  	[dreg:$0x3] =	wrdreg $0x0  }
0xb0: {  	[dreg:$0x4] =	wrdreg $0x9  }
0xb1: {  	_ =	task.clear_ibuf [dreg:s6], $0x5FFFF;
	_ =	strace $0x90000046  }
0xb2: {  	s29 =	simm.s32 $0x9;
	_ =	strace $0x80000048  }
0xb3: {  	_ =	swait.ge [sflag:s29], $0x1  }
0xb4: {  	[sflag:s29] =	ssyncadd.s32 $0xFFFFFFFF  }
0xb5: {  	_ =	strace $0x90000048  }
0xb6: {  	_ =	sfence  }
0xb7: {  	s30 =	sld [smem:$0x0];
	_ =	sdelay $0x2  }
0xb8: {  	s31 =	sshll.u32 s1, $0xD;
	s1 =	sshrl.u32 s1, $0x2  }
0xb9: {  	s3 =	sand.u32 $0x4000, s31;
	s1 =	sadd.s32 s1, s30  }
0xba: {  	s0 =	sor.u32 s3, s0;
	s1 =	sshll.u32 s1, $0x11  }
0xbb: {  	s0 =	sor.u32 s1, s0  }
0xbc: {  	s0 =	sadd.s32 $0x8F2B, s0  }
0xbd: {  	[sflag:s0] =	ssyncadd.remote.s32 $0x1  }
0xbe: {  	_ =	sfence.sel $0xFFFF  }
0xbf: {  	[dreg:$0x0] =	wrdreg $0xFFFFFFFF;
	(pc) =	sbr.abs _section_cstart, $3  }
0xc0: {  	[dreg:$0x1] =	wrdreg $0xFFFFFFFF  }
0xc1: {  	_ =	task.clear_ibuf [dreg:s6], $0x2FFFF;
	_ =	strace $0x9FFFFFFF  }
0xc2: {  	(tm) =	ssettm $0x7FFFFFFF  }
0xc3: {  	_ =	shalt  }
tec
execute0_lowered:
.L_overlay_start_1:
0x0: {  	(tag) =	ssettag $0x1  }
0x1: {  	s0 =	rddreg [dreg:$0x0];
	s1 =	srdreg.scid  }
0x2: {  	s11 =	stileid.u32;
	s2 =	rddreg [dreg:$0x1]  }
0x3: {  	s3 =	simm.s32 $0x0;
	s28 =	simm.s32 $0x80;
	s29 =	simm.s32 $0x16A00  }
0x4: {  	s30 =	simm.s32 $0x2;
	s31 =	simm.s32 $0x1B200;
	s1 =	sand.u32 $0x1, s1  }
0x5: {  	s6 =	smul.u32 $0x16800, s11;
	[smem:$0x7FF] =	sst s3;
	s19 =	sshll.u32 s11, $0x5  }
0x6: {  	s21 =	sshll.u32 s11, $0x6;
	s25 =	sshll.u32 s11, $0x8;
	p0 =	sgt.u32 s11, $0x1  }
0x7: {  	s4 =	smul.u32 $0x168000, s1;
	_ =	strace $0x80000047;
	s8 =	ssub.s32 $0x2, s1  }
0x8: {  	s20 =	sshll.u32 s1, $0x4;
	s1 =	sshll.u32 s1, $0x7;
	s18 =	sshrl.u32 s8, $0x1  }
0x9: {  	s10 =	sadd.s32 s6, s2;
	s1 =	sor.u32 s1, s25;
	s25 =	simm.s32 $0x16980  }
0xa: {  	s5 =	sadd.s32 s6, s4;
	s4 =	sadd.s32 $0x15A00, s0;
	s9 =	ssub.s32 s8, s18  }
0xb: {  	s6 =	sshrl.u32 s6, $0x3;
	s8 =	sor.u32 $0x1C05, s21;
	s16 =	sor.u32 $0x2000, s1  }
0xc: {  	s26 =	sadd.s32 $0x50200, s1;
	s21 =	simm.s32 $0x5;
	s7 =	sshrl.u32 s5, $0x3  }
0xd: {  	s5 =	sadd.s32 $0x2000, s0;
	s6 =	sadd.s32 s4, s6;
	s15 =	smax.u32 s9, $0x1  }
0xe: {  	s0 =	sadd.s32 s7, s0;
	s7 =	sor.u32 s20, s19;
	[dreg:$0x3] =	wrdreg s6  }
0xf: {  	s6 =	sadd.s32 $0x51200, s1;
	s1 =	sor.u32 $0x3000, s1;
	s20 =	sshrl.u32 s10, $0x3  }
0x10: {  	s7 =	sadd.s32 s5, s7;
	s14 =	sadd.s32 $0x42A00, s0;
	s0 =	sshrl.u32 s26, $0x3  }
0x11: {  	s6 =	sshrl.u32 s6, $0x3;
	s1 =	sshrl.u32 s1, $0x3;
	s26 =	simm.s32 $0x1  }
0x12: {  	s22 =	sadd.s32 $0x9C40, s7;
	s23 =	sadd.s32 $0x200, s7;
	s24 =	sadd.s32 $0x9E40, s7  }
0x13: {  	s12 =	sadd.s32 $0x9C00, s7;
	s13 =	sadd.s32 $0x13840, s7;
	[dreg:$0x4] =	wrdreg s22  }
0x14: {  	s17 =	sadd.s32 s0, s5;
	s18 =	sadd.s32 s6, s5;
	[dreg:$0x5] =	wrdreg s23  }
0x15: {  	s19 =	sadd.s32 s1, s5;
	s1 =	simm.s32 $0x3;
	[dreg:$0x6] =	wrdreg s24  }
0x16: {  	s0 =	simm.s32 $0x4;
	s6 =	simm.s32 $0x0;
	[dreg:$0x7] =	wrdreg s12  }
0x17: {  	s22 =	simm.s32 $0x16800;
	s23 =	simm.s32 $0x16880;
	s24 =	simm.s32 $0x16900  }
.LBB2_1:
0x18: {  	s9 =	rddreg [dreg:$0x3]  }
0x19: {  	[spmem:s20], [sflag:s8] =	dma.local [hbm:s9], $0x2D00  }
0x1a: {  	_ =	swait.ge [sflag:s21], $0x2D00  }
0x1b: {  	[sflag:s21] =	ssyncset.done $0x0  }
0x1c: {  	[sflag:s21] =	ssyncadd.s32 $0xFFFFD300  }
0x1d: {  	[bflag:$0x0] =	sbarrier.arrive $0xFFFF  }
0x1e: {  	[tilespmem:s22], [sflag:$0x1] =	stream.linear.gather [hbm4b:s7+s3], $0x80, $0x38;
	[tilespmem:$0x1FA00] =	vst v63  }
0x1f: {  	s10 =	rddreg [dreg:$0x4]  }
0x20: {  	[tilespmem:s23], [sflag:$0x1] =	stream.linear.gather [hbm4b:s10+s3], $0x80, $0x38;
	[tilespmem:$0x1FA00] =	vst v63  }
0x21: {  	s11 =	rddreg [dreg:$0x5]  }
0x22: {  	[tilespmem:s24], [sflag:$0x2] =	stream.linear.gather [hbm4b:s11+s3], $0x80, $0x38;
	[tilespmem:$0x1FA00] =	vst v63  }
0x23: {  	s12 =	rddreg [dreg:$0x6]  }
0x24: {  	[tilespmem:s25], [sflag:$0x2] =	stream.linear.gather [hbm4b:s12+s3], $0x80, $0x38;
	[tilespmem:$0x1FA00] =	vst v63  }
0x25: {  	_ =	swait.ge [sflag:s26], $0x80  }
0x26: {  	[sflag:s26] =	ssyncset.done $0x0  }
0x27: {  	[sflag:s26] =	ssyncadd.s32 $0xFFFFFF80  }
0x28: {  	_ =	swait.ge [sflag:s26], $0x80  }
0x29: {  	[sflag:s26] =	ssyncset.done $0x0  }
0x2a: {  	[sflag:s26] =	ssyncadd.s32 $0xFFFFFF80  }
0x2b: {  	[tilespmem:s29], [sflag:$0x3] =	stream.indirect.gather [hbm4b:s4+s28], $0x90, s22, s28, $0xb8;
	[tilespmem:$0x1FA00] =	vst v63  }
0x2c: {  	_ =	swait.ge [sflag:s30], $0x80  }
0x2d: {  	[sflag:s30] =	ssyncset.done $0x0  }
0x2e: {  	[sflag:s30] =	ssyncadd.s32 $0xFFFFFF80  }
0x2f: {  	_ =	swait.ge [sflag:s30], $0x80  }
0x30: {  	[sflag:s30] =	ssyncset.done $0x0  }
0x31: {  	[sflag:s30] =	ssyncadd.s32 $0xFFFFFF80  }
0x32: {  	[tilespmem:s31], [sflag:$0x4] =	stream.indirect.gather [hbm4b:s4+s28], $0x90, s24, s28, $0xb8;
	[tilespmem:$0x1FA00] =	vst v63  }
0x33: {  	_ =	swait.ge [sflag:s1], $0x4800  }
0x34: {  	[sflag:s1] =	ssyncset.done $0x0  }
0x35: {  	[sflag:s1] =	ssyncadd.s32 $0xFFFFB800  }
0x36: {  	[spmem:s2] =	stream.indirect.scatter.add.f32 [tilespmem:s29], [sflag:$0x5], $0x90, s23, s28, $0xb8;
	[tilespmem:$0x1FA00] =	vst v63  }
0x37: {  	_ =	swait.ge [sflag:s21], $0x4800  }
0x38: {  	s10 =	sshrl.u32 s16, $0x3;
	[sflag:s21] =	ssyncset.done $0x0  }
0x39: {  	s9 =	sadd.s32 s5, s10;
	[sflag:s21] =	ssyncadd.s32 $0xFFFFB800  }
0x3a: {  	[tilespmem:s22], [sflag:$0x1] =	stream.linear.gather [hbm4b:s9+s3], $0x80, $0x38;
	[tilespmem:$0x1FA00] =	vst v63  }
0x3b: {  	s11 =	sadd.s32 $0x0, s17  }
0x3c: {  	[tilespmem:s23], [sflag:$0x1] =	stream.linear.gather [hbm4b:s11+s3], $0x80, $0x38;
	[tilespmem:$0x1FA00] =	vst v63  }
0x3d: {  	_ =	swait.ge [sflag:s0], $0x4800  }
0x3e: {  	[sflag:s0] =	ssyncset.done $0x0  }
0x3f: {  	[sflag:s0] =	ssyncadd.s32 $0xFFFFB800  }
0x40: {  	[spmem:s2] =	stream.indirect.scatter.add.f32 [tilespmem:s31], [sflag:$0x5], $0x90, s25, s28, $0xb8;
	[tilespmem:$0x1FA00] =	vst v63  }
0x41: {  	_ =	swait.ge [sflag:s21], $0x4800  }
0x42: {  	s10 =	sadd.s32 $0x2000, s16;
	s12 =	sadd.s32 $0x0, s19;
	[sflag:s21] =	ssyncset.done $0x0  }
0x43: {  	s9 =	simm.s32 $0x400;
	s11 =	sadd.s32 $0x0, s18;
	[sflag:s21] =	ssyncadd.s32 $0xFFFFB800  }
0x44: {  	[tilespmem:s24], [sflag:$0x2] =	stream.linear.gather [hbm4b:s12+s3], $0x80, $0x38;
	[tilespmem:$0x1FA00] =	vst v63  }
.LBB2_2:
0x45: {  	[tilespmem:s25], [sflag:$0x2] =	stream.linear.gather [hbm4b:s11+s3], $0x80, $0x38;
	[tilespmem:$0x1FA00] =	vst v63  }
0x46: {  	s11 =	smov.u32 s9  }
0x47: {  	p1 =	sne.s32 s9, $0x9400;
	s9 =	sadd.s32 $0x400, s9;
	_ =	swait.ge [sflag:s26], $0x80  }
0x48: {  	[sflag:s26] =	ssyncset.done $0x0  }
0x49: {  	[sflag:s26] =	ssyncadd.s32 $0xFFFFFF80  }
0x4a: {  	_ =	swait.ge [sflag:s26], $0x80  }
0x4b: {  	[sflag:s26] =	ssyncset.done $0x0  }
0x4c: {  	[sflag:s26] =	ssyncadd.s32 $0xFFFFFF80  }
0x4d: {  	[tilespmem:s29], [sflag:$0x3] =	stream.indirect.gather [hbm4b:s4+s28], $0x90, s22, s28, $0xb8;
	[tilespmem:$0x1FA00] =	vst v63  }
0x4e: {  	_ =	swait.ge [sflag:s30], $0x80  }
0x4f: {  	[sflag:s30] =	ssyncset.done $0x0  }
0x50: {  	[sflag:s30] =	ssyncadd.s32 $0xFFFFFF80  }
0x51: {  	_ =	swait.ge [sflag:s30], $0x80  }
0x52: {  	[sflag:s30] =	ssyncset.done $0x0  }
0x53: {  	[sflag:s30] =	ssyncadd.s32 $0xFFFFFF80  }
0x54: {  	[tilespmem:s31], [sflag:$0x4] =	stream.indirect.gather [hbm4b:s4+s28], $0x90, s24, s28, $0xb8;
	[tilespmem:$0x1FA00] =	vst v63  }
0x55: {  	_ =	swait.ge [sflag:s1], $0x4800  }
0x56: {  	[sflag:s1] =	ssyncset.done $0x0  }
0x57: {  	[sflag:s1] =	ssyncadd.s32 $0xFFFFB800  }
0x58: {  	[spmem:s2] =	stream.indirect.scatter.add.f32 [tilespmem:s29], [sflag:$0x5], $0x90, s23, s28, $0xb8;
	[tilespmem:$0x1FA00] =	vst v63  }
0x59: {  	_ =	swait.ge [sflag:s21], $0x4800  }
0x5a: {  	s12 =	sshrl.u32 s10, $0x3;
	[sflag:s21] =	ssyncset.done $0x0  }
0x5b: {  	s12 =	sadd.s32 s5, s12;
	[sflag:s21] =	ssyncadd.s32 $0xFFFFB800  }
0x5c: {  	[tilespmem:s22], [sflag:$0x1] =	stream.linear.gather [hbm4b:s12+s3], $0x80, $0x38;
	[tilespmem:$0x1FA00] =	vst v63  }
0x5d: {  	s12 =	sadd.s32 s11, s17  }
0x5e: {  	[tilespmem:s23], [sflag:$0x1] =	stream.linear.gather [hbm4b:s12+s3], $0x80, $0x38;
	[tilespmem:$0x1FA00] =	vst v63  }
0x5f: {  	_ =	swait.ge [sflag:s0], $0x4800  }
0x60: {  	[sflag:s0] =	ssyncset.done $0x0  }
0x61: {  	[sflag:s0] =	ssyncadd.s32 $0xFFFFB800  }
0x62: {  	[spmem:s2] =	stream.indirect.scatter.add.f32 [tilespmem:s31], [sflag:$0x5], $0x90, s25, s28, $0xb8;
	[tilespmem:$0x1FA00] =	vst v63  }
.Ltmp0:
0x63: {  	_ =	swait.ge [sflag:s21], $0x4800;
	(pc) =	sbr.rel @p1 .LBB2_2-.Ltmp0, $4  }
0x64: {  	[sflag:s21] =	ssyncset.done $0x0  }
0x65: {  	s12 =	sadd.s32 s11, s19;
	[sflag:s21] =	ssyncadd.s32 $0xFFFFB800  }
0x66: {  	[tilespmem:s24], [sflag:$0x2] =	stream.linear.gather [hbm4b:s12+s3], $0x80, $0x38;
	[tilespmem:$0x1FA00] =	vst v63  }
0x67: {  	s10 =	sadd.s32 $0x2000, s10;
	s11 =	sadd.s32 s11, s18  }
0x68: {  	[tilespmem:s25], [sflag:$0x2] =	stream.linear.gather [hbm4b:s11+s3], $0x80, $0x38;
	[tilespmem:$0x1FA00] =	vst v63  }
0x69: {  	_ =	swait.ge [sflag:s26], $0x80  }
0x6a: {  	[sflag:s26] =	ssyncset.done $0x0  }
0x6b: {  	[sflag:s26] =	ssyncadd.s32 $0xFFFFFF80  }
0x6c: {  	_ =	swait.ge [sflag:s26], $0x80  }
0x6d: {  	[sflag:s26] =	ssyncset.done $0x0  }
0x6e: {  	[sflag:s26] =	ssyncadd.s32 $0xFFFFFF80  }
0x6f: {  	[tilespmem:s29], [sflag:$0x3] =	stream.indirect.gather [hbm4b:s4+s28], $0x90, s22, s28, $0xb8;
	[tilespmem:$0x1FA00] =	vst v63  }
0x70: {  	_ =	swait.ge [sflag:s30], $0x80  }
0x71: {  	[sflag:s30] =	ssyncset.done $0x0  }
0x72: {  	[sflag:s30] =	ssyncadd.s32 $0xFFFFFF80  }
0x73: {  	_ =	swait.ge [sflag:s30], $0x80  }
0x74: {  	[sflag:s30] =	ssyncset.done $0x0  }
0x75: {  	[sflag:s30] =	ssyncadd.s32 $0xFFFFFF80  }
0x76: {  	[tilespmem:s31], [sflag:$0x4] =	stream.indirect.gather [hbm4b:s4+s28], $0x90, s24, s28, $0xb8;
	[tilespmem:$0x1FA00] =	vst v63  }
0x77: {  	_ =	swait.ge [sflag:s1], $0x4800  }
0x78: {  	[sflag:s1] =	ssyncset.done $0x0  }
0x79: {  	[sflag:s1] =	ssyncadd.s32 $0xFFFFB800  }
0x7a: {  	[spmem:s2] =	stream.indirect.scatter.add.f32 [tilespmem:s29], [sflag:$0x5], $0x90, s23, s28, $0xb8;
	[tilespmem:$0x1FA00] =	vst v63  }
0x7b: {  	_ =	swait.ge [sflag:s21], $0x4800  }
0x7c: {  	[sflag:s21] =	ssyncset.done $0x0  }
0x7d: {  	[sflag:s21] =	ssyncadd.s32 $0xFFFFB800  }
0x7e: {  	_ =	swait.ge [sflag:s0], $0x4800  }
0x7f: {  	[sflag:s0] =	ssyncset.done $0x0  }
0x80: {  	[sflag:s0] =	ssyncadd.s32 $0xFFFFB800  }
0x81: {  	[spmem:s2] =	stream.indirect.scatter.add.f32 [tilespmem:s31], [sflag:$0x5], $0x90, s25, s28, $0xb8;
	[tilespmem:$0x1FA00] =	vst v63  }
0x82: {  	_ =	swait.ge [sflag:s21], $0x4800  }
0x83: {  	s9 =	simm.s32 @!p0 $0x0;
	[sflag:s21] =	ssyncset.done $0x0  }
0x84: {  	s10 =	simm.s32 @!p0 $0x16800;
	s11 =	rddreg [dreg:$0x7];
	[sflag:s21] =	ssyncadd.s32 $0xFFFFB800  }
0x85: {  	[tilespmem:s10], [sflag:$0x1] =	stream.linear.gather @!p0 [hbm4b:s11+s9], $0x80, $0x38;
	[tilespmem:$0x1FA00] =	vst v63  }
0x86: {  	s11 =	simm.s32 @!p0 $0x16880  }
0x87: {  	[tilespmem:s11], [sflag:$0x1] =	stream.linear.gather @!p0 [hbm4b:s13+s9], $0x80, $0x38;
	[tilespmem:$0x1FA00] =	vst v63  }
0x88: {  	s9 =	simm.s32 @!p0 $0x1  }
0x89: {  	_ =	swait.ge @!p0 [sflag:s9], $0x80  }
0x8a: {  	[sflag:s9] =	ssyncset.done @!p0 $0x0  }
0x8b: {  	[sflag:s9] =	ssyncadd.s32 @!p0 $0xFFFFFF80  }
0x8c: {  	_ =	swait.ge @!p0 [sflag:s9], $0x80  }
0x8d: {  	[sflag:s9] =	ssyncset.done @!p0 $0x0  }
0x8e: {  	s12 =	simm.s32 @!p0 $0x16A00;
	[sflag:s9] =	ssyncadd.s32 @!p0 $0xFFFFFF80;
	s9 =	simm.s32 @!p0 $0x80  }
0x8f: {  	[tilespmem:s12], [sflag:$0x3] =	stream.indirect.gather @!p0 [hbm4b:s4+s9], $0x90, s10, s9, $0xb8;
	[tilespmem:$0x1FA00] =	vst v63  }
0x90: {  	s10 =	simm.s32 @!p0 $0x3  }
0x91: {  	_ =	swait.ge @!p0 [sflag:s10], $0x4800  }
0x92: {  	[sflag:s10] =	ssyncset.done @!p0 $0x0  }
0x93: {  	[sflag:s10] =	ssyncadd.s32 @!p0 $0xFFFFB800  }
0x94: {  	[spmem:s2] =	stream.indirect.scatter.add.f32 @!p0 [tilespmem:s12], [sflag:$0x5], $0x90, s11, s9, $0xb8;
	[tilespmem:$0x1FA00] =	vst v63  }
0x95: {  	s9 =	simm.s32 @!p0 $0x5  }
0x96: {  	_ =	swait.ge @!p0 [sflag:s9], $0x4800  }
0x97: {  	s6 =	sadd.s32 $0x1, s6;
	[sflag:s9] =	ssyncset.done @!p0 $0x0  }
0x98: {  	p1 =	sne.s32 s6, s15;
	[sflag:s9] =	ssyncadd.s32 @!p0 $0xFFFFB800  }
.Ltmp1:
0x99: {  	[bflag:$0x0] =	sbarrier.arrive $0xFFFF;
	(pc) =	sbr.rel @p1 .LBB2_1-.Ltmp1, $4  }
0x9a: {  	[hbm:s14], [sflag:s8] =	dma.local [spmem:s20], $0x2D00  }
0x9b: {  	_ =	swait.ge [sflag:s21], $0x2D00  }
0x9c: {  	[sflag:s21] =	ssyncset.done $0x0  }
0x9d: {  	[sflag:s21] =	ssyncadd.s32 $0xFFFFD300  }
0x9e: {  	_ =	sfence.sel $0x180000  }
0x9f: {  	[bflag:$0x0] =	sbarrier.arrive $0xFFFF  }
0xa0: {  	_ =	strace $0x90000047  }
0xa1: {  	s0 =	stileid.u32;
	[bflag:$0x2] =	sbarrier.arrive $0xFFFF  }
0xa2: {  	p0 =	sne.s32 s0, $0x0;
	s0 =	rddreg [dreg:$0x2]  }
0xa3: {  	s0 =	sadd.s32 @!p0 $0x100000, s0  }
0xa4: {  	[sflag:s0] =	ssyncadd.tile.s32 @!p0 $0x1;
	_ =	shalt  }
.Lfunc_end2:
_tile_overlayer_lowered:
.L_overlay_start_2:
0xa5: {  	(tag) =	ssettag $0x2  }
0xa6: {  	s0 =	rddreg [dreg:$0x0];
	s2 =	stileid.u32  }
0xa7: {  	s1 =	rddreg [dreg:$0x1];
	p0 =	sne.s32 s2, $0x0  }
0xa8: {  	s3 =	rddreg [dreg:$0x2];
	[bflag:$0x3] =	sbarrier.arrive $0xFFFF;
	s2 =	simm.s32 @!p0 $0x1C05  }
0xa9: {  	[timem:s3], [sflag:s2] =	dma.local @!p0 [hbm:s0], s1  }
0xaa: {  	s0 =	simm.s32 @!p0 $0x5  }
0xab: {  	_ =	swait.ge @!p0 [sflag:s0], s1  }
0xac: {  	s1 =	ssub.s32 @!p0 $0x0, s1;
	[sflag:s0] =	ssyncset.done @!p0 $0x0  }
0xad: {  	[sflag:s0] =	ssyncadd.s32 @!p0 s1  }
0xae: {  	[bflag:$0x3] =	sbarrier.arrive $0xFFFF  }
0xaf: {  	_ =	shalt  }

</sc_bundles>
